<compile_context>
chip_gen: v7x
topology: tpu7x:2x2x1
jax: 0.10.2.dev20260603
libtpu: 0.0.44.dev20260713+nightly
codegen_flags: <defaults>
</compile_context>

<pallas_src>
import functools

import jax
import jax.numpy as jnp
from jax import lax
from jax.experimental import pallas as pl
from jax.experimental.pallas import tpu as pltpu
from jax.experimental.pallas import tpu_sc as plsc

E = 64
TOPK = 2
H = 768
I_EXP = 256
I_SH = 1536
T = 2048
CAP = 256
NSLOT = E * CAP
TRASH = NSLOT
IDXBUF = NSLOT + 16

NC, NS = 2, 16
NW = NC * NS


def _sigmoid(x):
    return 1.0 / (1.0 + jnp.exp(-x))


def _silu(x):
    return x * _sigmoid(x)


def _router_body(x_ref, gw_ref, logits_ref, ds_ref, dg_ref, w_ref, c_ref, oh_ref):
    x = x_ref[...]
    gw = gw_ref[...]
    logits = lax.dot_general(x, gw, (((1,), (1,)), ((), ())),
                             preferred_element_type=jnp.float32)
    logits_ref[...] = logits
    m = jnp.max(logits, axis=1, keepdims=True)
    ex = jnp.exp(logits - m)
    rw = ex / jnp.sum(ex, axis=1, keepdims=True)

    ii = lax.broadcasted_iota(jnp.int32, (T, E), 1)
    m1 = jnp.max(rw, axis=1, keepdims=True)
    a1 = jnp.min(jnp.where(rw == m1, ii, E), axis=1, keepdims=True)
    rw2 = jnp.where(ii == a1, -1.0, rw)
    m2 = jnp.max(rw2, axis=1, keepdims=True)
    a2 = jnp.min(jnp.where(rw2 == m2, ii, E), axis=1, keepdims=True)

    denom = jnp.maximum(m1 + m2, 1e-6)
    w0 = m1 / denom
    w1 = m2 / denom

    oh1 = (ii == a1).astype(jnp.float32)
    oh2 = (ii == a2).astype(jnp.float32)
    oh_ref[...] = oh1 + oh2

    r = lax.broadcasted_iota(jnp.int32, (256, 256), 0)
    c = lax.broadcasted_iota(jnp.int32, (256, 256), 1)
    tri = (c < r).astype(jnp.float32)

    def blk(i, carry):
        ohb = oh_ref[pl.ds(i * 256, 256), :]
        cb = lax.dot_general(tri, ohb, (((1,), (0,)), ((), ())),
                             preferred_element_type=jnp.float32)
        c_ref[pl.ds(i * 256, 256), :] = cb + carry
        return carry + jnp.sum(ohb, axis=0, keepdims=True)

    lax.fori_loop(0, 8, blk, jnp.zeros((1, E), jnp.float32))

    cexcl = c_ref[...]
    pos0 = jnp.sum(cexcl * oh1, axis=1, keepdims=True).astype(jnp.int32)
    pos1 = jnp.sum(cexcl * oh2, axis=1, keepdims=True).astype(jnp.int32)

    d0 = a1 * CAP + pos0
    d1 = a2 * CAP + pos1
    v0 = pos0 < CAP
    v1 = pos1 < CAP
    ds_ref[...] = jnp.concatenate(
        [jnp.where(v0, d0, TRASH), jnp.where(v1, d1, TRASH)], axis=1)
    dg_ref[...] = jnp.concatenate(
        [jnp.where(v0, d0, 0), jnp.where(v1, d1, 0)], axis=1)
    w_ref[...] = jnp.concatenate(
        [jnp.where(v0, w0, 0.0), jnp.where(v1, w1, 0.0)], axis=1)


def _router(x, gate_w):
    return pl.pallas_call(
        _router_body,
        out_shape=(
            jax.ShapeDtypeStruct((T, E), jnp.float32),
            jax.ShapeDtypeStruct((T, TOPK), jnp.int32),
            jax.ShapeDtypeStruct((T, TOPK), jnp.int32),
            jax.ShapeDtypeStruct((T, TOPK), jnp.float32),
        ),
        scratch_shapes=[pltpu.VMEM((T, E), jnp.float32),
                        pltpu.VMEM((T, E), jnp.float32)],
    )(x, gate_w)


def _scatter_body(ds_hbm, init_hbm, out_hbm, idxv, dstv, sem):
    ci = lax.axis_index("c")
    si = lax.axis_index("s")

    @pl.when(jnp.logical_and(ci == 0, si == 0))
    def _():
        pltpu.sync_copy(init_hbm, idxv)
        pltpu.sync_copy(ds_hbm, dstv)
        lanes = lax.iota(jnp.int32, 16)

        def step(j, _):
            idx = dstv[pl.ds(j * 16, 16)]
            tok = (j * 16 + lanes) >> 1
            plsc.store_scatter(idxv, [idx], tok)
            return 0

        lax.fori_loop(0, (T * TOPK) // 16, step, 0)
        pltpu.sync_copy(idxv, out_hbm)


def _scatter(ds_flat, idx_init):
    k = functools.partial(
        pl.kernel,
        out_type=jax.ShapeDtypeStruct((IDXBUF,), jnp.int32),
        mesh=plsc.VectorSubcoreMesh(core_axis_name="c", subcore_axis_name="s"),
        scratch_types=[
            pltpu.VMEM((IDXBUF,), jnp.int32),
            pltpu.VMEM((T * TOPK,), jnp.int32),
            pltpu.SemaphoreType.DMA,
        ],
        compiler_params=pltpu.CompilerParams(needs_layout_passes=False),
    )(_scatter_body)
    return k(ds_flat, idx_init)


def _gather_rows_body(idx_hbm, tab_hbm, out_hbm, idxv, rows, sem, *,
                      nrows, chunk, idx_off):
    ci = lax.axis_index("c")
    si = lax.axis_index("s")
    wid = si * NC + ci
    per_w = nrows // NW
    base = wid * per_w

    def step(ch, _):
        off = base + ch * chunk
        pltpu.sync_copy(idx_hbm.at[pl.ds(idx_off + off, chunk)], idxv)
        pltpu.async_copy(tab_hbm.at[idxv], rows, sem).wait()
        pltpu.sync_copy(rows, out_hbm.at[pl.ds(off, chunk)])
        return 0

    lax.fori_loop(0, per_w // chunk, step, 0)


def _gather_rows(idx, table, nrows, chunk=128, idx_off=0):
    dtype = table.dtype
    width = table.shape[1]
    body = functools.partial(_gather_rows_body, nrows=nrows, chunk=chunk,
                             idx_off=idx_off)
    k = functools.partial(
        pl.kernel,
        out_type=jax.ShapeDtypeStruct((nrows, width), dtype),
        mesh=plsc.VectorSubcoreMesh(core_axis_name="c", subcore_axis_name="s"),
        scratch_types=[
            pltpu.VMEM((chunk,), jnp.int32),
            pltpu.VMEM((chunk, width), dtype),
            pltpu.SemaphoreType.DMA,
        ],
    )(body)
    return k(idx, table)


GROUPS = (8, 16, 20, 20)
GSTART = (0, 8, 24, 44)


def _experts_body(xg_ref, eg_ref, eu_ref, ed_ref, *rest):
    out_ref = rest[-1]
    v = xg_ref[...]
    lo = lax.bitcast_convert_type(v << 16, jnp.float32)
    hi = lax.bitcast_convert_type(v & jnp.int32(-65536), jnp.float32)
    cur = jnp.concatenate([lo, hi], axis=1)
    g = lax.dot_general(cur, eg_ref[0], (((1,), (1,)), ((), ())),
                        preferred_element_type=jnp.float32)
    u = lax.dot_general(cur, eu_ref[0], (((1,), (1,)), ((), ())),
                        preferred_element_type=jnp.float32)
    h = _silu(g) * u
    out = lax.dot_general(h, ed_ref[0], (((1,), (1,)), ((), ())),
                          preferred_element_type=jnp.float32)
    bits = lax.bitcast_convert_type(out, jnp.int32) + jnp.int32(0x8000)
    lo = (bits[:, :H // 2] >> 16) & jnp.int32(0xFFFF)
    hi = bits[:, H // 2:] & jnp.int32(-65536)
    out_ref[...] = lo | hi


def _experts_group(xg_g, eg, eu, ed, prev, g):
    g0 = GSTART[g]
    in_specs = [
        pl.BlockSpec((CAP, H // 2), lambda e: (e, 0)),
        pl.BlockSpec((1, I_EXP, H), lambda e: (g0 + e, 0, 0)),
        pl.BlockSpec((1, I_EXP, H), lambda e: (g0 + e, 0, 0)),
        pl.BlockSpec((1, H, I_EXP), lambda e: (g0 + e, 0, 0)),
    ]
    args = [xg_g, eg, eu, ed]
    aliases = {}
    if prev is not None:
        in_specs.append(pl.BlockSpec(memory_space=pltpu.MemorySpace.HBM))
        args.append(prev)
        aliases = {4: 0}
    return pl.pallas_call(
        _experts_body,
        grid=(GROUPS[g],),
        in_specs=in_specs,
        out_specs=pl.BlockSpec((CAP, H // 2), lambda e: (g0 + e, 0)),
        out_shape=jax.ShapeDtypeStruct((NSLOT, H // 2), jnp.int32),
        input_output_aliases=aliases,
    )(*args)


def _final_body(x_ref, m0_ref, m1_ref, w_ref, sg_ref, su_ref, sd_ref, seg_ref,
                out_ref):
    xb = x_ref[...]
    wv = w_ref[...]

    def unpack(v):
        lo = lax.bitcast_convert_type(v << 16, jnp.float32)
        hi = lax.bitcast_convert_type(v & jnp.int32(-65536), jnp.float32)
        return jnp.concatenate([lo, hi], axis=1)

    moe_sum = (unpack(m0_ref[...]) * wv[:, 0:1] +
               unpack(m1_ref[...]) * wv[:, 1:2])

    g = lax.dot_general(xb, sg_ref[...], (((1,), (1,)), ((), ())),
                        preferred_element_type=jnp.float32)
    u = lax.dot_general(xb, su_ref[...], (((1,), (1,)), ((), ())),
                        preferred_element_type=jnp.float32)
    s = lax.dot_general(_silu(g) * u, sd_ref[...], (((1,), (1,)), ((), ())),
                        preferred_element_type=jnp.float32)
    gate = _sigmoid(lax.dot_general(xb, seg_ref[...], (((1,), (1,)), ((), ())),
                                    preferred_element_type=jnp.float32))
    out_ref[...] = moe_sum + gate * s


def _final(x, moe, w01, sgw, suw, sdw, segw):
    nblk = T // 256
    return pl.pallas_call(
        _final_body,
        grid=(nblk,),
        in_specs=[
            pl.BlockSpec((256, H), lambda i: (i, 0)),
            pl.BlockSpec((256, H // 2), lambda i: (i, 0)),
            pl.BlockSpec((256, H // 2), lambda i: (i + nblk, 0)),
            pl.BlockSpec((256, TOPK), lambda i: (i, 0)),
            pl.BlockSpec((I_SH, H), lambda i: (0, 0)),
            pl.BlockSpec((I_SH, H), lambda i: (0, 0)),
            pl.BlockSpec((H, I_SH), lambda i: (0, 0)),
            pl.BlockSpec((1, H), lambda i: (0, 0)),
        ],
        out_specs=pl.BlockSpec((256, H), lambda i: (i, 0)),
        out_shape=jax.ShapeDtypeStruct((T, H), jnp.float32),
    )(x, moe, moe, w01, sgw, suw, sdw, segw)


def kernel(hidden_states, gate_w, expert_gate_w, expert_up_w, expert_down_w,
           shared_gate_w, shared_up_w, shared_down_w, shared_expert_gate_w):
    Bsz, Sl, Hd = hidden_states.shape
    x = hidden_states.reshape(T, H)

    logits, d_s, d_g, w01 = _router(x, gate_w)

    idx_init = lax.iota(jnp.int32, IDXBUF) % T
    idxbuf = _scatter(d_s.reshape(T * TOPK), idx_init)
    outbuf = None
    xgs = []
    xb16 = x.astype(jnp.bfloat16)
    x16 = lax.bitcast_convert_type(
        jnp.stack([xb16[:, :H // 2], xb16[:, H // 2:]], axis=-1), jnp.int32)
    for g in range(len(GROUPS)):
        nrows = GROUPS[g] * CAP
        per_w = nrows // NW
        chunk = per_w if per_w <= 128 else per_w // ((per_w + 127) // 128)
        xgs.append(_gather_rows(idxbuf, x16, nrows, chunk=chunk,
                                idx_off=GSTART[g] * CAP))
    for g in range(len(GROUPS)):
        outbuf = _experts_group(xgs[g], expert_gate_w, expert_up_w,
                                expert_down_w, outbuf, g)
    moe = _gather_rows(d_g.T.reshape(T * TOPK), outbuf, T * TOPK)

    final = _final(x, moe, w01,
                   shared_gate_w, shared_up_w, shared_down_w,
                   shared_expert_gate_w)
    return final.reshape(Bsz, Sl, Hd), logits

# --- scband reference (transcript-rebuilt; emitter-appended) ---
"""Pipeline reference for scband-time-moe-sparse-experts-layer-13580686590208 (READ-ONLY COPY).

The authoritative reference and input builder live on the scoring server;
editing this copy changes nothing except your own understanding.
"""

import jax, jax.numpy as jnp
import numpy as np

E = 64
TOPK = 2
H = 768
I_EXP = 256
I_SH = 1536
B = 1
S = 2048
T = B * S
CAP = 256  # expert capacity; mean tokens/expert = T*TOPK/E = 64


def setup_inputs(seed: int = 0) -> dict:
    key = jax.random.key(seed)
    ks = jax.random.split(key, 9)
    def w(k, shape):
        return jax.random.normal(k, shape, dtype=jnp.float32) * 0.02
    return {
        "hidden_states": jax.random.normal(ks[0], (B, S, H), dtype=jnp.float32),
        "gate_w": w(ks[1], (E, H)),
        "expert_gate_w": w(ks[2], (E, I_EXP, H)),
        "expert_up_w": w(ks[3], (E, I_EXP, H)),
        "expert_down_w": w(ks[4], (E, H, I_EXP)),
        "shared_gate_w": w(ks[5], (I_SH, H)),
        "shared_up_w": w(ks[6], (I_SH, H)),
        "shared_down_w": w(ks[7], (H, I_SH)),
        "shared_expert_gate_w": w(ks[8], (1, H)),
    }


def reference(hidden_states, gate_w, expert_gate_w, expert_up_w, expert_down_w,
              shared_gate_w, shared_up_w, shared_down_w, shared_expert_gate_w):
    Bsz, Sl, Hd = hidden_states.shape
    x = hidden_states.reshape(-1, Hd)
    n_tok = x.shape[0]
    router_logits = x @ gate_w.T
    routing_weights = jax.nn.softmax(router_logits.astype(jnp.float32), axis=1)
    rw_topk, selected = jax.lax.top_k(routing_weights, TOPK)
    # norm_topk_prob
    rw_topk = rw_topk / jnp.maximum(rw_topk.sum(axis=-1, keepdims=True), 1e-6)
    rw_topk = rw_topk.astype(x.dtype)
    # padded buffers: row n_tok is a dummy slot for capacity padding
    x_pad = jnp.concatenate([x, jnp.zeros((1, Hd), x.dtype)], axis=0)
    final_pad = jnp.zeros_like(x_pad)
    for e in range(E):
        mask = (selected == e)  # [T, TOPK]
        token_w = (rw_topk * mask.astype(rw_topk.dtype)).sum(axis=-1)  # [T]
        token_w_pad = jnp.concatenate([token_w, jnp.zeros((1,), token_w.dtype)])
        idx = jnp.nonzero(mask.any(axis=-1), size=CAP, fill_value=n_tok)[0]  # [CAP]
        cur = x_pad[idx]  # gather
        g = jax.nn.silu(cur @ expert_gate_w[e].T)
        u = cur @ expert_up_w[e].T
        out = (g * u) @ expert_down_w[e].T
        out = out * token_w_pad[idx][:, None]
        final_pad = final_pad.at[idx].add(out)  # scatter-add
    final = final_pad[:n_tok]
    shared = (jax.nn.silu(x @ shared_gate_w.T) * (x @ shared_up_w.T)) @ shared_down_w.T
    shared_g = jax.nn.sigmoid(x @ shared_expert_gate_w.T)
    final = final + shared_g * shared
    return final.reshape(Bsz, Sl, Hd), router_logits

if __name__ == "__main__":
    import jax
    _d = setup_inputs()
    print(jax.jit(kernel)(*tuple(_d.values())))

</pallas_src>

<mosaic_0001>
#map = affine_map<(d0, d1) -> (0)>
#map1 = affine_map<(d0, d1) -> (0, 0)>
module attributes {stable_mosaic.version = 14 : i64} {
  func.func @_gather_rows_body(%arg0: i32, %arg1: i32, %arg2: memref<16400xi32, #tpu.memory_space<hbm>>, %arg3: memref<2048x384xi32, #tpu.memory_space<hbm>>, %arg4: memref<4096x384xi32, #tpu.memory_space<hbm>>, %arg5: memref<128xi32, #tpu.memory_space<vmem>>, %arg6: memref<128x384xi32, #tpu.memory_space<vmem>>, %arg7: memref<!tpu.dma_semaphore, #tpu.memory_space<semaphore_mem>>) attributes {dimension_semantics = [#tpu.dimension_semantics<core_parallel>, #tpu.dimension_semantics<subcore_parallel>], iteration_bounds = array<i64: 2, 16>, scalar_prefetch = 0 : i64, scratch_operands = 3 : i64, tpu.core_type = #tpu.core_type<sc_vector_subcore>, window_params = [{transform_indices = #map}, {transform_indices = #map1}, {transform_indices = #map1}]} {
    %mul3A = arith.constant 2 : i32
    %mul3A_0 = arith.muli %arg1, %mul3A : i32
    %add3A = arith.addi %mul3A_0, %arg0 : i32
    %mul3A_1 = arith.constant 128 : i32
    %mul3A_2 = arith.muli %add3A, %mul3A_1 : i32
    %scan3A = arith.constant 0 : i32
    %scan3A_3 = arith.constant 0 : i32
    %mul3A_4 = arith.constant 128 : i32
    %mul3A_5 = arith.muli %scan3A_3, %mul3A_4 : i32
    %add3A_6 = arith.addi %mul3A_2, %mul3A_5 : i32
    %add3A_7 = arith.constant 2048 : i32
    %add3A_8 = arith.addi %add3A_7, %add3A_6 : i32
    "tpu.region"() ({
      %run_scoped3A = tpu.sem_alloc : memref<!tpu.dma_semaphore, #tpu.memory_space<semaphore_mem>>
      %dma_start3A_15 = tpu.memref_slice %arg2[%add3A_8] : memref<16400xi32, #tpu.memory_space<hbm>> -> memref<128xi32, #tpu.memory_space<hbm>>
      %dma_start3A_16 = tpu.memref_slice %arg2[%add3A_8] : memref<16400xi32, #tpu.memory_space<hbm>> -> memref<128xi32, #tpu.memory_space<hbm>>
      tpu.enqueue_dma source(%dma_start3A_16 : memref<128xi32, #tpu.memory_space<hbm>>) target(%arg5 : memref<128xi32, #tpu.memory_space<vmem>>) target_semaphore(%run_scoped3A : memref<!tpu.dma_semaphore, #tpu.memory_space<semaphore_mem>>)
      %dma_wait3A_17 = tpu.memref_slice %arg2[%add3A_8] : memref<16400xi32, #tpu.memory_space<hbm>> -> memref<128xi32, #tpu.memory_space<hbm>>
      %dma_wait3A_18 = tpu.memref_slice %arg2[%add3A_8] : memref<16400xi32, #tpu.memory_space<hbm>> -> memref<128xi32, #tpu.memory_space<hbm>>
      tpu.wait_dma2 semaphore(%run_scoped3A : memref<!tpu.dma_semaphore, #tpu.memory_space<semaphore_mem>>) src(%dma_wait3A_18 : memref<128xi32, #tpu.memory_space<hbm>>) dst(%arg5 : memref<128xi32, #tpu.memory_space<vmem>>)
      tpu.yield
    }) : () -> ()
    %dma_start3A = arith.constant 0 : i32
    %dma_start3A_9 = arith.constant 0 : i32
    %dma_start3A_10 = tpu.memref_slice %arg3[%dma_start3A, %dma_start3A_9] : memref<2048x384xi32, #tpu.memory_space<hbm>> -> memref<2048x384xi32, #tpu.memory_space<hbm>>
    tpu.enqueue_indirect_dma source(%dma_start3A_10 : memref<2048x384xi32, #tpu.memory_space<hbm>>) target(%arg6 : memref<128x384xi32, #tpu.memory_space<vmem>>) offsets(%arg5 : memref<128xi32, #tpu.memory_space<vmem>>) semaphore(%arg7 : memref<!tpu.dma_semaphore, #tpu.memory_space<semaphore_mem>>)
    %dma_wait3A = arith.constant 0 : i32
    %dma_wait3A_11 = arith.constant 0 : i32
    %dma_wait3A_12 = tpu.memref_slice %arg3[%dma_wait3A, %dma_wait3A_11] : memref<2048x384xi32, #tpu.memory_space<hbm>> -> memref<2048x384xi32, #tpu.memory_space<hbm>>
    tpu.wait_indirect_dma semaphore(%arg7 : memref<!tpu.dma_semaphore, #tpu.memory_space<semaphore_mem>>) src(%dma_wait3A_12 : memref<2048x384xi32, #tpu.memory_space<hbm>>) dst(%arg6 : memref<128x384xi32, #tpu.memory_space<vmem>>)
    "tpu.region"() ({
      %run_scoped3A = tpu.sem_alloc : memref<!tpu.dma_semaphore, #tpu.memory_space<semaphore_mem>>
      %dma_start3A_15 = arith.constant 0 : i32
      %dma_start3A_16 = tpu.memref_slice %arg4[%add3A_6, %dma_start3A_15] : memref<4096x384xi32, #tpu.memory_space<hbm>> -> memref<128x384xi32, #tpu.memory_space<hbm>>
      %dma_start3A_17 = arith.constant 0 : i32
      %dma_start3A_18 = tpu.memref_slice %arg4[%add3A_6, %dma_start3A_17] : memref<4096x384xi32, #tpu.memory_space<hbm>> -> memref<128x384xi32, #tpu.memory_space<hbm>>
      tpu.enqueue_dma source(%arg6 : memref<128x384xi32, #tpu.memory_space<vmem>>) target(%dma_start3A_18 : memref<128x384xi32, #tpu.memory_space<hbm>>) target_semaphore(%run_scoped3A : memref<!tpu.dma_semaphore, #tpu.memory_space<semaphore_mem>>)
      %dma_wait3A_19 = arith.constant 0 : i32
      %dma_wait3A_20 = tpu.memref_slice %arg4[%add3A_6, %dma_wait3A_19] : memref<4096x384xi32, #tpu.memory_space<hbm>> -> memref<128x384xi32, #tpu.memory_space<hbm>>
      %dma_wait3A_21 = arith.constant 0 : i32
      %dma_wait3A_22 = tpu.memref_slice %arg4[%add3A_6, %dma_wait3A_21] : memref<4096x384xi32, #tpu.memory_space<hbm>> -> memref<128x384xi32, #tpu.memory_space<hbm>>
      tpu.wait_dma2 semaphore(%run_scoped3A : memref<!tpu.dma_semaphore, #tpu.memory_space<semaphore_mem>>) src(%arg6 : memref<128x384xi32, #tpu.memory_space<vmem>>) dst(%dma_wait3A_22 : memref<128x384xi32, #tpu.memory_space<hbm>>)
      tpu.yield
    }) : () -> ()
    %scan3A_13 = arith.constant 0 : i32
    %scan3A_14 = arith.constant 1 : i32
    return
  }
}

#map = affine_map<(d0, d1) -> (0)>
#map1 = affine_map<(d0, d1) -> (0, 0)>
module attributes {stable_mosaic.version = 14 : i64} {
  func.func @_gather_rows_body(%arg0: i32, %arg1: i32, %arg2: memref<16400xi32, #tpu.memory_space<hbm>>, %arg3: memref<2048x384xi32, #tpu.memory_space<hbm>>, %arg4: memref<2048x384xi32, #tpu.memory_space<hbm>>, %arg5: memref<64xi32, #tpu.memory_space<vmem>>, %arg6: memref<64x384xi32, #tpu.memory_space<vmem>>, %arg7: memref<!tpu.dma_semaphore, #tpu.memory_space<semaphore_mem>>) attributes {dimension_semantics = [#tpu.dimension_semantics<core_parallel>, #tpu.dimension_semantics<subcore_parallel>], iteration_bounds = array<i64: 2, 16>, scalar_prefetch = 0 : i64, scratch_operands = 3 : i64, tpu.core_type = #tpu.core_type<sc_vector_subcore>, window_params = [{transform_indices = #map}, {transform_indices = #map1}, {transform_indices = #map1}]} {
    %mul3A = arith.constant 2 : i32
    %mul3A_0 = arith.muli %arg1, %mul3A : i32
    %add3A = arith.addi %mul3A_0, %arg0 : i32
    %mul3A_1 = arith.constant 64 : i32
    %mul3A_2 = arith.muli %add3A, %mul3A_1 : i32
    %scan3A = arith.constant 0 : i32
    %scan3A_3 = arith.constant 0 : i32
    %mul3A_4 = arith.constant 64 : i32
    %mul3A_5 = arith.muli %scan3A_3, %mul3A_4 : i32
    %add3A_6 = arith.addi %mul3A_2, %mul3A_5 : i32
    %add3A_7 = arith.constant 0 : i32
    %add3A_8 = arith.addi %add3A_7, %add3A_6 : i32
    "tpu.region"() ({
      %run_scoped3A = tpu.sem_alloc : memref<!tpu.dma_semaphore, #tpu.memory_space<semaphore_mem>>
      %dma_start3A_15 = tpu.memref_slice %arg2[%add3A_8] : memref<16400xi32, #tpu.memory_space<hbm>> -> memref<64xi32, #tpu.memory_space<hbm>>
      %dma_start3A_16 = tpu.memref_slice %arg2[%add3A_8] : memref<16400xi32, #tpu.memory_space<hbm>> -> memref<64xi32, #tpu.memory_space<hbm>>
      tpu.enqueue_dma source(%dma_start3A_16 : memref<64xi32, #tpu.memory_space<hbm>>) target(%arg5 : memref<64xi32, #tpu.memory_space<vmem>>) target_semaphore(%run_scoped3A : memref<!tpu.dma_semaphore, #tpu.memory_space<semaphore_mem>>)
      %dma_wait3A_17 = tpu.memref_slice %arg2[%add3A_8] : memref<16400xi32, #tpu.memory_space<hbm>> -> memref<64xi32, #tpu.memory_space<hbm>>
      %dma_wait3A_18 = tpu.memref_slice %arg2[%add3A_8] : memref<16400xi32, #tpu.memory_space<hbm>> -> memref<64xi32, #tpu.memory_space<hbm>>
      tpu.wait_dma2 semaphore(%run_scoped3A : memref<!tpu.dma_semaphore, #tpu.memory_space<semaphore_mem>>) src(%dma_wait3A_18 : memref<64xi32, #tpu.memory_space<hbm>>) dst(%arg5 : memref<64xi32, #tpu.memory_space<vmem>>)
      tpu.yield
    }) : () -> ()
    %dma_start3A = arith.constant 0 : i32
    %dma_start3A_9 = arith.constant 0 : i32
    %dma_start3A_10 = tpu.memref_slice %arg3[%dma_start3A, %dma_start3A_9] : memref<2048x384xi32, #tpu.memory_space<hbm>> -> memref<2048x384xi32, #tpu.memory_space<hbm>>
    tpu.enqueue_indirect_dma source(%dma_start3A_10 : memref<2048x384xi32, #tpu.memory_space<hbm>>) target(%arg6 : memref<64x384xi32, #tpu.memory_space<vmem>>) offsets(%arg5 : memref<64xi32, #tpu.memory_space<vmem>>) semaphore(%arg7 : memref<!tpu.dma_semaphore, #tpu.memory_space<semaphore_mem>>)
    %dma_wait3A = arith.constant 0 : i32
    %dma_wait3A_11 = arith.constant 0 : i32
    %dma_wait3A_12 = tpu.memref_slice %arg3[%dma_wait3A, %dma_wait3A_11] : memref<2048x384xi32, #tpu.memory_space<hbm>> -> memref<2048x384xi32, #tpu.memory_space<hbm>>
    tpu.wait_indirect_dma semaphore(%arg7 : memref<!tpu.dma_semaphore, #tpu.memory_space<semaphore_mem>>) src(%dma_wait3A_12 : memref<2048x384xi32, #tpu.memory_space<hbm>>) dst(%arg6 : memref<64x384xi32, #tpu.memory_space<vmem>>)
    "tpu.region"() ({
      %run_scoped3A = tpu.sem_alloc : memref<!tpu.dma_semaphore, #tpu.memory_space<semaphore_mem>>
      %dma_start3A_15 = arith.constant 0 : i32
      %dma_start3A_16 = tpu.memref_slice %arg4[%add3A_6, %dma_start3A_15] : memref<2048x384xi32, #tpu.memory_space<hbm>> -> memref<64x384xi32, #tpu.memory_space<hbm>>
      %dma_start3A_17 = arith.constant 0 : i32
      %dma_start3A_18 = tpu.memref_slice %arg4[%add3A_6, %dma_start3A_17] : memref<2048x384xi32, #tpu.memory_space<hbm>> -> memref<64x384xi32, #tpu.memory_space<hbm>>
      tpu.enqueue_dma source(%arg6 : memref<64x384xi32, #tpu.memory_space<vmem>>) target(%dma_start3A_18 : memref<64x384xi32, #tpu.memory_space<hbm>>) target_semaphore(%run_scoped3A : memref<!tpu.dma_semaphore, #tpu.memory_space<semaphore_mem>>)
      %dma_wait3A_19 = arith.constant 0 : i32
      %dma_wait3A_20 = tpu.memref_slice %arg4[%add3A_6, %dma_wait3A_19] : memref<2048x384xi32, #tpu.memory_space<hbm>> -> memref<64x384xi32, #tpu.memory_space<hbm>>
      %dma_wait3A_21 = arith.constant 0 : i32
      %dma_wait3A_22 = tpu.memref_slice %arg4[%add3A_6, %dma_wait3A_21] : memref<2048x384xi32, #tpu.memory_space<hbm>> -> memref<64x384xi32, #tpu.memory_space<hbm>>
      tpu.wait_dma2 semaphore(%run_scoped3A : memref<!tpu.dma_semaphore, #tpu.memory_space<semaphore_mem>>) src(%arg6 : memref<64x384xi32, #tpu.memory_space<vmem>>) dst(%dma_wait3A_22 : memref<64x384xi32, #tpu.memory_space<hbm>>)
      tpu.yield
    }) : () -> ()
    %scan3A_13 = arith.constant 0 : i32
    %scan3A_14 = arith.constant 1 : i32
    return
  }
}

#map = affine_map<(d0, d1) -> (0)>
module attributes {stable_mosaic.version = 14 : i64} {
  func.func @_scatter_body(%arg0: i32, %arg1: i32, %arg2: memref<4096xi32, #tpu.memory_space<hbm>>, %arg3: memref<16400xi32, #tpu.memory_space<hbm>>, %arg4: memref<16400xi32, #tpu.memory_space<hbm>>, %arg5: memref<16400xi32, #tpu.memory_space<vmem>>, %arg6: memref<4096xi32, #tpu.memory_space<vmem>>, %arg7: memref<!tpu.dma_semaphore, #tpu.memory_space<semaphore_mem>>) attributes {dimension_semantics = [#tpu.dimension_semantics<core_parallel>, #tpu.dimension_semantics<subcore_parallel>], iteration_bounds = array<i64: 2, 16>, scalar_prefetch = 0 : i64, scratch_operands = 3 : i64, tpu.core_type = #tpu.core_type<sc_vector_subcore>, window_params = [{transform_indices = #map}, {transform_indices = #map}, {transform_indices = #map}]} {
    %eq3A = arith.constant 0 : i32
    %eq3A_0 = arith.cmpi eq, %arg0, %eq3A : i32
    %eq3A_1 = arith.constant 0 : i32
    %eq3A_2 = arith.cmpi eq, %arg1, %eq3A_1 : i32
    %and3A = arith.andi %eq3A_0, %eq3A_2 : i1
    %convert_element_type3A = arith.extui %and3A : i1 to i32
    %cond3A = arith.constant 0 : i32
    %cond3A_3 = arith.cmpi ne, %convert_element_type3A, %cond3A : i32
    scf.if %cond3A_3 {
      "tpu.region"() ({
        %run_scoped3A = tpu.sem_alloc : memref<!tpu.dma_semaphore, #tpu.memory_space<semaphore_mem>>
        tpu.enqueue_dma source(%arg3 : memref<16400xi32, #tpu.memory_space<hbm>>) target(%arg5 : memref<16400xi32, #tpu.memory_space<vmem>>) target_semaphore(%run_scoped3A : memref<!tpu.dma_semaphore, #tpu.memory_space<semaphore_mem>>)
        tpu.wait_dma2 semaphore(%run_scoped3A : memref<!tpu.dma_semaphore, #tpu.memory_space<semaphore_mem>>) src(%arg3 : memref<16400xi32, #tpu.memory_space<hbm>>) dst(%arg5 : memref<16400xi32, #tpu.memory_space<vmem>>)
        tpu.yield
      }) : () -> ()
      "tpu.region"() ({
        %run_scoped3A = tpu.sem_alloc : memref<!tpu.dma_semaphore, #tpu.memory_space<semaphore_mem>>
        tpu.enqueue_dma source(%arg2 : memref<4096xi32, #tpu.memory_space<hbm>>) target(%arg6 : memref<4096xi32, #tpu.memory_space<vmem>>) target_semaphore(%run_scoped3A : memref<!tpu.dma_semaphore, #tpu.memory_space<semaphore_mem>>)
        tpu.wait_dma2 semaphore(%run_scoped3A : memref<!tpu.dma_semaphore, #tpu.memory_space<semaphore_mem>>) src(%arg2 : memref<4096xi32, #tpu.memory_space<hbm>>) dst(%arg6 : memref<4096xi32, #tpu.memory_space<vmem>>)
        tpu.yield
      }) : () -> ()
      %iota3A = tpu.iota {dimensions = array<i32: 0>} : vector<16xi32>
      %scan3A = arith.constant 0 : i32
      %scan3A_4 = arith.constant 0 : i32
      %scan3A_5 = arith.constant 256 : i32
      %scan3A_6 = arith.addi %scan3A_4, %scan3A_5 : i32
      %scan3A_7 = arith.constant 1 : i32
      %scan3A_8 = scf.for %scan3A_10 = %scan3A_4 to %scan3A_6 step %scan3A_7 iter_args(%scan3A_11 = %scan3A) -> (i32)  : i32 {
        %mul3A = arith.constant 16 : i32
        %mul3A_12 = arith.muli %scan3A_10, %mul3A : i32
        %get3A = arith.index_cast %mul3A_12 : i32 to index
        %get3A_13 = tpu.vector_load %arg6[%get3A] {strides = array<i32>} : memref<4096xi32, #tpu.memory_space<vmem>>, vector<16xi32>,
        %mul3A_14 = arith.constant 16 : i32
        %mul3A_15 = arith.muli %scan3A_10, %mul3A_14 : i32
        %add3A = vector.broadcast %mul3A_15 : i32 to vector<16xi32>
        %add3A_16 = arith.addi %add3A, %iota3A : vector<16xi32>
        %shift_right_arithmetic3A = arith.constant 1 : i32
        %shift_right_arithmetic3A_17 = vector.broadcast %shift_right_arithmetic3A : i32 to vector<16xi32>
        %shift_right_arithmetic3A_18 = arith.shrsi %add3A_16, %shift_right_arithmetic3A_17 : vector<16xi32>
        tpu.vector_store_idx %arg5[%get3A_13], %shift_right_arithmetic3A_18 : memref<16400xi32, #tpu.memory_space<vmem>>[vector<16xi32>], vector<16xi32>,
        %scan3A_19 = arith.constant 0 : i32
        scf.yield %scan3A_19 : i32
      }
      %scan3A_9 = arith.constant 256 : i32
      "tpu.region"() ({
        %run_scoped3A = tpu.sem_alloc : memref<!tpu.dma_semaphore, #tpu.memory_space<semaphore_mem>>
        tpu.enqueue_dma source(%arg5 : memref<16400xi32, #tpu.memory_space<vmem>>) target(%arg4 : memref<16400xi32, #tpu.memory_space<hbm>>) target_semaphore(%run_scoped3A : memref<!tpu.dma_semaphore, #tpu.memory_space<semaphore_mem>>)
        tpu.wait_dma2 semaphore(%run_scoped3A : memref<!tpu.dma_semaphore, #tpu.memory_space<semaphore_mem>>) src(%arg5 : memref<16400xi32, #tpu.memory_space<vmem>>) dst(%arg4 : memref<16400xi32, #tpu.memory_space<hbm>>)
        tpu.yield
      }) : () -> ()
    } else {
    }
    return
  }
}

#map = affine_map<(d0, d1) -> (0)>
#map1 = affine_map<(d0, d1) -> (0, 0)>
module attributes {stable_mosaic.version = 14 : i64} {
  func.func @_gather_rows_body(%arg0: i32, %arg1: i32, %arg2: memref<16400xi32, #tpu.memory_space<hbm>>, %arg3: memref<2048x384xi32, #tpu.memory_space<hbm>>, %arg4: memref<5120x384xi32, #tpu.memory_space<hbm>>, %arg5: memref<80xi32, #tpu.memory_space<vmem>>, %arg6: memref<80x384xi32, #tpu.memory_space<vmem>>, %arg7: memref<!tpu.dma_semaphore, #tpu.memory_space<semaphore_mem>>) attributes {dimension_semantics = [#tpu.dimension_semantics<core_parallel>, #tpu.dimension_semantics<subcore_parallel>], iteration_bounds = array<i64: 2, 16>, scalar_prefetch = 0 : i64, scratch_operands = 3 : i64, tpu.core_type = #tpu.core_type<sc_vector_subcore>, window_params = [{transform_indices = #map}, {transform_indices = #map1}, {transform_indices = #map1}]} {
    %mul3A = arith.constant 2 : i32
    %mul3A_0 = arith.muli %arg1, %mul3A : i32
    %add3A = arith.addi %mul3A_0, %arg0 : i32
    %mul3A_1 = arith.constant 160 : i32
    %mul3A_2 = arith.muli %add3A, %mul3A_1 : i32
    %scan3A = arith.constant 0 : i32
    %scan3A_3 = arith.constant 0 : i32
    %scan3A_4 = arith.constant 2 : i32
    %scan3A_5 = arith.addi %scan3A_3, %scan3A_4 : i32
    %scan3A_6 = arith.constant 1 : i32
    %scan3A_7 = scf.for %scan3A_9 = %scan3A_3 to %scan3A_5 step %scan3A_6 iter_args(%scan3A_10 = %scan3A) -> (i32)  : i32 {
      %mul3A_11 = arith.constant 80 : i32
      %mul3A_12 = arith.muli %scan3A_9, %mul3A_11 : i32
      %add3A_13 = arith.addi %mul3A_2, %mul3A_12 : i32
      %add3A_14 = arith.constant 6144 : i32
      %add3A_15 = arith.addi %add3A_14, %add3A_13 : i32
      "tpu.region"() ({
        %run_scoped3A = tpu.sem_alloc : memref<!tpu.dma_semaphore, #tpu.memory_space<semaphore_mem>>
        %dma_start3A_21 = tpu.memref_slice %arg2[%add3A_15] : memref<16400xi32, #tpu.memory_space<hbm>> -> memref<80xi32, #tpu.memory_space<hbm>>
        %dma_start3A_22 = tpu.memref_slice %arg2[%add3A_15] : memref<16400xi32, #tpu.memory_space<hbm>> -> memref<80xi32, #tpu.memory_space<hbm>>
        tpu.enqueue_dma source(%dma_start3A_22 : memref<80xi32, #tpu.memory_space<hbm>>) target(%arg5 : memref<80xi32, #tpu.memory_space<vmem>>) target_semaphore(%run_scoped3A : memref<!tpu.dma_semaphore, #tpu.memory_space<semaphore_mem>>)
        %dma_wait3A_23 = tpu.memref_slice %arg2[%add3A_15] : memref<16400xi32, #tpu.memory_space<hbm>> -> memref<80xi32, #tpu.memory_space<hbm>>
        %dma_wait3A_24 = tpu.memref_slice %arg2[%add3A_15] : memref<16400xi32, #tpu.memory_space<hbm>> -> memref<80xi32, #tpu.memory_space<hbm>>
        tpu.wait_dma2 semaphore(%run_scoped3A : memref<!tpu.dma_semaphore, #tpu.memory_space<semaphore_mem>>) src(%dma_wait3A_24 : memref<80xi32, #tpu.memory_space<hbm>>) dst(%arg5 : memref<80xi32, #tpu.memory_space<vmem>>)
        tpu.yield
      }) : () -> ()
      %dma_start3A = arith.constant 0 : i32
      %dma_start3A_16 = arith.constant 0 : i32
      %dma_start3A_17 = tpu.memref_slice %arg3[%dma_start3A, %dma_start3A_16] : memref<2048x384xi32, #tpu.memory_space<hbm>> -> memref<2048x384xi32, #tpu.memory_space<hbm>>
      tpu.enqueue_indirect_dma source(%dma_start3A_17 : memref<2048x384xi32, #tpu.memory_space<hbm>>) target(%arg6 : memref<80x384xi32, #tpu.memory_space<vmem>>) offsets(%arg5 : memref<80xi32, #tpu.memory_space<vmem>>) semaphore(%arg7 : memref<!tpu.dma_semaphore, #tpu.memory_space<semaphore_mem>>)
      %dma_wait3A = arith.constant 0 : i32
      %dma_wait3A_18 = arith.constant 0 : i32
      %dma_wait3A_19 = tpu.memref_slice %arg3[%dma_wait3A, %dma_wait3A_18] : memref<2048x384xi32, #tpu.memory_space<hbm>> -> memref<2048x384xi32, #tpu.memory_space<hbm>>
      tpu.wait_indirect_dma semaphore(%arg7 : memref<!tpu.dma_semaphore, #tpu.memory_space<semaphore_mem>>) src(%dma_wait3A_19 : memref<2048x384xi32, #tpu.memory_space<hbm>>) dst(%arg6 : memref<80x384xi32, #tpu.memory_space<vmem>>)
      "tpu.region"() ({
        %run_scoped3A = tpu.sem_alloc : memref<!tpu.dma_semaphore, #tpu.memory_space<semaphore_mem>>
        %dma_start3A_21 = arith.constant 0 : i32
        %dma_start3A_22 = tpu.memref_slice %arg4[%add3A_13, %dma_start3A_21] : memref<5120x384xi32, #tpu.memory_space<hbm>> -> memref<80x384xi32, #tpu.memory_space<hbm>>
        %dma_start3A_23 = arith.constant 0 : i32
        %dma_start3A_24 = tpu.memref_slice %arg4[%add3A_13, %dma_start3A_23] : memref<5120x384xi32, #tpu.memory_space<hbm>> -> memref<80x384xi32, #tpu.memory_space<hbm>>
        tpu.enqueue_dma source(%arg6 : memref<80x384xi32, #tpu.memory_space<vmem>>) target(%dma_start3A_24 : memref<80x384xi32, #tpu.memory_space<hbm>>) target_semaphore(%run_scoped3A : memref<!tpu.dma_semaphore, #tpu.memory_space<semaphore_mem>>)
        %dma_wait3A_25 = arith.constant 0 : i32
        %dma_wait3A_26 = tpu.memref_slice %arg4[%add3A_13, %dma_wait3A_25] : memref<5120x384xi32, #tpu.memory_space<hbm>> -> memref<80x384xi32, #tpu.memory_space<hbm>>
        %dma_wait3A_27 = arith.constant 0 : i32
        %dma_wait3A_28 = tpu.memref_slice %arg4[%add3A_13, %dma_wait3A_27] : memref<5120x384xi32, #tpu.memory_space<hbm>> -> memref<80x384xi32, #tpu.memory_space<hbm>>
        tpu.wait_dma2 semaphore(%run_scoped3A : memref<!tpu.dma_semaphore, #tpu.memory_space<semaphore_mem>>) src(%arg6 : memref<80x384xi32, #tpu.memory_space<vmem>>) dst(%dma_wait3A_28 : memref<80x384xi32, #tpu.memory_space<hbm>>)
        tpu.yield
      }) : () -> ()
      %scan3A_20 = arith.constant 0 : i32
      scf.yield %scan3A_20 : i32
    }
    %scan3A_8 = arith.constant 2 : i32
    return
  }
}

#map = affine_map<(d0, d1) -> (0)>
#map1 = affine_map<(d0, d1) -> (0, 0)>
module attributes {stable_mosaic.version = 14 : i64} {
  func.func @_gather_rows_body(%arg0: i32, %arg1: i32, %arg2: memref<16400xi32, #tpu.memory_space<hbm>>, %arg3: memref<2048x384xi32, #tpu.memory_space<hbm>>, %arg4: memref<5120x384xi32, #tpu.memory_space<hbm>>, %arg5: memref<80xi32, #tpu.memory_space<vmem>>, %arg6: memref<80x384xi32, #tpu.memory_space<vmem>>, %arg7: memref<!tpu.dma_semaphore, #tpu.memory_space<semaphore_mem>>) attributes {dimension_semantics = [#tpu.dimension_semantics<core_parallel>, #tpu.dimension_semantics<subcore_parallel>], iteration_bounds = array<i64: 2, 16>, scalar_prefetch = 0 : i64, scratch_operands = 3 : i64, tpu.core_type = #tpu.core_type<sc_vector_subcore>, window_params = [{transform_indices = #map}, {transform_indices = #map1}, {transform_indices = #map1}]} {
    %mul3A = arith.constant 2 : i32
    %mul3A_0 = arith.muli %arg1, %mul3A : i32
    %add3A = arith.addi %mul3A_0, %arg0 : i32
    %mul3A_1 = arith.constant 160 : i32
    %mul3A_2 = arith.muli %add3A, %mul3A_1 : i32
    %scan3A = arith.constant 0 : i32
    %scan3A_3 = arith.constant 0 : i32
    %scan3A_4 = arith.constant 2 : i32
    %scan3A_5 = arith.addi %scan3A_3, %scan3A_4 : i32
    %scan3A_6 = arith.constant 1 : i32
    %scan3A_7 = scf.for %scan3A_9 = %scan3A_3 to %scan3A_5 step %scan3A_6 iter_args(%scan3A_10 = %scan3A) -> (i32)  : i32 {
      %mul3A_11 = arith.constant 80 : i32
      %mul3A_12 = arith.muli %scan3A_9, %mul3A_11 : i32
      %add3A_13 = arith.addi %mul3A_2, %mul3A_12 : i32
      %add3A_14 = arith.constant 11264 : i32
      %add3A_15 = arith.addi %add3A_14, %add3A_13 : i32
      "tpu.region"() ({
        %run_scoped3A = tpu.sem_alloc : memref<!tpu.dma_semaphore, #tpu.memory_space<semaphore_mem>>
        %dma_start3A_21 = tpu.memref_slice %arg2[%add3A_15] : memref<16400xi32, #tpu.memory_space<hbm>> -> memref<80xi32, #tpu.memory_space<hbm>>
        %dma_start3A_22 = tpu.memref_slice %arg2[%add3A_15] : memref<16400xi32, #tpu.memory_space<hbm>> -> memref<80xi32, #tpu.memory_space<hbm>>
        tpu.enqueue_dma source(%dma_start3A_22 : memref<80xi32, #tpu.memory_space<hbm>>) target(%arg5 : memref<80xi32, #tpu.memory_space<vmem>>) target_semaphore(%run_scoped3A : memref<!tpu.dma_semaphore, #tpu.memory_space<semaphore_mem>>)
        %dma_wait3A_23 = tpu.memref_slice %arg2[%add3A_15] : memref<16400xi32, #tpu.memory_space<hbm>> -> memref<80xi32, #tpu.memory_space<hbm>>
        %dma_wait3A_24 = tpu.memref_slice %arg2[%add3A_15] : memref<16400xi32, #tpu.memory_space<hbm>> -> memref<80xi32, #tpu.memory_space<hbm>>
        tpu.wait_dma2 semaphore(%run_scoped3A : memref<!tpu.dma_semaphore, #tpu.memory_space<semaphore_mem>>) src(%dma_wait3A_24 : memref<80xi32, #tpu.memory_space<hbm>>) dst(%arg5 : memref<80xi32, #tpu.memory_space<vmem>>)
        tpu.yield
      }) : () -> ()
      %dma_start3A = arith.constant 0 : i32
      %dma_start3A_16 = arith.constant 0 : i32
      %dma_start3A_17 = tpu.memref_slice %arg3[%dma_start3A, %dma_start3A_16] : memref<2048x384xi32, #tpu.memory_space<hbm>> -> memref<2048x384xi32, #tpu.memory_space<hbm>>
      tpu.enqueue_indirect_dma source(%dma_start3A_17 : memref<2048x384xi32, #tpu.memory_space<hbm>>) target(%arg6 : memref<80x384xi32, #tpu.memory_space<vmem>>) offsets(%arg5 : memref<80xi32, #tpu.memory_space<vmem>>) semaphore(%arg7 : memref<!tpu.dma_semaphore, #tpu.memory_space<semaphore_mem>>)
      %dma_wait3A = arith.constant 0 : i32
      %dma_wait3A_18 = arith.constant 0 : i32
      %dma_wait3A_19 = tpu.memref_slice %arg3[%dma_wait3A, %dma_wait3A_18] : memref<2048x384xi32, #tpu.memory_space<hbm>> -> memref<2048x384xi32, #tpu.memory_space<hbm>>
      tpu.wait_indirect_dma semaphore(%arg7 : memref<!tpu.dma_semaphore, #tpu.memory_space<semaphore_mem>>) src(%dma_wait3A_19 : memref<2048x384xi32, #tpu.memory_space<hbm>>) dst(%arg6 : memref<80x384xi32, #tpu.memory_space<vmem>>)
      "tpu.region"() ({
        %run_scoped3A = tpu.sem_alloc : memref<!tpu.dma_semaphore, #tpu.memory_space<semaphore_mem>>
        %dma_start3A_21 = arith.constant 0 : i32
        %dma_start3A_22 = tpu.memref_slice %arg4[%add3A_13, %dma_start3A_21] : memref<5120x384xi32, #tpu.memory_space<hbm>> -> memref<80x384xi32, #tpu.memory_space<hbm>>
        %dma_start3A_23 = arith.constant 0 : i32
        %dma_start3A_24 = tpu.memref_slice %arg4[%add3A_13, %dma_start3A_23] : memref<5120x384xi32, #tpu.memory_space<hbm>> -> memref<80x384xi32, #tpu.memory_space<hbm>>
        tpu.enqueue_dma source(%arg6 : memref<80x384xi32, #tpu.memory_space<vmem>>) target(%dma_start3A_24 : memref<80x384xi32, #tpu.memory_space<hbm>>) target_semaphore(%run_scoped3A : memref<!tpu.dma_semaphore, #tpu.memory_space<semaphore_mem>>)
        %dma_wait3A_25 = arith.constant 0 : i32
        %dma_wait3A_26 = tpu.memref_slice %arg4[%add3A_13, %dma_wait3A_25] : memref<5120x384xi32, #tpu.memory_space<hbm>> -> memref<80x384xi32, #tpu.memory_space<hbm>>
        %dma_wait3A_27 = arith.constant 0 : i32
        %dma_wait3A_28 = tpu.memref_slice %arg4[%add3A_13, %dma_wait3A_27] : memref<5120x384xi32, #tpu.memory_space<hbm>> -> memref<80x384xi32, #tpu.memory_space<hbm>>
        tpu.wait_dma2 semaphore(%run_scoped3A : memref<!tpu.dma_semaphore, #tpu.memory_space<semaphore_mem>>) src(%arg6 : memref<80x384xi32, #tpu.memory_space<vmem>>) dst(%dma_wait3A_28 : memref<80x384xi32, #tpu.memory_space<hbm>>)
        tpu.yield
      }) : () -> ()
      %scan3A_20 = arith.constant 0 : i32
      scf.yield %scan3A_20 : i32
    }
    %scan3A_8 = arith.constant 2 : i32
    return
  }
}

#map = affine_map<(d0, d1) -> (0)>
#map1 = affine_map<(d0, d1) -> (0, 0)>
module attributes {stable_mosaic.version = 14 : i64} {
  func.func @_gather_rows_body(%arg0: i32, %arg1: i32, %arg2: memref<4096xi32, #tpu.memory_space<hbm>>, %arg3: memref<16384x384xi32, #tpu.memory_space<hbm>>, %arg4: memref<4096x384xi32, #tpu.memory_space<hbm>>, %arg5: memref<128xi32, #tpu.memory_space<vmem>>, %arg6: memref<128x384xi32, #tpu.memory_space<vmem>>, %arg7: memref<!tpu.dma_semaphore, #tpu.memory_space<semaphore_mem>>) attributes {dimension_semantics = [#tpu.dimension_semantics<core_parallel>, #tpu.dimension_semantics<subcore_parallel>], iteration_bounds = array<i64: 2, 16>, scalar_prefetch = 0 : i64, scratch_operands = 3 : i64, tpu.core_type = #tpu.core_type<sc_vector_subcore>, window_params = [{transform_indices = #map}, {transform_indices = #map1}, {transform_indices = #map1}]} {
    %mul3A = arith.constant 2 : i32
    %mul3A_0 = arith.muli %arg1, %mul3A : i32
    %add3A = arith.addi %mul3A_0, %arg0 : i32
    %mul3A_1 = arith.constant 128 : i32
    %mul3A_2 = arith.muli %add3A, %mul3A_1 : i32
    %scan3A = arith.constant 0 : i32
    %scan3A_3 = arith.constant 0 : i32
    %mul3A_4 = arith.constant 128 : i32
    %mul3A_5 = arith.muli %scan3A_3, %mul3A_4 : i32
    %add3A_6 = arith.addi %mul3A_2, %mul3A_5 : i32
    %add3A_7 = arith.constant 0 : i32
    %add3A_8 = arith.addi %add3A_7, %add3A_6 : i32
    "tpu.region"() ({
      %run_scoped3A = tpu.sem_alloc : memref<!tpu.dma_semaphore, #tpu.memory_space<semaphore_mem>>
      %dma_start3A_15 = tpu.memref_slice %arg2[%add3A_8] : memref<4096xi32, #tpu.memory_space<hbm>> -> memref<128xi32, #tpu.memory_space<hbm>>
      %dma_start3A_16 = tpu.memref_slice %arg2[%add3A_8] : memref<4096xi32, #tpu.memory_space<hbm>> -> memref<128xi32, #tpu.memory_space<hbm>>
      tpu.enqueue_dma source(%dma_start3A_16 : memref<128xi32, #tpu.memory_space<hbm>>) target(%arg5 : memref<128xi32, #tpu.memory_space<vmem>>) target_semaphore(%run_scoped3A : memref<!tpu.dma_semaphore, #tpu.memory_space<semaphore_mem>>)
      %dma_wait3A_17 = tpu.memref_slice %arg2[%add3A_8] : memref<4096xi32, #tpu.memory_space<hbm>> -> memref<128xi32, #tpu.memory_space<hbm>>
      %dma_wait3A_18 = tpu.memref_slice %arg2[%add3A_8] : memref<4096xi32, #tpu.memory_space<hbm>> -> memref<128xi32, #tpu.memory_space<hbm>>
      tpu.wait_dma2 semaphore(%run_scoped3A : memref<!tpu.dma_semaphore, #tpu.memory_space<semaphore_mem>>) src(%dma_wait3A_18 : memref<128xi32, #tpu.memory_space<hbm>>) dst(%arg5 : memref<128xi32, #tpu.memory_space<vmem>>)
      tpu.yield
    }) : () -> ()
    %dma_start3A = arith.constant 0 : i32
    %dma_start3A_9 = arith.constant 0 : i32
    %dma_start3A_10 = tpu.memref_slice %arg3[%dma_start3A, %dma_start3A_9] : memref<16384x384xi32, #tpu.memory_space<hbm>> -> memref<16384x384xi32, #tpu.memory_space<hbm>>
    tpu.enqueue_indirect_dma source(%dma_start3A_10 : memref<16384x384xi32, #tpu.memory_space<hbm>>) target(%arg6 : memref<128x384xi32, #tpu.memory_space<vmem>>) offsets(%arg5 : memref<128xi32, #tpu.memory_space<vmem>>) semaphore(%arg7 : memref<!tpu.dma_semaphore, #tpu.memory_space<semaphore_mem>>)
    %dma_wait3A = arith.constant 0 : i32
    %dma_wait3A_11 = arith.constant 0 : i32
    %dma_wait3A_12 = tpu.memref_slice %arg3[%dma_wait3A, %dma_wait3A_11] : memref<16384x384xi32, #tpu.memory_space<hbm>> -> memref<16384x384xi32, #tpu.memory_space<hbm>>
    tpu.wait_indirect_dma semaphore(%arg7 : memref<!tpu.dma_semaphore, #tpu.memory_space<semaphore_mem>>) src(%dma_wait3A_12 : memref<16384x384xi32, #tpu.memory_space<hbm>>) dst(%arg6 : memref<128x384xi32, #tpu.memory_space<vmem>>)
    "tpu.region"() ({
      %run_scoped3A = tpu.sem_alloc : memref<!tpu.dma_semaphore, #tpu.memory_space<semaphore_mem>>
      %dma_start3A_15 = arith.constant 0 : i32
      %dma_start3A_16 = tpu.memref_slice %arg4[%add3A_6, %dma_start3A_15] : memref<4096x384xi32, #tpu.memory_space<hbm>> -> memref<128x384xi32, #tpu.memory_space<hbm>>
      %dma_start3A_17 = arith.constant 0 : i32
      %dma_start3A_18 = tpu.memref_slice %arg4[%add3A_6, %dma_start3A_17] : memref<4096x384xi32, #tpu.memory_space<hbm>> -> memref<128x384xi32, #tpu.memory_space<hbm>>
      tpu.enqueue_dma source(%arg6 : memref<128x384xi32, #tpu.memory_space<vmem>>) target(%dma_start3A_18 : memref<128x384xi32, #tpu.memory_space<hbm>>) target_semaphore(%run_scoped3A : memref<!tpu.dma_semaphore, #tpu.memory_space<semaphore_mem>>)
      %dma_wait3A_19 = arith.constant 0 : i32
      %dma_wait3A_20 = tpu.memref_slice %arg4[%add3A_6, %dma_wait3A_19] : memref<4096x384xi32, #tpu.memory_space<hbm>> -> memref<128x384xi32, #tpu.memory_space<hbm>>
      %dma_wait3A_21 = arith.constant 0 : i32
      %dma_wait3A_22 = tpu.memref_slice %arg4[%add3A_6, %dma_wait3A_21] : memref<4096x384xi32, #tpu.memory_space<hbm>> -> memref<128x384xi32, #tpu.memory_space<hbm>>
      tpu.wait_dma2 semaphore(%run_scoped3A : memref<!tpu.dma_semaphore, #tpu.memory_space<semaphore_mem>>) src(%arg6 : memref<128x384xi32, #tpu.memory_space<vmem>>) dst(%dma_wait3A_22 : memref<128x384xi32, #tpu.memory_space<hbm>>)
      tpu.yield
    }) : () -> ()
    %scan3A_13 = arith.constant 0 : i32
    %scan3A_14 = arith.constant 1 : i32
    return
  }
}

module attributes {stable_mosaic.version = 14 : i64} {
  func.func @_router_body(%arg0: memref<2048x768xf32, #tpu.memory_space<vmem>>, %arg1: memref<64x768xf32, #tpu.memory_space<vmem>>, %arg2: memref<2048x64xf32, #tpu.memory_space<vmem>>, %arg3: memref<2048x2xi32, #tpu.memory_space<vmem>>, %arg4: memref<2048x2xi32, #tpu.memory_space<vmem>>, %arg5: memref<2048x2xf32, #tpu.memory_space<vmem>>, %arg6: memref<2048x64xf32, #tpu.memory_space<vmem>>, %arg7: memref<2048x64xf32, #tpu.memory_space<vmem>>) attributes {dimension_semantics = [], scalar_prefetch = 0 : i64, scratch_operands = 2 : i64, tpu.core_type = #tpu.core_type<tc>} {
    %get3A = arith.constant 0 : index
    %get3A_0 = arith.constant 0 : index
    %get3A_1 = vector.load %arg0[%get3A, %get3A_0] : memref<2048x768xf32, #tpu.memory_space<vmem>>, vector<2048x768xf32>
    %get3A_2 = arith.constant 0 : index
    %get3A_3 = arith.constant 0 : index
    %get3A_4 = vector.load %arg1[%get3A_2, %get3A_3] : memref<64x768xf32, #tpu.memory_space<vmem>>, vector<64x768xf32>
    %dot_general3A = arith.constant dense<0.000000e+00> : vector<2048x64xf32>
    %dot_general3A_5 = tpu.matmul %get3A_1, %get3A_4, %dot_general3A {dimension_numbers = #tpu.dot_dimension_numbers<[1], [1], [0], [0], [0, 0, 1, 0], [], []>, transpose_lhs_hint = false} : vector<2048x768xf32>, vector<64x768xf32>, vector<2048x64xf32> -> vector<2048x64xf32>
    %swap3A = arith.constant 0 : index
    %swap3A_6 = arith.constant 0 : index
    %swap3A_7 = vector.load %arg2[%swap3A, %swap3A_6] : memref<2048x64xf32, #tpu.memory_space<vmem>>, vector<2048x64xf32>
    tpu.vector_store %arg2[%swap3A, %swap3A_6], %dot_general3A_5 {strides = array<i32>} : memref<2048x64xf32, #tpu.memory_space<vmem>>, vector<2048x64xf32>,
    %reduce_max3A = arith.constant dense<0xFF800000> : vector<2048xf32>
    %reduce_max3A_8 = vector.multi_reduction <maximumf>, %dot_general3A_5, %reduce_max3A [1] : vector<2048x64xf32> to vector<2048xf32>
    %broadcast_in_dim3A = vector.shape_cast %reduce_max3A_8 : vector<2048xf32> to vector<2048x1xf32>
    %sub3A = vector.broadcast %broadcast_in_dim3A : vector<2048x1xf32> to vector<2048x64xf32>
    %sub3A_9 = arith.subf %dot_general3A_5, %sub3A : vector<2048x64xf32>
    %exp3A = math.exp %sub3A_9 : vector<2048x64xf32>
    %reduce_sum3A = arith.constant dense<0.000000e+00> : vector<2048xf32>
    %reduce_sum3A_10 = vector.multi_reduction <add>, %exp3A, %reduce_sum3A [1] : vector<2048x64xf32> to vector<2048xf32>
    %broadcast_in_dim3A_11 = vector.shape_cast %reduce_sum3A_10 : vector<2048xf32> to vector<2048x1xf32>
    %div3A = vector.broadcast %broadcast_in_dim3A_11 : vector<2048x1xf32> to vector<2048x64xf32>
    %div3A_12 = arith.divf %exp3A, %div3A : vector<2048x64xf32>
    %iota3A = tpu.iota {dimensions = array<i32: 1>} : vector<2048x64xi32>
    %reduce_max3A_13 = arith.constant dense<0xFF800000> : vector<2048xf32>
    %reduce_max3A_14 = vector.multi_reduction <maximumf>, %div3A_12, %reduce_max3A_13 [1] : vector<2048x64xf32> to vector<2048xf32>
    %broadcast_in_dim3A_15 = vector.shape_cast %reduce_max3A_14 : vector<2048xf32> to vector<2048x1xf32>
    %eq3A = vector.broadcast %broadcast_in_dim3A_15 : vector<2048x1xf32> to vector<2048x64xf32>
    %eq3A_16 = arith.cmpf oeq, %div3A_12, %eq3A : vector<2048x64xf32>
    %jit3A = arith.constant 64 : i32
    %broadcast_in_dim3A_17 = vector.broadcast %jit3A : i32 to vector<2048x64xi32>
    %select_n3A = arith.select %eq3A_16, %iota3A, %broadcast_in_dim3A_17 : vector<2048x64xi1>, vector<2048x64xi32>
    %reduce_min3A = arith.constant dense<2147483647> : vector<2048xi32>
    %reduce_min3A_18 = vector.multi_reduction <minsi>, %select_n3A, %reduce_min3A [1] : vector<2048x64xi32> to vector<2048xi32>
    %broadcast_in_dim3A_19 = vector.shape_cast %reduce_min3A_18 : vector<2048xi32> to vector<2048x1xi32>
    %eq3A_20 = vector.broadcast %broadcast_in_dim3A_19 : vector<2048x1xi32> to vector<2048x64xi32>
    %eq3A_21 = arith.cmpi eq, %iota3A, %eq3A_20 : vector<2048x64xi32>
    %jit3A_22 = arith.constant -1.000000e+00 : f32
    %broadcast_in_dim3A_23 = vector.broadcast %jit3A_22 : f32 to vector<2048x64xf32>
    %select_n3A_24 = arith.select %eq3A_21, %broadcast_in_dim3A_23, %div3A_12 : vector<2048x64xi1>, vector<2048x64xf32>
    %reduce_max3A_25 = arith.constant dense<0xFF800000> : vector<2048xf32>
    %reduce_max3A_26 = vector.multi_reduction <maximumf>, %select_n3A_24, %reduce_max3A_25 [1] : vector<2048x64xf32> to vector<2048xf32>
    %broadcast_in_dim3A_27 = vector.shape_cast %reduce_max3A_26 : vector<2048xf32> to vector<2048x1xf32>
    %eq3A_28 = vector.broadcast %broadcast_in_dim3A_27 : vector<2048x1xf32> to vector<2048x64xf32>
    %eq3A_29 = arith.cmpf oeq, %select_n3A_24, %eq3A_28 : vector<2048x64xf32>
    %jit3A_30 = arith.constant 64 : i32
    %broadcast_in_dim3A_31 = vector.broadcast %jit3A_30 : i32 to vector<2048x64xi32>
    %select_n3A_32 = arith.select %eq3A_29, %iota3A, %broadcast_in_dim3A_31 : vector<2048x64xi1>, vector<2048x64xi32>
    %reduce_min3A_33 = arith.constant dense<2147483647> : vector<2048xi32>
    %reduce_min3A_34 = vector.multi_reduction <minsi>, %select_n3A_32, %reduce_min3A_33 [1] : vector<2048x64xi32> to vector<2048xi32>
    %broadcast_in_dim3A_35 = vector.shape_cast %reduce_min3A_34 : vector<2048xi32> to vector<2048x1xi32>
    %add3A = arith.addf %broadcast_in_dim3A_15, %broadcast_in_dim3A_27 : vector<2048x1xf32>
    %max3A = arith.constant 9.99999997E-7 : f32
    %max3A_36 = vector.broadcast %max3A : f32 to vector<2048x1xf32>
    %max3A_37 = arith.maximumf %add3A, %max3A_36 : vector<2048x1xf32>
    %div3A_38 = arith.divf %broadcast_in_dim3A_15, %max3A_37 : vector<2048x1xf32>
    %div3A_39 = arith.divf %broadcast_in_dim3A_27, %max3A_37 : vector<2048x1xf32>
    %eq3A_40 = vector.broadcast %broadcast_in_dim3A_19 : vector<2048x1xi32> to vector<2048x64xi32>
    %eq3A_41 = arith.cmpi eq, %iota3A, %eq3A_40 : vector<2048x64xi32>
    %convert_element_type3A = arith.extui %eq3A_41 : vector<2048x64xi1> to vector<2048x64xi32>
    %convert_element_type3A_42 = arith.sitofp %convert_element_type3A : vector<2048x64xi32> to vector<2048x64xf32>
    %eq3A_43 = vector.broadcast %broadcast_in_dim3A_35 : vector<2048x1xi32> to vector<2048x64xi32>
    %eq3A_44 = arith.cmpi eq, %iota3A, %eq3A_43 : vector<2048x64xi32>
    %convert_element_type3A_45 = arith.extui %eq3A_44 : vector<2048x64xi1> to vector<2048x64xi32>
    %convert_element_type3A_46 = arith.sitofp %convert_element_type3A_45 : vector<2048x64xi32> to vector<2048x64xf32>
    %add3A_47 = arith.addf %convert_element_type3A_42, %convert_element_type3A_46 : vector<2048x64xf32>
    %swap3A_48 = arith.constant 0 : index
    %swap3A_49 = arith.constant 0 : index
    %swap3A_50 = vector.load %arg7[%swap3A_48, %swap3A_49] : memref<2048x64xf32, #tpu.memory_space<vmem>>, vector<2048x64xf32>
    tpu.vector_store %arg7[%swap3A_48, %swap3A_49], %add3A_47 {strides = array<i32>} : memref<2048x64xf32, #tpu.memory_space<vmem>>, vector<2048x64xf32>,
    %iota3A_51 = tpu.iota {dimensions = array<i32: 0>} : vector<256x256xi32>
    %iota3A_52 = tpu.iota {dimensions = array<i32: 1>} : vector<256x256xi32>
    %lt3A = arith.cmpi slt, %iota3A_52, %iota3A_51 : vector<256x256xi32>
    %convert_element_type3A_53 = arith.extui %lt3A : vector<256x256xi1> to vector<256x256xi32>
    %convert_element_type3A_54 = arith.sitofp %convert_element_type3A_53 : vector<256x256xi32> to vector<256x256xf32>
    %broadcast_in_dim3A_55 = arith.constant 0.000000e+00 : f32
    %broadcast_in_dim3A_56 = vector.broadcast %broadcast_in_dim3A_55 : f32 to vector<1x64xf32>
    %scan3A = arith.constant 0 : i32
    %scan3A_57 = arith.constant 8 : i32
    %scan3A_58 = arith.addi %scan3A, %scan3A_57 : i32
    %scan3A_59 = arith.constant 1 : i32
    %scan3A_60 = scf.for %scan3A_117 = %scan3A to %scan3A_58 step %scan3A_59 iter_args(%scan3A_118 = %broadcast_in_dim3A_56) -> (vector<1x64xf32>)  : i32 {
      %mul3A_119 = arith.constant 256 : i32
      %mul3A_120 = arith.muli %scan3A_117, %mul3A_119 : i32
      %get3A_121 = arith.index_cast %mul3A_120 : i32 to index
      %get3A_122 = arith.constant 0 : index
      %get3A_123 = vector.load %arg7[%get3A_121, %get3A_122] : memref<2048x64xf32, #tpu.memory_space<vmem>>, vector<256x64xf32>
      %dot_general3A_124 = arith.constant dense<0.000000e+00> : vector<256x64xf32>
      %dot_general3A_125 = tpu.matmul %convert_element_type3A_54, %get3A_123, %dot_general3A_124 {dimension_numbers = #tpu.dot_dimension_numbers<[1], [0], [0], [1], [0, 0, 1, 1], [], []>, transpose_lhs_hint = false} : vector<256x256xf32>, vector<256x64xf32>, vector<256x64xf32> -> vector<256x64xf32>
      %add3A_126 = vector.broadcast %scan3A_118 : vector<1x64xf32> to vector<256x64xf32>
      %add3A_127 = arith.addf %dot_general3A_125, %add3A_126 : vector<256x64xf32>
      %mul3A_128 = arith.constant 256 : i32
      %mul3A_129 = arith.muli %scan3A_117, %mul3A_128 : i32
      %swap3A_130 = arith.index_cast %mul3A_129 : i32 to index
      %swap3A_131 = arith.constant 0 : index
      %swap3A_132 = vector.load %arg6[%swap3A_130, %swap3A_131] : memref<2048x64xf32, #tpu.memory_space<vmem>>, vector<256x64xf32>
      tpu.vector_store %arg6[%swap3A_130, %swap3A_131], %add3A_127 {strides = array<i32>} : memref<2048x64xf32, #tpu.memory_space<vmem>>, vector<256x64xf32>,
      %reduce_sum3A_133 = arith.constant dense<0.000000e+00> : vector<64xf32>
      %reduce_sum3A_134 = vector.multi_reduction <add>, %get3A_123, %reduce_sum3A_133 [0] : vector<256x64xf32> to vector<64xf32>
      %broadcast_in_dim3A_135 = vector.shape_cast %reduce_sum3A_134 : vector<64xf32> to vector<1x64xf32>
      %add3A_136 = arith.addf %scan3A_118, %broadcast_in_dim3A_135 : vector<1x64xf32>
      scf.yield %add3A_136 : vector<1x64xf32>
    }
    %scan3A_61 = arith.constant 8 : i32
    %get3A_62 = arith.constant 0 : index
    %get3A_63 = arith.constant 0 : index
    %get3A_64 = vector.load %arg6[%get3A_62, %get3A_63] : memref<2048x64xf32, #tpu.memory_space<vmem>>, vector<2048x64xf32>
    %mul3A = arith.mulf %get3A_64, %convert_element_type3A_42 : vector<2048x64xf32>
    %reduce_sum3A_65 = arith.constant dense<0.000000e+00> : vector<2048xf32>
    %reduce_sum3A_66 = vector.multi_reduction <add>, %mul3A, %reduce_sum3A_65 [1] : vector<2048x64xf32> to vector<2048xf32>
    %broadcast_in_dim3A_67 = vector.shape_cast %reduce_sum3A_66 : vector<2048xf32> to vector<2048x1xf32>
    %convert_element_type3A_68 = arith.fptosi %broadcast_in_dim3A_67 : vector<2048x1xf32> to vector<2048x1xi32>
    %mul3A_69 = arith.mulf %get3A_64, %convert_element_type3A_46 : vector<2048x64xf32>
    %reduce_sum3A_70 = arith.constant dense<0.000000e+00> : vector<2048xf32>
    %reduce_sum3A_71 = vector.multi_reduction <add>, %mul3A_69, %reduce_sum3A_70 [1] : vector<2048x64xf32> to vector<2048xf32>
    %broadcast_in_dim3A_72 = vector.shape_cast %reduce_sum3A_71 : vector<2048xf32> to vector<2048x1xf32>
    %convert_element_type3A_73 = arith.fptosi %broadcast_in_dim3A_72 : vector<2048x1xf32> to vector<2048x1xi32>
    %mul3A_74 = arith.constant 256 : i32
    %mul3A_75 = vector.broadcast %mul3A_74 : i32 to vector<2048x1xi32>
    %mul3A_76 = arith.muli %broadcast_in_dim3A_19, %mul3A_75 : vector<2048x1xi32>
    %add3A_77 = arith.addi %mul3A_76, %convert_element_type3A_68 : vector<2048x1xi32>
    %mul3A_78 = arith.constant 256 : i32
    %mul3A_79 = vector.broadcast %mul3A_78 : i32 to vector<2048x1xi32>
    %mul3A_80 = arith.muli %broadcast_in_dim3A_35, %mul3A_79 : vector<2048x1xi32>
    %add3A_81 = arith.addi %mul3A_80, %convert_element_type3A_73 : vector<2048x1xi32>
    %lt3A_82 = arith.constant 256 : i32
    %lt3A_83 = vector.broadcast %lt3A_82 : i32 to vector<2048x1xi32>
    %lt3A_84 = arith.cmpi slt, %convert_element_type3A_68, %lt3A_83 : vector<2048x1xi32>
    %lt3A_85 = arith.constant 256 : i32
    %lt3A_86 = vector.broadcast %lt3A_85 : i32 to vector<2048x1xi32>
    %lt3A_87 = arith.cmpi slt, %convert_element_type3A_73, %lt3A_86 : vector<2048x1xi32>
    %jit3A_88 = arith.constant 16384 : i32
    %broadcast_in_dim3A_89 = vector.broadcast %jit3A_88 : i32 to vector<2048x1xi32>
    %select_n3A_90 = arith.select %lt3A_84, %add3A_77, %broadcast_in_dim3A_89 : vector<2048x1xi1>, vector<2048x1xi32>
    %jit3A_91 = arith.constant 16384 : i32
    %broadcast_in_dim3A_92 = vector.broadcast %jit3A_91 : i32 to vector<2048x1xi32>
    %select_n3A_93 = arith.select %lt3A_87, %add3A_81, %broadcast_in_dim3A_92 : vector<2048x1xi1>, vector<2048x1xi32>
    %concatenate3A = tpu.concatenate %select_n3A_90, %select_n3A_93 in 1 : vector<2048x1xi32>, vector<2048x1xi32> -> vector<2048x2xi32>
    %swap3A_94 = arith.constant 0 : index
    %swap3A_95 = arith.constant 0 : index
    %swap3A_96 = vector.load %arg3[%swap3A_94, %swap3A_95] : memref<2048x2xi32, #tpu.memory_space<vmem>>, vector<2048x2xi32>
    tpu.vector_store %arg3[%swap3A_94, %swap3A_95], %concatenate3A {strides = array<i32>} : memref<2048x2xi32, #tpu.memory_space<vmem>>, vector<2048x2xi32>,
    %jit3A_97 = arith.constant 0 : i32
    %broadcast_in_dim3A_98 = vector.broadcast %jit3A_97 : i32 to vector<2048x1xi32>
    %select_n3A_99 = arith.select %lt3A_84, %add3A_77, %broadcast_in_dim3A_98 : vector<2048x1xi1>, vector<2048x1xi32>
    %jit3A_100 = arith.constant 0 : i32
    %broadcast_in_dim3A_101 = vector.broadcast %jit3A_100 : i32 to vector<2048x1xi32>
    %select_n3A_102 = arith.select %lt3A_87, %add3A_81, %broadcast_in_dim3A_101 : vector<2048x1xi1>, vector<2048x1xi32>
    %concatenate3A_103 = tpu.concatenate %select_n3A_99, %select_n3A_102 in 1 : vector<2048x1xi32>, vector<2048x1xi32> -> vector<2048x2xi32>
    %swap3A_104 = arith.constant 0 : index
    %swap3A_105 = arith.constant 0 : index
    %swap3A_106 = vector.load %arg4[%swap3A_104, %swap3A_105] : memref<2048x2xi32, #tpu.memory_space<vmem>>, vector<2048x2xi32>
    tpu.vector_store %arg4[%swap3A_104, %swap3A_105], %concatenate3A_103 {strides = array<i32>} : memref<2048x2xi32, #tpu.memory_space<vmem>>, vector<2048x2xi32>,
    %jit3A_107 = arith.constant 0.000000e+00 : f32
    %broadcast_in_dim3A_108 = vector.broadcast %jit3A_107 : f32 to vector<2048x1xf32>
    %select_n3A_109 = arith.select %lt3A_84, %div3A_38, %broadcast_in_dim3A_108 : vector<2048x1xi1>, vector<2048x1xf32>
    %jit3A_110 = arith.constant 0.000000e+00 : f32
    %broadcast_in_dim3A_111 = vector.broadcast %jit3A_110 : f32 to vector<2048x1xf32>
    %select_n3A_112 = arith.select %lt3A_87, %div3A_39, %broadcast_in_dim3A_111 : vector<2048x1xi1>, vector<2048x1xf32>
    %concatenate3A_113 = tpu.concatenate %select_n3A_109, %select_n3A_112 in 1 : vector<2048x1xf32>, vector<2048x1xf32> -> vector<2048x2xf32>
    %swap3A_114 = arith.constant 0 : index
    %swap3A_115 = arith.constant 0 : index
    %swap3A_116 = vector.load %arg5[%swap3A_114, %swap3A_115] : memref<2048x2xf32, #tpu.memory_space<vmem>>, vector<2048x2xf32>
    tpu.vector_store %arg5[%swap3A_114, %swap3A_115], %concatenate3A_113 {strides = array<i32>} : memref<2048x2xf32, #tpu.memory_space<vmem>>, vector<2048x2xf32>,
    return
  }
}

module attributes {stable_mosaic.version = 14 : i64} {
  func.func @_experts_body(%arg0: i32, %arg1: memref<256x384xi32, #tpu.memory_space<vmem>>, %arg2: memref<1x256x768xf32, #tpu.memory_space<vmem>>, %arg3: memref<1x256x768xf32, #tpu.memory_space<vmem>>, %arg4: memref<1x768x256xf32, #tpu.memory_space<vmem>>, %arg5: memref<256x384xi32, #tpu.memory_space<vmem>>) attributes {dimension_semantics = [#tpu.dimension_semantics<arbitrary>], iteration_bounds = array<i64: 8>, scalar_prefetch = 0 : i64, scratch_operands = 0 : i64, tpu.core_type = #tpu.core_type<tc>, window_params = [{transform_indices = @transform_0, window_bounds = array<i64: 256, 384>}, {transform_indices = @transform_1, window_bounds = array<i64: 1, 256, 768>}, {transform_indices = @transform_2, window_bounds = array<i64: 1, 256, 768>}, {transform_indices = @transform_3, window_bounds = array<i64: 1, 768, 256>}, {transform_indices = @transform_4, window_bounds = array<i64: 256, 384>}]} {
    %get3A = arith.constant 0 : index
    %get3A_0 = arith.constant 0 : index
    %get3A_1 = vector.load %arg1[%get3A, %get3A_0] : memref<256x384xi32, #tpu.memory_space<vmem>>, vector<256x384xi32>
    %shift_left3A = arith.constant 16 : i32
    %shift_left3A_2 = vector.broadcast %shift_left3A : i32 to vector<256x384xi32>
    %shift_left3A_3 = arith.shli %get3A_1, %shift_left3A_2 : vector<256x384xi32>
    %bitcast_convert_type3A = tpu.bitcast %shift_left3A_3 : vector<256x384xi32> -> vector<256x384xf32>
    %and3A = arith.constant -65536 : i32
    %and3A_4 = vector.broadcast %and3A : i32 to vector<256x384xi32>
    %and3A_5 = arith.andi %get3A_1, %and3A_4 : vector<256x384xi32>
    %bitcast_convert_type3A_6 = tpu.bitcast %and3A_5 : vector<256x384xi32> -> vector<256x384xf32>
    %concatenate3A = tpu.concatenate %bitcast_convert_type3A, %bitcast_convert_type3A_6 in 1 : vector<256x384xf32>, vector<256x384xf32> -> vector<256x768xf32>
    %get3A_7 = arith.constant 0 : index
    %get3A_8 = arith.constant 0 : index
    %get3A_9 = arith.constant 0 : index
    %get3A_10 = vector.load %arg2[%get3A_7, %get3A_8, %get3A_9] : memref<1x256x768xf32, #tpu.memory_space<vmem>>, vector<1x256x768xf32>
    %get3A_11 = vector.shape_cast %get3A_10 : vector<1x256x768xf32> to vector<256x768xf32>
    %dot_general3A = arith.constant dense<0.000000e+00> : vector<256x256xf32>
    %dot_general3A_12 = tpu.matmul %concatenate3A, %get3A_11, %dot_general3A {dimension_numbers = #tpu.dot_dimension_numbers<[1], [1], [0], [0], [0, 0, 1, 0], [], []>, transpose_lhs_hint = false} : vector<256x768xf32>, vector<256x768xf32>, vector<256x256xf32> -> vector<256x256xf32>
    %get3A_13 = arith.constant 0 : index
    %get3A_14 = arith.constant 0 : index
    %get3A_15 = arith.constant 0 : index
    %get3A_16 = vector.load %arg3[%get3A_13, %get3A_14, %get3A_15] : memref<1x256x768xf32, #tpu.memory_space<vmem>>, vector<1x256x768xf32>
    %get3A_17 = vector.shape_cast %get3A_16 : vector<1x256x768xf32> to vector<256x768xf32>
    %dot_general3A_18 = arith.constant dense<0.000000e+00> : vector<256x256xf32>
    %dot_general3A_19 = tpu.matmul %concatenate3A, %get3A_17, %dot_general3A_18 {dimension_numbers = #tpu.dot_dimension_numbers<[1], [1], [0], [0], [0, 0, 1, 0], [], []>, transpose_lhs_hint = false} : vector<256x768xf32>, vector<256x768xf32>, vector<256x256xf32> -> vector<256x256xf32>
    %neg3A = arith.constant 0.000000e+00 : f32
    %neg3A_20 = vector.broadcast %neg3A : f32 to vector<256x256xf32>
    %neg3A_21 = arith.subf %neg3A_20, %dot_general3A_12 : vector<256x256xf32>
    %exp3A = math.exp %neg3A_21 : vector<256x256xf32>
    %add3A = arith.constant 1.000000e+00 : f32
    %add3A_22 = vector.broadcast %add3A : f32 to vector<256x256xf32>
    %add3A_23 = arith.addf %add3A_22, %exp3A : vector<256x256xf32>
    %div3A = arith.constant 1.000000e+00 : f32
    %div3A_24 = vector.broadcast %div3A : f32 to vector<256x256xf32>
    %div3A_25 = arith.divf %div3A_24, %add3A_23 : vector<256x256xf32>
    %mul3A = arith.mulf %dot_general3A_12, %div3A_25 : vector<256x256xf32>
    %mul3A_26 = arith.mulf %mul3A, %dot_general3A_19 : vector<256x256xf32>
    %get3A_27 = arith.constant 0 : index
    %get3A_28 = arith.constant 0 : index
    %get3A_29 = arith.constant 0 : index
    %get3A_30 = vector.load %arg4[%get3A_27, %get3A_28, %get3A_29] : memref<1x768x256xf32, #tpu.memory_space<vmem>>, vector<1x768x256xf32>
    %get3A_31 = vector.shape_cast %get3A_30 : vector<1x768x256xf32> to vector<768x256xf32>
    %dot_general3A_32 = arith.constant dense<0.000000e+00> : vector<256x768xf32>
    %dot_general3A_33 = tpu.matmul %mul3A_26, %get3A_31, %dot_general3A_32 {dimension_numbers = #tpu.dot_dimension_numbers<[1], [1], [0], [0], [0, 0, 1, 0], [], []>, transpose_lhs_hint = false} : vector<256x256xf32>, vector<768x256xf32>, vector<256x768xf32> -> vector<256x768xf32>
    %bitcast_convert_type3A_34 = tpu.bitcast %dot_general3A_33 : vector<256x768xf32> -> vector<256x768xi32>
    %add3A_35 = arith.constant 32768 : i32
    %add3A_36 = vector.broadcast %add3A_35 : i32 to vector<256x768xi32>
    %add3A_37 = arith.addi %bitcast_convert_type3A_34, %add3A_36 : vector<256x768xi32>
    %slice3A = vector.extract_strided_slice %add3A_37 {offsets = [0, 0], sizes = [256, 384], strides = [1, 1]} : vector<256x768xi32> to vector<256x384xi32>
    %shift_right_arithmetic3A = arith.constant 16 : i32
    %shift_right_arithmetic3A_38 = vector.broadcast %shift_right_arithmetic3A : i32 to vector<256x384xi32>
    %shift_right_arithmetic3A_39 = arith.shrsi %slice3A, %shift_right_arithmetic3A_38 : vector<256x384xi32>
    %and3A_40 = arith.constant 65535 : i32
    %and3A_41 = vector.broadcast %and3A_40 : i32 to vector<256x384xi32>
    %and3A_42 = arith.andi %shift_right_arithmetic3A_39, %and3A_41 : vector<256x384xi32>
    %slice3A_43 = vector.extract_strided_slice %add3A_37 {offsets = [0, 384], sizes = [256, 384], strides = [1, 1]} : vector<256x768xi32> to vector<256x384xi32>
    %and3A_44 = arith.constant -65536 : i32
    %and3A_45 = vector.broadcast %and3A_44 : i32 to vector<256x384xi32>
    %and3A_46 = arith.andi %slice3A_43, %and3A_45 : vector<256x384xi32>
    %or3A = arith.ori %and3A_42, %and3A_46 : vector<256x384xi32>
    %swap3A = arith.constant 0 : index
    %swap3A_47 = arith.constant 0 : index
    %swap3A_48 = vector.load %arg5[%swap3A, %swap3A_47] : memref<256x384xi32, #tpu.memory_space<vmem>>, vector<256x384xi32>
    tpu.vector_store %arg5[%swap3A, %swap3A_47], %or3A {strides = array<i32>} : memref<256x384xi32, #tpu.memory_space<vmem>>, vector<256x384xi32>,
    return
  }
  func.func @transform_0(%arg0: i32) -> (i32, i32) {
    %c0_i32 = arith.constant 0 : i32
    %c0_i32_0 = arith.constant 0 : i32
    return %arg0, %c0_i32 : i32, i32
  }
  func.func @transform_1(%arg0: i32) -> (i32, i32, i32) {
    %add3A = arith.constant 0 : i32
    %add3A_0 = arith.addi %add3A, %arg0 : i32
    %c0_i32 = arith.constant 0 : i32
    %c0_i32_1 = arith.constant 0 : i32
    %c0_i32_2 = arith.constant 0 : i32
    return %add3A_0, %c0_i32, %c0_i32_1 : i32, i32, i32
  }
  func.func @transform_2(%arg0: i32) -> (i32, i32, i32) {
    %add3A = arith.constant 0 : i32
    %add3A_0 = arith.addi %add3A, %arg0 : i32
    %c0_i32 = arith.constant 0 : i32
    %c0_i32_1 = arith.constant 0 : i32
    %c0_i32_2 = arith.constant 0 : i32
    return %add3A_0, %c0_i32, %c0_i32_1 : i32, i32, i32
  }
  func.func @transform_3(%arg0: i32) -> (i32, i32, i32) {
    %add3A = arith.constant 0 : i32
    %add3A_0 = arith.addi %add3A, %arg0 : i32
    %c0_i32 = arith.constant 0 : i32
    %c0_i32_1 = arith.constant 0 : i32
    %c0_i32_2 = arith.constant 0 : i32
    return %add3A_0, %c0_i32, %c0_i32_1 : i32, i32, i32
  }
  func.func @transform_4(%arg0: i32) -> (i32, i32) {
    %add3A = arith.constant 0 : i32
    %add3A_0 = arith.addi %add3A, %arg0 : i32
    %c0_i32 = arith.constant 0 : i32
    %c0_i32_1 = arith.constant 0 : i32
    return %add3A_0, %c0_i32 : i32, i32
  }
}

module attributes {stable_mosaic.version = 14 : i64} {
  func.func @_experts_body(%arg0: i32, %arg1: memref<256x384xi32, #tpu.memory_space<vmem>>, %arg2: memref<1x256x768xf32, #tpu.memory_space<vmem>>, %arg3: memref<1x256x768xf32, #tpu.memory_space<vmem>>, %arg4: memref<1x768x256xf32, #tpu.memory_space<vmem>>, %arg5: memref<16384x384xi32, #tpu.memory_space<hbm>>, %arg6: memref<256x384xi32, #tpu.memory_space<vmem>>) attributes {dimension_semantics = [#tpu.dimension_semantics<arbitrary>], iteration_bounds = array<i64: 16>, scalar_prefetch = 0 : i64, scratch_operands = 0 : i64, tpu.core_type = #tpu.core_type<tc>, window_params = [{transform_indices = @transform_0, window_bounds = array<i64: 256, 384>}, {transform_indices = @transform_1, window_bounds = array<i64: 1, 256, 768>}, {transform_indices = @transform_2, window_bounds = array<i64: 1, 256, 768>}, {transform_indices = @transform_3, window_bounds = array<i64: 1, 768, 256>}, {}, {transform_indices = @transform_5, window_bounds = array<i64: 256, 384>}]} {
    %get3A = arith.constant 0 : index
    %get3A_0 = arith.constant 0 : index
    %get3A_1 = vector.load %arg1[%get3A, %get3A_0] : memref<256x384xi32, #tpu.memory_space<vmem>>, vector<256x384xi32>
    %shift_left3A = arith.constant 16 : i32
    %shift_left3A_2 = vector.broadcast %shift_left3A : i32 to vector<256x384xi32>
    %shift_left3A_3 = arith.shli %get3A_1, %shift_left3A_2 : vector<256x384xi32>
    %bitcast_convert_type3A = tpu.bitcast %shift_left3A_3 : vector<256x384xi32> -> vector<256x384xf32>
    %and3A = arith.constant -65536 : i32
    %and3A_4 = vector.broadcast %and3A : i32 to vector<256x384xi32>
    %and3A_5 = arith.andi %get3A_1, %and3A_4 : vector<256x384xi32>
    %bitcast_convert_type3A_6 = tpu.bitcast %and3A_5 : vector<256x384xi32> -> vector<256x384xf32>
    %concatenate3A = tpu.concatenate %bitcast_convert_type3A, %bitcast_convert_type3A_6 in 1 : vector<256x384xf32>, vector<256x384xf32> -> vector<256x768xf32>
    %get3A_7 = arith.constant 0 : index
    %get3A_8 = arith.constant 0 : index
    %get3A_9 = arith.constant 0 : index
    %get3A_10 = vector.load %arg2[%get3A_7, %get3A_8, %get3A_9] : memref<1x256x768xf32, #tpu.memory_space<vmem>>, vector<1x256x768xf32>
    %get3A_11 = vector.shape_cast %get3A_10 : vector<1x256x768xf32> to vector<256x768xf32>
    %dot_general3A = arith.constant dense<0.000000e+00> : vector<256x256xf32>
    %dot_general3A_12 = tpu.matmul %concatenate3A, %get3A_11, %dot_general3A {dimension_numbers = #tpu.dot_dimension_numbers<[1], [1], [0], [0], [0, 0, 1, 0], [], []>, transpose_lhs_hint = false} : vector<256x768xf32>, vector<256x768xf32>, vector<256x256xf32> -> vector<256x256xf32>
    %get3A_13 = arith.constant 0 : index
    %get3A_14 = arith.constant 0 : index
    %get3A_15 = arith.constant 0 : index
    %get3A_16 = vector.load %arg3[%get3A_13, %get3A_14, %get3A_15] : memref<1x256x768xf32, #tpu.memory_space<vmem>>, vector<1x256x768xf32>
    %get3A_17 = vector.shape_cast %get3A_16 : vector<1x256x768xf32> to vector<256x768xf32>
    %dot_general3A_18 = arith.constant dense<0.000000e+00> : vector<256x256xf32>
    %dot_general3A_19 = tpu.matmul %concatenate3A, %get3A_17, %dot_general3A_18 {dimension_numbers = #tpu.dot_dimension_numbers<[1], [1], [0], [0], [0, 0, 1, 0], [], []>, transpose_lhs_hint = false} : vector<256x768xf32>, vector<256x768xf32>, vector<256x256xf32> -> vector<256x256xf32>
    %neg3A = arith.constant 0.000000e+00 : f32
    %neg3A_20 = vector.broadcast %neg3A : f32 to vector<256x256xf32>
    %neg3A_21 = arith.subf %neg3A_20, %dot_general3A_12 : vector<256x256xf32>
    %exp3A = math.exp %neg3A_21 : vector<256x256xf32>
    %add3A = arith.constant 1.000000e+00 : f32
    %add3A_22 = vector.broadcast %add3A : f32 to vector<256x256xf32>
    %add3A_23 = arith.addf %add3A_22, %exp3A : vector<256x256xf32>
    %div3A = arith.constant 1.000000e+00 : f32
    %div3A_24 = vector.broadcast %div3A : f32 to vector<256x256xf32>
    %div3A_25 = arith.divf %div3A_24, %add3A_23 : vector<256x256xf32>
    %mul3A = arith.mulf %dot_general3A_12, %div3A_25 : vector<256x256xf32>
    %mul3A_26 = arith.mulf %mul3A, %dot_general3A_19 : vector<256x256xf32>
    %get3A_27 = arith.constant 0 : index
    %get3A_28 = arith.constant 0 : index
    %get3A_29 = arith.constant 0 : index
    %get3A_30 = vector.load %arg4[%get3A_27, %get3A_28, %get3A_29] : memref<1x768x256xf32, #tpu.memory_space<vmem>>, vector<1x768x256xf32>
    %get3A_31 = vector.shape_cast %get3A_30 : vector<1x768x256xf32> to vector<768x256xf32>
    %dot_general3A_32 = arith.constant dense<0.000000e+00> : vector<256x768xf32>
    %dot_general3A_33 = tpu.matmul %mul3A_26, %get3A_31, %dot_general3A_32 {dimension_numbers = #tpu.dot_dimension_numbers<[1], [1], [0], [0], [0, 0, 1, 0], [], []>, transpose_lhs_hint = false} : vector<256x256xf32>, vector<768x256xf32>, vector<256x768xf32> -> vector<256x768xf32>
    %bitcast_convert_type3A_34 = tpu.bitcast %dot_general3A_33 : vector<256x768xf32> -> vector<256x768xi32>
    %add3A_35 = arith.constant 32768 : i32
    %add3A_36 = vector.broadcast %add3A_35 : i32 to vector<256x768xi32>
    %add3A_37 = arith.addi %bitcast_convert_type3A_34, %add3A_36 : vector<256x768xi32>
    %slice3A = vector.extract_strided_slice %add3A_37 {offsets = [0, 0], sizes = [256, 384], strides = [1, 1]} : vector<256x768xi32> to vector<256x384xi32>
    %shift_right_arithmetic3A = arith.constant 16 : i32
    %shift_right_arithmetic3A_38 = vector.broadcast %shift_right_arithmetic3A : i32 to vector<256x384xi32>
    %shift_right_arithmetic3A_39 = arith.shrsi %slice3A, %shift_right_arithmetic3A_38 : vector<256x384xi32>
    %and3A_40 = arith.constant 65535 : i32
    %and3A_41 = vector.broadcast %and3A_40 : i32 to vector<256x384xi32>
    %and3A_42 = arith.andi %shift_right_arithmetic3A_39, %and3A_41 : vector<256x384xi32>
    %slice3A_43 = vector.extract_strided_slice %add3A_37 {offsets = [0, 384], sizes = [256, 384], strides = [1, 1]} : vector<256x768xi32> to vector<256x384xi32>
    %and3A_44 = arith.constant -65536 : i32
    %and3A_45 = vector.broadcast %and3A_44 : i32 to vector<256x384xi32>
    %and3A_46 = arith.andi %slice3A_43, %and3A_45 : vector<256x384xi32>
    %or3A = arith.ori %and3A_42, %and3A_46 : vector<256x384xi32>
    %swap3A = arith.constant 0 : index
    %swap3A_47 = arith.constant 0 : index
    %swap3A_48 = vector.load %arg6[%swap3A, %swap3A_47] : memref<256x384xi32, #tpu.memory_space<vmem>>, vector<256x384xi32>
    tpu.vector_store %arg6[%swap3A, %swap3A_47], %or3A {strides = array<i32>} : memref<256x384xi32, #tpu.memory_space<vmem>>, vector<256x384xi32>,
    return
  }
  func.func @transform_0(%arg0: i32) -> (i32, i32) {
    %c0_i32 = arith.constant 0 : i32
    %c0_i32_0 = arith.constant 0 : i32
    return %arg0, %c0_i32 : i32, i32
  }
  func.func @transform_1(%arg0: i32) -> (i32, i32, i32) {
    %add3A = arith.constant 8 : i32
    %add3A_0 = arith.addi %add3A, %arg0 : i32
    %c0_i32 = arith.constant 0 : i32
    %c0_i32_1 = arith.constant 0 : i32
    %c0_i32_2 = arith.constant 0 : i32
    return %add3A_0, %c0_i32, %c0_i32_1 : i32, i32, i32
  }
  func.func @transform_2(%arg0: i32) -> (i32, i32, i32) {
    %add3A = arith.constant 8 : i32
    %add3A_0 = arith.addi %add3A, %arg0 : i32
    %c0_i32 = arith.constant 0 : i32
    %c0_i32_1 = arith.constant 0 : i32
    %c0_i32_2 = arith.constant 0 : i32
    return %add3A_0, %c0_i32, %c0_i32_1 : i32, i32, i32
  }
  func.func @transform_3(%arg0: i32) -> (i32, i32, i32) {
    %add3A = arith.constant 8 : i32
    %add3A_0 = arith.addi %add3A, %arg0 : i32
    %c0_i32 = arith.constant 0 : i32
    %c0_i32_1 = arith.constant 0 : i32
    %c0_i32_2 = arith.constant 0 : i32
    return %add3A_0, %c0_i32, %c0_i32_1 : i32, i32, i32
  }
  func.func @transform_5(%arg0: i32) -> (i32, i32) {
    %add3A = arith.constant 8 : i32
    %add3A_0 = arith.addi %add3A, %arg0 : i32
    %c0_i32 = arith.constant 0 : i32
    %c0_i32_1 = arith.constant 0 : i32
    return %add3A_0, %c0_i32 : i32, i32
  }
}

module attributes {stable_mosaic.version = 14 : i64} {
  func.func @_experts_body(%arg0: i32, %arg1: memref<256x384xi32, #tpu.memory_space<vmem>>, %arg2: memref<1x256x768xf32, #tpu.memory_space<vmem>>, %arg3: memref<1x256x768xf32, #tpu.memory_space<vmem>>, %arg4: memref<1x768x256xf32, #tpu.memory_space<vmem>>, %arg5: memref<16384x384xi32, #tpu.memory_space<hbm>>, %arg6: memref<256x384xi32, #tpu.memory_space<vmem>>) attributes {dimension_semantics = [#tpu.dimension_semantics<arbitrary>], iteration_bounds = array<i64: 20>, scalar_prefetch = 0 : i64, scratch_operands = 0 : i64, tpu.core_type = #tpu.core_type<tc>, window_params = [{transform_indices = @transform_0, window_bounds = array<i64: 256, 384>}, {transform_indices = @transform_1, window_bounds = array<i64: 1, 256, 768>}, {transform_indices = @transform_2, window_bounds = array<i64: 1, 256, 768>}, {transform_indices = @transform_3, window_bounds = array<i64: 1, 768, 256>}, {}, {transform_indices = @transform_5, window_bounds = array<i64: 256, 384>}]} {
    %get3A = arith.constant 0 : index
    %get3A_0 = arith.constant 0 : index
    %get3A_1 = vector.load %arg1[%get3A, %get3A_0] : memref<256x384xi32, #tpu.memory_space<vmem>>, vector<256x384xi32>
    %shift_left3A = arith.constant 16 : i32
    %shift_left3A_2 = vector.broadcast %shift_left3A : i32 to vector<256x384xi32>
    %shift_left3A_3 = arith.shli %get3A_1, %shift_left3A_2 : vector<256x384xi32>
    %bitcast_convert_type3A = tpu.bitcast %shift_left3A_3 : vector<256x384xi32> -> vector<256x384xf32>
    %and3A = arith.constant -65536 : i32
    %and3A_4 = vector.broadcast %and3A : i32 to vector<256x384xi32>
    %and3A_5 = arith.andi %get3A_1, %and3A_4 : vector<256x384xi32>
    %bitcast_convert_type3A_6 = tpu.bitcast %and3A_5 : vector<256x384xi32> -> vector<256x384xf32>
    %concatenate3A = tpu.concatenate %bitcast_convert_type3A, %bitcast_convert_type3A_6 in 1 : vector<256x384xf32>, vector<256x384xf32> -> vector<256x768xf32>
    %get3A_7 = arith.constant 0 : index
    %get3A_8 = arith.constant 0 : index
    %get3A_9 = arith.constant 0 : index
    %get3A_10 = vector.load %arg2[%get3A_7, %get3A_8, %get3A_9] : memref<1x256x768xf32, #tpu.memory_space<vmem>>, vector<1x256x768xf32>
    %get3A_11 = vector.shape_cast %get3A_10 : vector<1x256x768xf32> to vector<256x768xf32>
    %dot_general3A = arith.constant dense<0.000000e+00> : vector<256x256xf32>
    %dot_general3A_12 = tpu.matmul %concatenate3A, %get3A_11, %dot_general3A {dimension_numbers = #tpu.dot_dimension_numbers<[1], [1], [0], [0], [0, 0, 1, 0], [], []>, transpose_lhs_hint = false} : vector<256x768xf32>, vector<256x768xf32>, vector<256x256xf32> -> vector<256x256xf32>
    %get3A_13 = arith.constant 0 : index
    %get3A_14 = arith.constant 0 : index
    %get3A_15 = arith.constant 0 : index
    %get3A_16 = vector.load %arg3[%get3A_13, %get3A_14, %get3A_15] : memref<1x256x768xf32, #tpu.memory_space<vmem>>, vector<1x256x768xf32>
    %get3A_17 = vector.shape_cast %get3A_16 : vector<1x256x768xf32> to vector<256x768xf32>
    %dot_general3A_18 = arith.constant dense<0.000000e+00> : vector<256x256xf32>
    %dot_general3A_19 = tpu.matmul %concatenate3A, %get3A_17, %dot_general3A_18 {dimension_numbers = #tpu.dot_dimension_numbers<[1], [1], [0], [0], [0, 0, 1, 0], [], []>, transpose_lhs_hint = false} : vector<256x768xf32>, vector<256x768xf32>, vector<256x256xf32> -> vector<256x256xf32>
    %neg3A = arith.constant 0.000000e+00 : f32
    %neg3A_20 = vector.broadcast %neg3A : f32 to vector<256x256xf32>
    %neg3A_21 = arith.subf %neg3A_20, %dot_general3A_12 : vector<256x256xf32>
    %exp3A = math.exp %neg3A_21 : vector<256x256xf32>
    %add3A = arith.constant 1.000000e+00 : f32
    %add3A_22 = vector.broadcast %add3A : f32 to vector<256x256xf32>
    %add3A_23 = arith.addf %add3A_22, %exp3A : vector<256x256xf32>
    %div3A = arith.constant 1.000000e+00 : f32
    %div3A_24 = vector.broadcast %div3A : f32 to vector<256x256xf32>
    %div3A_25 = arith.divf %div3A_24, %add3A_23 : vector<256x256xf32>
    %mul3A = arith.mulf %dot_general3A_12, %div3A_25 : vector<256x256xf32>
    %mul3A_26 = arith.mulf %mul3A, %dot_general3A_19 : vector<256x256xf32>
    %get3A_27 = arith.constant 0 : index
    %get3A_28 = arith.constant 0 : index
    %get3A_29 = arith.constant 0 : index
    %get3A_30 = vector.load %arg4[%get3A_27, %get3A_28, %get3A_29] : memref<1x768x256xf32, #tpu.memory_space<vmem>>, vector<1x768x256xf32>
    %get3A_31 = vector.shape_cast %get3A_30 : vector<1x768x256xf32> to vector<768x256xf32>
    %dot_general3A_32 = arith.constant dense<0.000000e+00> : vector<256x768xf32>
    %dot_general3A_33 = tpu.matmul %mul3A_26, %get3A_31, %dot_general3A_32 {dimension_numbers = #tpu.dot_dimension_numbers<[1], [1], [0], [0], [0, 0, 1, 0], [], []>, transpose_lhs_hint = false} : vector<256x256xf32>, vector<768x256xf32>, vector<256x768xf32> -> vector<256x768xf32>
    %bitcast_convert_type3A_34 = tpu.bitcast %dot_general3A_33 : vector<256x768xf32> -> vector<256x768xi32>
    %add3A_35 = arith.constant 32768 : i32
    %add3A_36 = vector.broadcast %add3A_35 : i32 to vector<256x768xi32>
    %add3A_37 = arith.addi %bitcast_convert_type3A_34, %add3A_36 : vector<256x768xi32>
    %slice3A = vector.extract_strided_slice %add3A_37 {offsets = [0, 0], sizes = [256, 384], strides = [1, 1]} : vector<256x768xi32> to vector<256x384xi32>
    %shift_right_arithmetic3A = arith.constant 16 : i32
    %shift_right_arithmetic3A_38 = vector.broadcast %shift_right_arithmetic3A : i32 to vector<256x384xi32>
    %shift_right_arithmetic3A_39 = arith.shrsi %slice3A, %shift_right_arithmetic3A_38 : vector<256x384xi32>
    %and3A_40 = arith.constant 65535 : i32
    %and3A_41 = vector.broadcast %and3A_40 : i32 to vector<256x384xi32>
    %and3A_42 = arith.andi %shift_right_arithmetic3A_39, %and3A_41 : vector<256x384xi32>
    %slice3A_43 = vector.extract_strided_slice %add3A_37 {offsets = [0, 384], sizes = [256, 384], strides = [1, 1]} : vector<256x768xi32> to vector<256x384xi32>
    %and3A_44 = arith.constant -65536 : i32
    %and3A_45 = vector.broadcast %and3A_44 : i32 to vector<256x384xi32>
    %and3A_46 = arith.andi %slice3A_43, %and3A_45 : vector<256x384xi32>
    %or3A = arith.ori %and3A_42, %and3A_46 : vector<256x384xi32>
    %swap3A = arith.constant 0 : index
    %swap3A_47 = arith.constant 0 : index
    %swap3A_48 = vector.load %arg6[%swap3A, %swap3A_47] : memref<256x384xi32, #tpu.memory_space<vmem>>, vector<256x384xi32>
    tpu.vector_store %arg6[%swap3A, %swap3A_47], %or3A {strides = array<i32>} : memref<256x384xi32, #tpu.memory_space<vmem>>, vector<256x384xi32>,
    return
  }
  func.func @transform_0(%arg0: i32) -> (i32, i32) {
    %c0_i32 = arith.constant 0 : i32
    %c0_i32_0 = arith.constant 0 : i32
    return %arg0, %c0_i32 : i32, i32
  }
  func.func @transform_1(%arg0: i32) -> (i32, i32, i32) {
    %add3A = arith.constant 24 : i32
    %add3A_0 = arith.addi %add3A, %arg0 : i32
    %c0_i32 = arith.constant 0 : i32
    %c0_i32_1 = arith.constant 0 : i32
    %c0_i32_2 = arith.constant 0 : i32
    return %add3A_0, %c0_i32, %c0_i32_1 : i32, i32, i32
  }
  func.func @transform_2(%arg0: i32) -> (i32, i32, i32) {
    %add3A = arith.constant 24 : i32
    %add3A_0 = arith.addi %add3A, %arg0 : i32
    %c0_i32 = arith.constant 0 : i32
    %c0_i32_1 = arith.constant 0 : i32
    %c0_i32_2 = arith.constant 0 : i32
    return %add3A_0, %c0_i32, %c0_i32_1 : i32, i32, i32
  }
  func.func @transform_3(%arg0: i32) -> (i32, i32, i32) {
    %add3A = arith.constant 24 : i32
    %add3A_0 = arith.addi %add3A, %arg0 : i32
    %c0_i32 = arith.constant 0 : i32
    %c0_i32_1 = arith.constant 0 : i32
    %c0_i32_2 = arith.constant 0 : i32
    return %add3A_0, %c0_i32, %c0_i32_1 : i32, i32, i32
  }
  func.func @transform_5(%arg0: i32) -> (i32, i32) {
    %add3A = arith.constant 24 : i32
    %add3A_0 = arith.addi %add3A, %arg0 : i32
    %c0_i32 = arith.constant 0 : i32
    %c0_i32_1 = arith.constant 0 : i32
    return %add3A_0, %c0_i32 : i32, i32
  }
}

module attributes {stable_mosaic.version = 14 : i64} {
  func.func @_experts_body(%arg0: i32, %arg1: memref<256x384xi32, #tpu.memory_space<vmem>>, %arg2: memref<1x256x768xf32, #tpu.memory_space<vmem>>, %arg3: memref<1x256x768xf32, #tpu.memory_space<vmem>>, %arg4: memref<1x768x256xf32, #tpu.memory_space<vmem>>, %arg5: memref<16384x384xi32, #tpu.memory_space<hbm>>, %arg6: memref<256x384xi32, #tpu.memory_space<vmem>>) attributes {dimension_semantics = [#tpu.dimension_semantics<arbitrary>], iteration_bounds = array<i64: 20>, scalar_prefetch = 0 : i64, scratch_operands = 0 : i64, tpu.core_type = #tpu.core_type<tc>, window_params = [{transform_indices = @transform_0, window_bounds = array<i64: 256, 384>}, {transform_indices = @transform_1, window_bounds = array<i64: 1, 256, 768>}, {transform_indices = @transform_2, window_bounds = array<i64: 1, 256, 768>}, {transform_indices = @transform_3, window_bounds = array<i64: 1, 768, 256>}, {}, {transform_indices = @transform_5, window_bounds = array<i64: 256, 384>}]} {
    %get3A = arith.constant 0 : index
    %get3A_0 = arith.constant 0 : index
    %get3A_1 = vector.load %arg1[%get3A, %get3A_0] : memref<256x384xi32, #tpu.memory_space<vmem>>, vector<256x384xi32>
    %shift_left3A = arith.constant 16 : i32
    %shift_left3A_2 = vector.broadcast %shift_left3A : i32 to vector<256x384xi32>
    %shift_left3A_3 = arith.shli %get3A_1, %shift_left3A_2 : vector<256x384xi32>
    %bitcast_convert_type3A = tpu.bitcast %shift_left3A_3 : vector<256x384xi32> -> vector<256x384xf32>
    %and3A = arith.constant -65536 : i32
    %and3A_4 = vector.broadcast %and3A : i32 to vector<256x384xi32>
    %and3A_5 = arith.andi %get3A_1, %and3A_4 : vector<256x384xi32>
    %bitcast_convert_type3A_6 = tpu.bitcast %and3A_5 : vector<256x384xi32> -> vector<256x384xf32>
    %concatenate3A = tpu.concatenate %bitcast_convert_type3A, %bitcast_convert_type3A_6 in 1 : vector<256x384xf32>, vector<256x384xf32> -> vector<256x768xf32>
    %get3A_7 = arith.constant 0 : index
    %get3A_8 = arith.constant 0 : index
    %get3A_9 = arith.constant 0 : index
    %get3A_10 = vector.load %arg2[%get3A_7, %get3A_8, %get3A_9] : memref<1x256x768xf32, #tpu.memory_space<vmem>>, vector<1x256x768xf32>
    %get3A_11 = vector.shape_cast %get3A_10 : vector<1x256x768xf32> to vector<256x768xf32>
    %dot_general3A = arith.constant dense<0.000000e+00> : vector<256x256xf32>
    %dot_general3A_12 = tpu.matmul %concatenate3A, %get3A_11, %dot_general3A {dimension_numbers = #tpu.dot_dimension_numbers<[1], [1], [0], [0], [0, 0, 1, 0], [], []>, transpose_lhs_hint = false} : vector<256x768xf32>, vector<256x768xf32>, vector<256x256xf32> -> vector<256x256xf32>
    %get3A_13 = arith.constant 0 : index
    %get3A_14 = arith.constant 0 : index
    %get3A_15 = arith.constant 0 : index
    %get3A_16 = vector.load %arg3[%get3A_13, %get3A_14, %get3A_15] : memref<1x256x768xf32, #tpu.memory_space<vmem>>, vector<1x256x768xf32>
    %get3A_17 = vector.shape_cast %get3A_16 : vector<1x256x768xf32> to vector<256x768xf32>
    %dot_general3A_18 = arith.constant dense<0.000000e+00> : vector<256x256xf32>
    %dot_general3A_19 = tpu.matmul %concatenate3A, %get3A_17, %dot_general3A_18 {dimension_numbers = #tpu.dot_dimension_numbers<[1], [1], [0], [0], [0, 0, 1, 0], [], []>, transpose_lhs_hint = false} : vector<256x768xf32>, vector<256x768xf32>, vector<256x256xf32> -> vector<256x256xf32>
    %neg3A = arith.constant 0.000000e+00 : f32
    %neg3A_20 = vector.broadcast %neg3A : f32 to vector<256x256xf32>
    %neg3A_21 = arith.subf %neg3A_20, %dot_general3A_12 : vector<256x256xf32>
    %exp3A = math.exp %neg3A_21 : vector<256x256xf32>
    %add3A = arith.constant 1.000000e+00 : f32
    %add3A_22 = vector.broadcast %add3A : f32 to vector<256x256xf32>
    %add3A_23 = arith.addf %add3A_22, %exp3A : vector<256x256xf32>
    %div3A = arith.constant 1.000000e+00 : f32
    %div3A_24 = vector.broadcast %div3A : f32 to vector<256x256xf32>
    %div3A_25 = arith.divf %div3A_24, %add3A_23 : vector<256x256xf32>
    %mul3A = arith.mulf %dot_general3A_12, %div3A_25 : vector<256x256xf32>
    %mul3A_26 = arith.mulf %mul3A, %dot_general3A_19 : vector<256x256xf32>
    %get3A_27 = arith.constant 0 : index
    %get3A_28 = arith.constant 0 : index
    %get3A_29 = arith.constant 0 : index
    %get3A_30 = vector.load %arg4[%get3A_27, %get3A_28, %get3A_29] : memref<1x768x256xf32, #tpu.memory_space<vmem>>, vector<1x768x256xf32>
    %get3A_31 = vector.shape_cast %get3A_30 : vector<1x768x256xf32> to vector<768x256xf32>
    %dot_general3A_32 = arith.constant dense<0.000000e+00> : vector<256x768xf32>
    %dot_general3A_33 = tpu.matmul %mul3A_26, %get3A_31, %dot_general3A_32 {dimension_numbers = #tpu.dot_dimension_numbers<[1], [1], [0], [0], [0, 0, 1, 0], [], []>, transpose_lhs_hint = false} : vector<256x256xf32>, vector<768x256xf32>, vector<256x768xf32> -> vector<256x768xf32>
    %bitcast_convert_type3A_34 = tpu.bitcast %dot_general3A_33 : vector<256x768xf32> -> vector<256x768xi32>
    %add3A_35 = arith.constant 32768 : i32
    %add3A_36 = vector.broadcast %add3A_35 : i32 to vector<256x768xi32>
    %add3A_37 = arith.addi %bitcast_convert_type3A_34, %add3A_36 : vector<256x768xi32>
    %slice3A = vector.extract_strided_slice %add3A_37 {offsets = [0, 0], sizes = [256, 384], strides = [1, 1]} : vector<256x768xi32> to vector<256x384xi32>
    %shift_right_arithmetic3A = arith.constant 16 : i32
    %shift_right_arithmetic3A_38 = vector.broadcast %shift_right_arithmetic3A : i32 to vector<256x384xi32>
    %shift_right_arithmetic3A_39 = arith.shrsi %slice3A, %shift_right_arithmetic3A_38 : vector<256x384xi32>
    %and3A_40 = arith.constant 65535 : i32
    %and3A_41 = vector.broadcast %and3A_40 : i32 to vector<256x384xi32>
    %and3A_42 = arith.andi %shift_right_arithmetic3A_39, %and3A_41 : vector<256x384xi32>
    %slice3A_43 = vector.extract_strided_slice %add3A_37 {offsets = [0, 384], sizes = [256, 384], strides = [1, 1]} : vector<256x768xi32> to vector<256x384xi32>
    %and3A_44 = arith.constant -65536 : i32
    %and3A_45 = vector.broadcast %and3A_44 : i32 to vector<256x384xi32>
    %and3A_46 = arith.andi %slice3A_43, %and3A_45 : vector<256x384xi32>
    %or3A = arith.ori %and3A_42, %and3A_46 : vector<256x384xi32>
    %swap3A = arith.constant 0 : index
    %swap3A_47 = arith.constant 0 : index
    %swap3A_48 = vector.load %arg6[%swap3A, %swap3A_47] : memref<256x384xi32, #tpu.memory_space<vmem>>, vector<256x384xi32>
    tpu.vector_store %arg6[%swap3A, %swap3A_47], %or3A {strides = array<i32>} : memref<256x384xi32, #tpu.memory_space<vmem>>, vector<256x384xi32>,
    return
  }
  func.func @transform_0(%arg0: i32) -> (i32, i32) {
    %c0_i32 = arith.constant 0 : i32
    %c0_i32_0 = arith.constant 0 : i32
    return %arg0, %c0_i32 : i32, i32
  }
  func.func @transform_1(%arg0: i32) -> (i32, i32, i32) {
    %add3A = arith.constant 44 : i32
    %add3A_0 = arith.addi %add3A, %arg0 : i32
    %c0_i32 = arith.constant 0 : i32
    %c0_i32_1 = arith.constant 0 : i32
    %c0_i32_2 = arith.constant 0 : i32
    return %add3A_0, %c0_i32, %c0_i32_1 : i32, i32, i32
  }
  func.func @transform_2(%arg0: i32) -> (i32, i32, i32) {
    %add3A = arith.constant 44 : i32
    %add3A_0 = arith.addi %add3A, %arg0 : i32
    %c0_i32 = arith.constant 0 : i32
    %c0_i32_1 = arith.constant 0 : i32
    %c0_i32_2 = arith.constant 0 : i32
    return %add3A_0, %c0_i32, %c0_i32_1 : i32, i32, i32
  }
  func.func @transform_3(%arg0: i32) -> (i32, i32, i32) {
    %add3A = arith.constant 44 : i32
    %add3A_0 = arith.addi %add3A, %arg0 : i32
    %c0_i32 = arith.constant 0 : i32
    %c0_i32_1 = arith.constant 0 : i32
    %c0_i32_2 = arith.constant 0 : i32
    return %add3A_0, %c0_i32, %c0_i32_1 : i32, i32, i32
  }
  func.func @transform_5(%arg0: i32) -> (i32, i32) {
    %add3A = arith.constant 44 : i32
    %add3A_0 = arith.addi %add3A, %arg0 : i32
    %c0_i32 = arith.constant 0 : i32
    %c0_i32_1 = arith.constant 0 : i32
    return %add3A_0, %c0_i32 : i32, i32
  }
}

module attributes {stable_mosaic.version = 14 : i64} {
  func.func @_final_body(%arg0: i32, %arg1: memref<256x768xf32, #tpu.memory_space<vmem>>, %arg2: memref<256x384xi32, #tpu.memory_space<vmem>>, %arg3: memref<256x384xi32, #tpu.memory_space<vmem>>, %arg4: memref<256x2xf32, #tpu.memory_space<vmem>>, %arg5: memref<1536x768xf32, #tpu.memory_space<vmem>>, %arg6: memref<1536x768xf32, #tpu.memory_space<vmem>>, %arg7: memref<768x1536xf32, #tpu.memory_space<vmem>>, %arg8: memref<1x768xf32, #tpu.memory_space<vmem>>, %arg9: memref<256x768xf32, #tpu.memory_space<vmem>>) attributes {dimension_semantics = [#tpu.dimension_semantics<arbitrary>], iteration_bounds = array<i64: 8>, scalar_prefetch = 0 : i64, scratch_operands = 0 : i64, tpu.core_type = #tpu.core_type<tc>, window_params = [{transform_indices = @transform_0, window_bounds = array<i64: 256, 768>}, {transform_indices = @transform_1, window_bounds = array<i64: 256, 384>}, {transform_indices = @transform_2, window_bounds = array<i64: 256, 384>}, {transform_indices = @transform_3, window_bounds = array<i64: 256, 2>}, {pipeline_mode = #tpu.pipeline_mode<synchronous>, transform_indices = @transform_4, window_bounds = array<i64: 1536, 768>}, {pipeline_mode = #tpu.pipeline_mode<synchronous>, transform_indices = @transform_5, window_bounds = array<i64: 1536, 768>}, {pipeline_mode = #tpu.pipeline_mode<synchronous>, transform_indices = @transform_6, window_bounds = array<i64: 768, 1536>}, {pipeline_mode = #tpu.pipeline_mode<synchronous>, transform_indices = @transform_7, window_bounds = array<i64: 1, 768>}, {transform_indices = @transform_8, window_bounds = array<i64: 256, 768>}]} {
    %get3A = arith.constant 0 : index
    %get3A_0 = arith.constant 0 : index
    %get3A_1 = vector.load %arg1[%get3A, %get3A_0] : memref<256x768xf32, #tpu.memory_space<vmem>>, vector<256x768xf32>
    %get3A_2 = arith.constant 0 : index
    %get3A_3 = arith.constant 0 : index
    %get3A_4 = vector.load %arg4[%get3A_2, %get3A_3] : memref<256x2xf32, #tpu.memory_space<vmem>>, vector<256x2xf32>
    %get3A_5 = arith.constant 0 : index
    %get3A_6 = arith.constant 0 : index
    %get3A_7 = vector.load %arg2[%get3A_5, %get3A_6] : memref<256x384xi32, #tpu.memory_space<vmem>>, vector<256x384xi32>
    %shift_left3A = arith.constant 16 : i32
    %shift_left3A_8 = vector.broadcast %shift_left3A : i32 to vector<256x384xi32>
    %shift_left3A_9 = arith.shli %get3A_7, %shift_left3A_8 : vector<256x384xi32>
    %bitcast_convert_type3A = tpu.bitcast %shift_left3A_9 : vector<256x384xi32> -> vector<256x384xf32>
    %and3A = arith.constant -65536 : i32
    %and3A_10 = vector.broadcast %and3A : i32 to vector<256x384xi32>
    %and3A_11 = arith.andi %get3A_7, %and3A_10 : vector<256x384xi32>
    %bitcast_convert_type3A_12 = tpu.bitcast %and3A_11 : vector<256x384xi32> -> vector<256x384xf32>
    %concatenate3A = tpu.concatenate %bitcast_convert_type3A, %bitcast_convert_type3A_12 in 1 : vector<256x384xf32>, vector<256x384xf32> -> vector<256x768xf32>
    %slice3A = vector.extract_strided_slice %get3A_4 {offsets = [0, 0], sizes = [256, 1], strides = [1, 1]} : vector<256x2xf32> to vector<256x1xf32>
    %mul3A = vector.broadcast %slice3A : vector<256x1xf32> to vector<256x768xf32>
    %mul3A_13 = arith.mulf %concatenate3A, %mul3A : vector<256x768xf32>
    %get3A_14 = arith.constant 0 : index
    %get3A_15 = arith.constant 0 : index
    %get3A_16 = vector.load %arg3[%get3A_14, %get3A_15] : memref<256x384xi32, #tpu.memory_space<vmem>>, vector<256x384xi32>
    %shift_left3A_17 = arith.constant 16 : i32
    %shift_left3A_18 = vector.broadcast %shift_left3A_17 : i32 to vector<256x384xi32>
    %shift_left3A_19 = arith.shli %get3A_16, %shift_left3A_18 : vector<256x384xi32>
    %bitcast_convert_type3A_20 = tpu.bitcast %shift_left3A_19 : vector<256x384xi32> -> vector<256x384xf32>
    %and3A_21 = arith.constant -65536 : i32
    %and3A_22 = vector.broadcast %and3A_21 : i32 to vector<256x384xi32>
    %and3A_23 = arith.andi %get3A_16, %and3A_22 : vector<256x384xi32>
    %bitcast_convert_type3A_24 = tpu.bitcast %and3A_23 : vector<256x384xi32> -> vector<256x384xf32>
    %concatenate3A_25 = tpu.concatenate %bitcast_convert_type3A_20, %bitcast_convert_type3A_24 in 1 : vector<256x384xf32>, vector<256x384xf32> -> vector<256x768xf32>
    %slice3A_26 = vector.extract_strided_slice %get3A_4 {offsets = [0, 1], sizes = [256, 1], strides = [1, 1]} : vector<256x2xf32> to vector<256x1xf32>
    %mul3A_27 = vector.broadcast %slice3A_26 : vector<256x1xf32> to vector<256x768xf32>
    %mul3A_28 = arith.mulf %concatenate3A_25, %mul3A_27 : vector<256x768xf32>
    %add3A = arith.addf %mul3A_13, %mul3A_28 : vector<256x768xf32>
    %get3A_29 = arith.constant 0 : index
    %get3A_30 = arith.constant 0 : index
    %get3A_31 = vector.load %arg5[%get3A_29, %get3A_30] : memref<1536x768xf32, #tpu.memory_space<vmem>>, vector<1536x768xf32>
    %dot_general3A = arith.constant dense<0.000000e+00> : vector<256x1536xf32>
    %dot_general3A_32 = tpu.matmul %get3A_1, %get3A_31, %dot_general3A {dimension_numbers = #tpu.dot_dimension_numbers<[1], [1], [0], [0], [0, 0, 1, 0], [], []>, transpose_lhs_hint = false} : vector<256x768xf32>, vector<1536x768xf32>, vector<256x1536xf32> -> vector<256x1536xf32>
    %get3A_33 = arith.constant 0 : index
    %get3A_34 = arith.constant 0 : index
    %get3A_35 = vector.load %arg6[%get3A_33, %get3A_34] : memref<1536x768xf32, #tpu.memory_space<vmem>>, vector<1536x768xf32>
    %dot_general3A_36 = arith.constant dense<0.000000e+00> : vector<256x1536xf32>
    %dot_general3A_37 = tpu.matmul %get3A_1, %get3A_35, %dot_general3A_36 {dimension_numbers = #tpu.dot_dimension_numbers<[1], [1], [0], [0], [0, 0, 1, 0], [], []>, transpose_lhs_hint = false} : vector<256x768xf32>, vector<1536x768xf32>, vector<256x1536xf32> -> vector<256x1536xf32>
    %neg3A = arith.constant 0.000000e+00 : f32
    %neg3A_38 = vector.broadcast %neg3A : f32 to vector<256x1536xf32>
    %neg3A_39 = arith.subf %neg3A_38, %dot_general3A_32 : vector<256x1536xf32>
    %exp3A = math.exp %neg3A_39 : vector<256x1536xf32>
    %add3A_40 = arith.constant 1.000000e+00 : f32
    %add3A_41 = vector.broadcast %add3A_40 : f32 to vector<256x1536xf32>
    %add3A_42 = arith.addf %add3A_41, %exp3A : vector<256x1536xf32>
    %div3A = arith.constant 1.000000e+00 : f32
    %div3A_43 = vector.broadcast %div3A : f32 to vector<256x1536xf32>
    %div3A_44 = arith.divf %div3A_43, %add3A_42 : vector<256x1536xf32>
    %mul3A_45 = arith.mulf %dot_general3A_32, %div3A_44 : vector<256x1536xf32>
    %mul3A_46 = arith.mulf %mul3A_45, %dot_general3A_37 : vector<256x1536xf32>
    %get3A_47 = arith.constant 0 : index
    %get3A_48 = arith.constant 0 : index
    %get3A_49 = vector.load %arg7[%get3A_47, %get3A_48] : memref<768x1536xf32, #tpu.memory_space<vmem>>, vector<768x1536xf32>
    %dot_general3A_50 = arith.constant dense<0.000000e+00> : vector<256x768xf32>
    %dot_general3A_51 = tpu.matmul %mul3A_46, %get3A_49, %dot_general3A_50 {dimension_numbers = #tpu.dot_dimension_numbers<[1], [1], [0], [0], [0, 0, 1, 0], [], []>, transpose_lhs_hint = false} : vector<256x1536xf32>, vector<768x1536xf32>, vector<256x768xf32> -> vector<256x768xf32>
    %get3A_52 = arith.constant 0 : index
    %get3A_53 = arith.constant 0 : index
    %get3A_54 = vector.load %arg8[%get3A_52, %get3A_53] : memref<1x768xf32, #tpu.memory_space<vmem>>, vector<1x768xf32>
    %dot_general3A_55 = arith.constant dense<0.000000e+00> : vector<256x1xf32>
    %dot_general3A_56 = tpu.matmul %get3A_1, %get3A_54, %dot_general3A_55 {dimension_numbers = #tpu.dot_dimension_numbers<[1], [1], [0], [0], [0, 0, 1, 0], [], []>, transpose_lhs_hint = false} : vector<256x768xf32>, vector<1x768xf32>, vector<256x1xf32> -> vector<256x1xf32>
    %neg3A_57 = arith.constant 0.000000e+00 : f32
    %neg3A_58 = vector.broadcast %neg3A_57 : f32 to vector<256x1xf32>
    %neg3A_59 = arith.subf %neg3A_58, %dot_general3A_56 : vector<256x1xf32>
    %exp3A_60 = math.exp %neg3A_59 : vector<256x1xf32>
    %add3A_61 = arith.constant 1.000000e+00 : f32
    %add3A_62 = vector.broadcast %add3A_61 : f32 to vector<256x1xf32>
    %add3A_63 = arith.addf %add3A_62, %exp3A_60 : vector<256x1xf32>
    %div3A_64 = arith.constant 1.000000e+00 : f32
    %div3A_65 = vector.broadcast %div3A_64 : f32 to vector<256x1xf32>
    %div3A_66 = arith.divf %div3A_65, %add3A_63 : vector<256x1xf32>
    %mul3A_67 = vector.broadcast %div3A_66 : vector<256x1xf32> to vector<256x768xf32>
    %mul3A_68 = arith.mulf %mul3A_67, %dot_general3A_51 : vector<256x768xf32>
    %add3A_69 = arith.addf %add3A, %mul3A_68 : vector<256x768xf32>
    %swap3A = arith.constant 0 : index
    %swap3A_70 = arith.constant 0 : index
    %swap3A_71 = vector.load %arg9[%swap3A, %swap3A_70] : memref<256x768xf32, #tpu.memory_space<vmem>>, vector<256x768xf32>
    tpu.vector_store %arg9[%swap3A, %swap3A_70], %add3A_69 {strides = array<i32>} : memref<256x768xf32, #tpu.memory_space<vmem>>, vector<256x768xf32>,
    return
  }
  func.func @transform_0(%arg0: i32) -> (i32, i32) {
    %c0_i32 = arith.constant 0 : i32
    %c0_i32_0 = arith.constant 0 : i32
    return %arg0, %c0_i32 : i32, i32
  }
  func.func @transform_1(%arg0: i32) -> (i32, i32) {
    %c0_i32 = arith.constant 0 : i32
    %c0_i32_0 = arith.constant 0 : i32
    return %arg0, %c0_i32 : i32, i32
  }
  func.func @transform_2(%arg0: i32) -> (i32, i32) {
    %add3A = arith.constant 8 : i32
    %add3A_0 = arith.addi %arg0, %add3A : i32
    %c0_i32 = arith.constant 0 : i32
    %c0_i32_1 = arith.constant 0 : i32
    return %add3A_0, %c0_i32 : i32, i32
  }
  func.func @transform_3(%arg0: i32) -> (i32, i32) {
    %c0_i32 = arith.constant 0 : i32
    %c0_i32_0 = arith.constant 0 : i32
    return %arg0, %c0_i32 : i32, i32
  }
  func.func @transform_4(%arg0: i32) -> (i32, i32) {
    %c0_i32 = arith.constant 0 : i32
    %c0_i32_0 = arith.constant 0 : i32
    %c0_i32_1 = arith.constant 0 : i32
    return %c0_i32, %c0_i32_0 : i32, i32
  }
  func.func @transform_5(%arg0: i32) -> (i32, i32) {
    %c0_i32 = arith.constant 0 : i32
    %c0_i32_0 = arith.constant 0 : i32
    %c0_i32_1 = arith.constant 0 : i32
    return %c0_i32, %c0_i32_0 : i32, i32
  }
  func.func @transform_6(%arg0: i32) -> (i32, i32) {
    %c0_i32 = arith.constant 0 : i32
    %c0_i32_0 = arith.constant 0 : i32
    %c0_i32_1 = arith.constant 0 : i32
    return %c0_i32, %c0_i32_0 : i32, i32
  }
  func.func @transform_7(%arg0: i32) -> (i32, i32) {
    %c0_i32 = arith.constant 0 : i32
    %c0_i32_0 = arith.constant 0 : i32
    %c0_i32_1 = arith.constant 0 : i32
    return %c0_i32, %c0_i32_0 : i32, i32
  }
  func.func @transform_8(%arg0: i32) -> (i32, i32) {
    %c0_i32 = arith.constant 0 : i32
    %c0_i32_0 = arith.constant 0 : i32
    return %arg0, %c0_i32 : i32, i32
  }
}

</mosaic_0001>

<sc_bundles>
// kernel: kernel.14.cloned.1.call-start
scs
__scs_entry_jumppad:
0x0: {  	(pc) =	sbr.rel $0x88, $3  }
0x1: {  	(tag) =	ssettag $0x0;
	lr =	simm.s32 $0x1  }
0x2: {  	[smem:$0x3F98] =	sst lr;
	_ =	strace $0xD0000000  }
0x3: {  	_ = 	snop  }
0x4: {  	_ = 	snop  }
0x5: {  	_ = 	snop  }
0x6: {  	_ = 	snop  }
0x7: {  	_ = 	snop  }
__scs_overlays_trampoline_lowered:
0x8: {  	[smem:$0x3FA7] =	sst s0  }
0x9: {  	[smem:$0x3FA8] =	sst s1  }
0xa: {  	[smem:$0x3FA9] =	sst s2  }
0xb: {  	[smem:$0x3FAA] =	sst s3  }
0xc: {  	[smem:$0x3FAB] =	sst s4  }
0xd: {  	[smem:$0x3FAC] =	sst s5  }
0xe: {  	[smem:$0x3FAD] =	sst s6  }
0xf: {  	[smem:$0x3FAE] =	sst s7  }
0x10: {  	[smem:$0x3FAF] =	sst s8  }
0x11: {  	[smem:$0x3FB0] =	sst s9;
	s0 =	simm.s32 @!p0 $0x0  }
0x12: {  	s1 =	sld [smem:$0x3F96];
	s0 =	simm.s32 @p0 $0x1  }
0x13: {  	[smem:$0x3FB1] =	sst s0;
	s0 =	simm.s32 @!p1 $0x0  }
0x14: {  	s2 =	sld [smem:$0x3F95];
	s0 =	simm.s32 @p1 $0x1  }
0x15: {  	[smem:$0x3FB2] =	sst s0;
	s0 =	simm.s32 @!p2 $0x0  }
0x16: {  	s3 =	sld [smem:$0x3FDB];
	s0 =	simm.s32 @p2 $0x1  }
0x17: {  	s4 =	simm.s32 $0x1BF5;
	[smem:$0x3FB4] =	sst s0  }
0x18: {  	s0 =	sld [smem:$0x3F97];
	_ =	swait.ge [sflag:s4], $0x0  }
0x19: {  	s7 =	sld [smem:$0x3F98]  }
0x1a: {  	s8 =	sadd.s32 $0xFFFFE003, lr  }
0x1b: {  	s9 =	sadd.s32 $0xFFFFFEF7, lr;
	s5 =	simm.s32 $0xFFFFFFFF;
	p2 =	slt.u32 s8, $0xFFFFF086  }
0x1c: {  	p1 =	slt.u32 s9, $0xF7A;
	s5 =	simm.s32 @!p2 $0x0  }
0x1d: {  	s5 =	simm.s32 @p1 $0x1;
	p0 =	seq.s32 s7, s2  }
0x1e: {  	s7 =	smul.u32 @!p0 $0xF7A, s2;
	p2 =	seq.s32 @!p0 s5, $0x0  }
0x1f: {  	s9 =	smul.u32 $0xF7A, s1;
	s8 =	simm.s32 @!p0 $0x1BF5;
	p2 =	por !p2, p0  }
0x20: {  	[sflag:s8] =	ssyncset.s32 @!p0 $0xFFFFF086;
	s6 =	sadd.s32 @!p0 s3, s7;
	s7 =	simm.s32 @!p0 $0x108  }
0x21: {  	s3 =	sadd.s32 s3, s9;
	s6 =	sadd.s32 @!p0 $0x88, s6;
	s7 =	simm.s32 @p2 $0x1082  }
0x22: {  	[simem:s7], [sflag:s8] =	dma.local @!p0 [hbm:s6], $0xF7A  }
0x23: {  	s9 =	sor.u32 $0xD0000000, s2;
	s6 =	simm.s32 $0x108;
	_ =	swait.ge @!p0 [sflag:s8], $0x0  }
0x24: {  	s3 =	sadd.s32 $0x88, s3;
	s6 =	simm.s32 @!p1 $0x1082;
	[sflag:s4] =	ssyncset.s32 $0xFFFFF086  }
0x25: {  	[simem:s6], [sflag:s4] =	dma.local [hbm:s3], $0xF7A  }
0x26: {  	[smem:$0x3F98] =	sst s1;
	(tag) =	ssettag s2;
	_ =	strace s9  }
0x27: {  	s1 =	sld [smem:$0x3FA8]  }
0x28: {  	s2 =	sld [smem:$0x3FA9]  }
0x29: {  	s4 =	sld [smem:$0x3FAB]  }
0x2a: {  	p0 =	seq.s32 s5, $0x0;
	s5 =	sld [smem:$0x3FAC]  }
0x2b: {  	s6 =	sld [smem:$0x3FAD]  }
0x2c: {  	s7 =	sld [smem:$0x3FAE]  }
0x2d: {  	s3 =	simm.s32 $0x108;
	s8 =	sld [smem:$0x3FAF]  }
0x2e: {  	s3 =	simm.s32 @!p0 $0x1082;
	s9 =	sld [smem:$0x3FB0]  }
0x2f: {  	lr =	sadd.s32 s0, s3;
	s0 =	sld [smem:$0x3FA7]  }
0x30: {  	s3 =	sld [smem:$0x3FAA]  }
0x31: {  	[smem:$0x3FB3] =	sst s10  }
0x32: {  	s10 =	sld [smem:$0x3FB1];
	_ =	sdelay $0x3  }
0x33: {  	p0 =	seq.s32 s10, $0x1;
	s10 =	sld [smem:$0x3FB3];
	_ =	sdelay $0x3  }
0x34: {  	[smem:$0x3FB3] =	sst s10  }
0x35: {  	s10 =	sld [smem:$0x3FB2];
	_ =	sdelay $0x3  }
0x36: {  	p1 =	seq.s32 s10, $0x1;
	s10 =	sld [smem:$0x3FB3];
	_ =	sdelay $0x3  }
0x37: {  	[smem:$0x3FB3] =	sst s10  }
0x38: {  	s10 =	sld [smem:$0x3FB4]  }
0x39: {  	_ = 	snop;
	(pc) =	sbr.ind lr, $3  }
0x3a: {  	_ = 	snop  }
0x3b: {  	_ = 	snop  }
0x3c: {  	p2 =	seq.s32 s10, $0x1;
	s10 =	sld [smem:$0x3FB3]  }
0x3d: {  	_ =	shalt  }
0x3e: {  	_ =	shalt  }
0x3f: {  	_ =	shalt  }
0x40: {  	_ =	shalt  }
0x41: {  	_ =	shalt  }
0x42: {  	_ =	shalt  }
0x43: {  	_ =	shalt  }
0x44: {  	_ =	shalt  }
0x45: {  	_ =	shalt  }
0x46: {  	_ =	shalt  }
0x47: {  	_ =	shalt  }
0x48: {  	_ =	shalt  }
0x49: {  	_ =	shalt  }
0x4a: {  	_ =	shalt  }
0x4b: {  	_ =	shalt  }
0x4c: {  	_ =	shalt  }
0x4d: {  	_ =	shalt  }
0x4e: {  	_ =	shalt  }
0x4f: {  	_ =	shalt  }
0x50: {  	_ =	shalt  }
0x51: {  	_ =	shalt  }
0x52: {  	_ =	shalt  }
0x53: {  	_ =	shalt  }
0x54: {  	_ =	shalt  }
0x55: {  	_ =	shalt  }
0x56: {  	_ =	shalt  }
0x57: {  	_ =	shalt  }
0x58: {  	_ =	shalt  }
0x59: {  	_ =	shalt  }
0x5a: {  	_ =	shalt  }
0x5b: {  	_ =	shalt  }
0x5c: {  	_ =	shalt  }
0x5d: {  	_ =	shalt  }
0x5e: {  	_ =	shalt  }
0x5f: {  	_ =	shalt  }
0x60: {  	_ =	shalt  }
0x61: {  	_ =	shalt  }
0x62: {  	_ =	shalt  }
0x63: {  	_ =	shalt  }
0x64: {  	_ =	shalt  }
0x65: {  	_ =	shalt  }
0x66: {  	_ =	shalt  }
0x67: {  	_ =	shalt  }
0x68: {  	_ =	shalt  }
0x69: {  	_ =	shalt  }
0x6a: {  	_ =	shalt  }
0x6b: {  	_ =	shalt  }
0x6c: {  	_ =	shalt  }
0x6d: {  	_ =	shalt  }
0x6e: {  	_ =	shalt  }
0x6f: {  	_ =	shalt  }
0x70: {  	_ =	shalt  }
0x71: {  	_ =	shalt  }
0x72: {  	_ =	shalt  }
0x73: {  	_ =	shalt  }
0x74: {  	_ =	shalt  }
0x75: {  	_ =	shalt  }
0x76: {  	_ =	shalt  }
0x77: {  	_ =	shalt  }
0x78: {  	_ =	shalt  }
0x79: {  	_ =	shalt  }
0x7a: {  	_ =	shalt  }
0x7b: {  	_ =	shalt  }
0x7c: {  	_ =	shalt  }
0x7d: {  	_ =	shalt  }
0x7e: {  	_ =	shalt  }
0x7f: {  	_ =	shalt  }
0x80: {  	_ =	shalt  }
0x81: {  	_ =	shalt  }
0x82: {  	_ =	shalt  }
0x83: {  	_ =	shalt  }
0x84: {  	_ =	shalt  }
0x85: {  	_ =	shalt  }
0x86: {  	_ =	shalt  }
0x87: {  	_ =	shalt  }
.Lfunc_end0:
.L_simem_size_0:
called_computation_lowered:
.L_overlay_start_0:
0x88: {  	s2 =	sld [smem:$0x3FD9]  }
0x89: {  	s3 =	sld [smem:$0x3FFE];
	_ =	sdelay $0x1  }
0x8a: {  	s1 =	srdreg.scid  }
0x8b: {  	s0 =	sand.u32 $0x1, s1  }
0x8c: {  	s14 =	sshll.u32 s0, $0xA;
	s2 =	sadd.s32 s3, s2  }
0x8d: {  	s2 =	sadd.s32 s2, s14  }
0x8e: {  	[smem:$0x3FBF] =	sst s2  }
0x8f: {  	_ = 	snop  }
0x90: {  	s2 =	sld [smem:$0x3FD0];
	_ =	sdelay $0x2  }
0x91: {  	s15 =	simm.s32 $0xD;
	s4 =	simm.s32 $0x10  }
0x92: {  	[smem:s4], [sflag:s15] =	dma.local [hbm:s2], $0x1  }
0x93: {  	_ =	swait.eq [sflag:s15], $0x1  }
0x94: {  	[sflag:s15] =	ssyncset.done $0x0  }
0x95: {  	s16 =	sld [smem:$0x10];
	[sflag:s15] =	ssyncadd.s32 $0xFFFFFFFF  }
0x96: {  	s17 =	sld [smem:$0x11];
	(tm) =	ssettm $0x1  }
0x97: {  	s18 =	sld [smem:$0x3FFB];
	_ =	sdelay $0x3  }
0x98: {  	_ =	strace s18  }
0x99: {  	s4 =	sld [smem:$0x3FFC];
	_ =	sdelay $0x3  }
0x9a: {  	_ =	strace s4  }
0x9b: {  	s4 =	sld [smem:$0x3FFD];
	_ =	sdelay $0x3  }
0x9c: {  	_ =	strace s4  }
0x9d: {  	_ =	strace $0x8FFFFFFF  }
0x9e: {  	s19 =	sld [smem:$0x3FDB];
	_ =	sdelay $0x1  }
0x9f: {  	s5 =	simm.s32 $_scs_section_size  }
0xa0: {  	s6 =	simm.s32 $_size__tile_overlayer_lowered;
	s7 =	simm.s32 $_tile_overlayer_lowered  }
0xa1: {  	s22 =	simm.s32 $0x1BFF;
	s21 =	sshll.u32 s7, $0x1;
	s4 =	sadd.s32 s5, s19  }
0xa2: {  	s8 =	simm.s32 $0x0;
	s20 =	sshll.u32 s6, $0x1;
	s6 =	sadd.s32 s21, s4  }
0xa3: {  	[timem:s8], [sflag:s22] =	dma.local [hbm:s6], s20  }
0xa4: {  	_ =	swait.ge [sflag:s22], s20  }
0xa5: {  	s5 =	ssub.s32 $0x0, s20;
	[sflag:s22] =	ssyncset.done $0x0  }
0xa6: {  	[sflag:s22] =	ssyncadd.s32 s5;
	_ =	sdelay $0x1  }
0xa7: {  	s23 =	simm.s32 $0x1B8B  }
0xa8: {  	_ =	swait.ge [sflag:s23], $0x1  }
0xa9: {  	[sflag:s23] =	ssyncset.done $0x0  }
0xaa: {  	s25 =	simm.s32 $0x1B8E;
	s24 =	sld [smem:$0x3FFE];
	[sflag:s23] =	ssyncadd.s32 $0xFFFFFFFF  }
0xab: {  	s26 =	simm.s32 $execute0_lowered;
	[smem:$0x3FD2] =	sst s25  }
0xac: {  	s6 =	sshll.u32 s26, $0x1;
	_ =	strace $0x80000046;
	[dreg:$0x1] =	wrdreg $0xFFFFFFFF  }
0xad: {  	s28 =	simm.s32 $_size_execute0_lowered;
	s4 =	sadd.s32 s4, s6;
	[dreg:$0x0] =	wrdreg $0x0  }
0xae: {  	s6 =	sshll.u32 s28, $0x1;
	[dreg:$0x2] =	wrdreg s4  }
0xaf: {  	[dreg:$0x3] =	wrdreg s6  }
0xb0: {  	[dreg:$0x4] =	wrdreg $0xC0  }
0xb1: {  	_ =	task [dreg:s8], $0x5FFFF  }
0xb2: {  	[dreg:$0x1] =	wrdreg $0xFFFFFFFF  }
0xb3: {  	[dreg:$0x0] =	wrdreg $0x60  }
0xb4: {  	[dreg:$0x2] =	wrdreg s16  }
0xb5: {  	[dreg:$0x3] =	wrdreg s17  }
0xb6: {  	[dreg:$0x4] =	wrdreg s24  }
0xb7: {  	[dreg:$0x5] =	wrdreg $0x9  }
0xb8: {  	_ =	task.clear_ibuf [dreg:s8], $0x6FFFF;
	_ =	strace $0x90000046  }
0xb9: {  	s29 =	simm.s32 $0x9;
	_ =	strace $0x80000048  }
0xba: {  	_ =	swait.ge [sflag:s29], $0x1  }
0xbb: {  	[sflag:s29] =	ssyncadd.s32 $0xFFFFFFFF  }
0xbc: {  	_ =	strace $0x90000048  }
0xbd: {  	_ =	sfence  }
0xbe: {  	s30 =	sld [smem:$0x0];
	_ =	sdelay $0x2  }
0xbf: {  	s31 =	sshll.u32 s1, $0xD;
	s1 =	sshrl.u32 s1, $0x2  }
0xc0: {  	s3 =	sand.u32 $0x4000, s31;
	s1 =	sadd.s32 s1, s30  }
0xc1: {  	s0 =	sor.u32 s3, s0;
	s1 =	sshll.u32 s1, $0x11  }
0xc2: {  	s0 =	sor.u32 s1, s0  }
0xc3: {  	s0 =	sadd.s32 $0x8F2B, s0  }
0xc4: {  	[sflag:s0] =	ssyncadd.remote.s32 $0x1  }
0xc5: {  	_ =	sfence.sel $0xFFFF  }
0xc6: {  	[dreg:$0x0] =	wrdreg $0xFFFFFFFF;
	(pc) =	sbr.abs _section_cstart, $3  }
0xc7: {  	[dreg:$0x1] =	wrdreg $0xFFFFFFFF  }
0xc8: {  	_ =	task.clear_ibuf [dreg:s8], $0x2FFFF;
	_ =	strace $0x9FFFFFFF  }
0xc9: {  	(tm) =	ssettm $0x7FFFFFFF  }
tec
execute0_lowered:
.L_overlay_start_1:
0x0: {  	(tag) =	ssettag $0x1  }
0x1: {  	s0 =	srdreg.scid  }
0x2: {  	s5 =	sand.u32 $0x1, s0;
	s0 =	stileid.u32  }
0x3: {  	s6 =	sor.u32 s0, s5  }
0x4: {  	p0 =	sne.s32 s6, $0x0  }
.Ltmp0:
0x5: {  	_ = 	snop;
	(pc) =	sbr.rel @p0 .LBB2_5-.Ltmp0, $4  }
0x6: {  	s1 =	rddreg [dreg:$0x0]  }
0x7: {  	s3 =	rddreg [dreg:$0x1]  }
0x8: {  	s4 =	rddreg [dreg:$0x2]  }
0x9: {  	s2 =	rddreg [dreg:$0x3];
	_ =	strace $0x80000047  }
0xa: {  	s5 =	ssub.s32 $0x2, s5  }
0xb: {  	s4 =	sadd.s32 $0x13C00, s4;
	s7 =	simm.s32 $0x1;
	s6 =	sshrl.u32 s5, $0x1  }
0xc: {  	v0 =	vlaneseq.u32;
	s8 =	simm.s32 $0x0;
	s5 =	ssub.s32 s5, s6;
	s6 =	simm.s32 $0x0  }
.LBB2_2:
0xd: {  	[tilespmem:s6], [sflag:$0x1] =	stream.linear.gather [hbm4b:s3+s6], $0x4080, $0x38;
	[tilespmem:$0x5080] =	vst v63  }
0xe: {  	_ =	swait.ge [sflag:s7], $0x4080  }
0xf: {  	[sflag:s7] =	ssyncset.done $0x0  }
0x10: {  	s9 =	simm.s32 $0x4080;
	[sflag:s7] =	ssyncadd.s32 $0xFFFFBF80  }
0x11: {  	[tilespmem:s9], [sflag:$0x1] =	stream.linear.gather [hbm4b:s1+s6], $0x1000, $0x38;
	[tilespmem:$0x5080] =	vst v63  }
0x12: {  	_ =	swait.ge [sflag:s7], $0x1000  }
0x13: {  	[sflag:s7] =	ssyncset.done $0x0  }
0x14: {  	[sflag:s7] =	ssyncadd.s32 $0xFFFFF000  }
0x15: {  	s10 =	simm.s32 $0x10;
	s11 =	simm.s32 $0x0;
	v1 =	vld [tilespmem:s9+$0x0]  }
.LBB2_3:
0x16: {  	p0 =	sne.s32 s10, $0xFF0;
	_ =	sdelay $0x3  }
.Ltmp1:
0x17: {  	(pc) =	sbr.rel @p0 .LBB2_3-.Ltmp1, $4  }
0x18: {  	v2 =	vor.u32 s11, v0;
	s11 =	smov.u32 s10  }
0x19: {  	v2 =	vshrl.u32 v2, $0x1  }
0x1a: {  	s9 =	sadd.s32 $0x10, s9;
	[tilespmem:v1+s6+$0x0] =	vst.idx.msk $0xffff, v2  }
0x1b: {  	s10 =	sadd.s32 $0x10, s10;
	v1 =	vld [tilespmem:s9+$0x0]  }
0x1c: {  	_ =	sdelay $0x5  }
0x1d: {  	v2 =	vor.u32 s11, v0;
	s8 =	sadd.s32 $0x1, s8  }
0x1e: {  	v2 =	vshrl.u32 v2, $0x1;
	p0 =	sne.s32 s8, s5  }
.Ltmp2:
0x1f: {  	[tilespmem:v1+s6+$0x0] =	vst.idx.msk $0xffff, v2;
	(pc) =	sbr.rel @p0 .LBB2_2-.Ltmp2, $4  }
0x20: {  	[hbm4b:s4+s6] =	stream.linear.scatter [tilespmem:s6], [sflag:$0x1], $0x4080, $0x38;
	[tilespmem:$0x5080] =	vst v63  }
0x21: {  	_ =	swait.ge [sflag:s7], $0x4080  }
0x22: {  	[sflag:s7] =	ssyncset.done $0x0  }
0x23: {  	[sflag:s7] =	ssyncadd.s32 $0xFFFFBF80  }
.LBB2_5:
0x24: {  	_ =	sfence.sel $0x180000  }
0x25: {  	[bflag:$0x0] =	sbarrier.arrive $0xFFFF  }
0x26: {  	p0 =	sne.s32 s0, $0x0;
	_ =	strace $0x90000047  }
0x27: {  	s0 =	sadd.s32 @!p0 $0x100000, s2;
	[bflag:$0x2] =	sbarrier.arrive $0xFFFF  }
0x28: {  	[sflag:s0] =	ssyncadd.tile.s32 @!p0 $0x1;
	_ =	shalt  }
.Lfunc_end2:
_tile_overlayer_lowered:
.L_overlay_start_2:
0x29: {  	(tag) =	ssettag $0x2  }
0x2a: {  	s0 =	rddreg [dreg:$0x0];
	s2 =	stileid.u32  }
0x2b: {  	s1 =	rddreg [dreg:$0x1];
	p0 =	sne.s32 s2, $0x0  }
0x2c: {  	s3 =	rddreg [dreg:$0x2];
	[bflag:$0x3] =	sbarrier.arrive $0xFFFF;
	s2 =	simm.s32 @!p0 $0x1C01  }
0x2d: {  	[timem:s3], [sflag:s2] =	dma.local @!p0 [hbm:s0], s1  }
0x2e: {  	s0 =	simm.s32 @!p0 $0x1  }
0x2f: {  	_ =	swait.ge @!p0 [sflag:s0], s1  }
0x30: {  	s1 =	ssub.s32 @!p0 $0x0, s1;
	[sflag:s0] =	ssyncset.done @!p0 $0x0  }
0x31: {  	[sflag:s0] =	ssyncadd.s32 @!p0 s1  }
0x32: {  	[bflag:$0x3] =	sbarrier.arrive $0xFFFF  }
0x33: {  	_ =	shalt  }

// kernel: kernel.17.cloned.1.call-start
scs
__scs_entry_jumppad:
0x0: {  	(pc) =	sbr.rel $0x88, $3  }
0x1: {  	(tag) =	ssettag $0x0;
	lr =	simm.s32 $0x1  }
0x2: {  	[smem:$0x3F98] =	sst lr;
	_ =	strace $0xD0000000  }
0x3: {  	_ = 	snop  }
0x4: {  	_ = 	snop  }
0x5: {  	_ = 	snop  }
0x6: {  	_ = 	snop  }
0x7: {  	_ = 	snop  }
__scs_overlays_trampoline_lowered:
0x8: {  	[smem:$0x3FA7] =	sst s0  }
0x9: {  	[smem:$0x3FA8] =	sst s1  }
0xa: {  	[smem:$0x3FA9] =	sst s2  }
0xb: {  	[smem:$0x3FAA] =	sst s3  }
0xc: {  	[smem:$0x3FAB] =	sst s4  }
0xd: {  	[smem:$0x3FAC] =	sst s5  }
0xe: {  	[smem:$0x3FAD] =	sst s6  }
0xf: {  	[smem:$0x3FAE] =	sst s7  }
0x10: {  	[smem:$0x3FAF] =	sst s8  }
0x11: {  	[smem:$0x3FB0] =	sst s9;
	s0 =	simm.s32 @!p0 $0x0  }
0x12: {  	s1 =	sld [smem:$0x3F96];
	s0 =	simm.s32 @p0 $0x1  }
0x13: {  	[smem:$0x3FB1] =	sst s0;
	s0 =	simm.s32 @!p1 $0x0  }
0x14: {  	s2 =	sld [smem:$0x3F95];
	s0 =	simm.s32 @p1 $0x1  }
0x15: {  	[smem:$0x3FB2] =	sst s0;
	s0 =	simm.s32 @!p2 $0x0  }
0x16: {  	s3 =	sld [smem:$0x3FDB];
	s0 =	simm.s32 @p2 $0x1  }
0x17: {  	s4 =	simm.s32 $0x1BF5;
	[smem:$0x3FB4] =	sst s0  }
0x18: {  	s0 =	sld [smem:$0x3F97];
	_ =	swait.ge [sflag:s4], $0x0  }
0x19: {  	s7 =	sld [smem:$0x3F98]  }
0x1a: {  	s8 =	sadd.s32 $0xFFFFE003, lr  }
0x1b: {  	s9 =	sadd.s32 $0xFFFFFEF7, lr;
	s5 =	simm.s32 $0xFFFFFFFF;
	p2 =	slt.u32 s8, $0xFFFFF086  }
0x1c: {  	p1 =	slt.u32 s9, $0xF7A;
	s5 =	simm.s32 @!p2 $0x0  }
0x1d: {  	s5 =	simm.s32 @p1 $0x1;
	p0 =	seq.s32 s7, s2  }
0x1e: {  	s7 =	smul.u32 @!p0 $0xF7A, s2;
	p2 =	seq.s32 @!p0 s5, $0x0  }
0x1f: {  	s9 =	smul.u32 $0xF7A, s1;
	s8 =	simm.s32 @!p0 $0x1BF5;
	p2 =	por !p2, p0  }
0x20: {  	[sflag:s8] =	ssyncset.s32 @!p0 $0xFFFFF086;
	s6 =	sadd.s32 @!p0 s3, s7;
	s7 =	simm.s32 @!p0 $0x108  }
0x21: {  	s3 =	sadd.s32 s3, s9;
	s6 =	sadd.s32 @!p0 $0x88, s6;
	s7 =	simm.s32 @p2 $0x1082  }
0x22: {  	[simem:s7], [sflag:s8] =	dma.local @!p0 [hbm:s6], $0xF7A  }
0x23: {  	s9 =	sor.u32 $0xD0000000, s2;
	s6 =	simm.s32 $0x108;
	_ =	swait.ge @!p0 [sflag:s8], $0x0  }
0x24: {  	s3 =	sadd.s32 $0x88, s3;
	s6 =	simm.s32 @!p1 $0x1082;
	[sflag:s4] =	ssyncset.s32 $0xFFFFF086  }
0x25: {  	[simem:s6], [sflag:s4] =	dma.local [hbm:s3], $0xF7A  }
0x26: {  	[smem:$0x3F98] =	sst s1;
	(tag) =	ssettag s2;
	_ =	strace s9  }
0x27: {  	s1 =	sld [smem:$0x3FA8]  }
0x28: {  	s2 =	sld [smem:$0x3FA9]  }
0x29: {  	s4 =	sld [smem:$0x3FAB]  }
0x2a: {  	p0 =	seq.s32 s5, $0x0;
	s5 =	sld [smem:$0x3FAC]  }
0x2b: {  	s6 =	sld [smem:$0x3FAD]  }
0x2c: {  	s7 =	sld [smem:$0x3FAE]  }
0x2d: {  	s3 =	simm.s32 $0x108;
	s8 =	sld [smem:$0x3FAF]  }
0x2e: {  	s3 =	simm.s32 @!p0 $0x1082;
	s9 =	sld [smem:$0x3FB0]  }
0x2f: {  	lr =	sadd.s32 s0, s3;
	s0 =	sld [smem:$0x3FA7]  }
0x30: {  	s3 =	sld [smem:$0x3FAA]  }
0x31: {  	[smem:$0x3FB3] =	sst s10  }
0x32: {  	s10 =	sld [smem:$0x3FB1];
	_ =	sdelay $0x3  }
0x33: {  	p0 =	seq.s32 s10, $0x1;
	s10 =	sld [smem:$0x3FB3];
	_ =	sdelay $0x3  }
0x34: {  	[smem:$0x3FB3] =	sst s10  }
0x35: {  	s10 =	sld [smem:$0x3FB2];
	_ =	sdelay $0x3  }
0x36: {  	p1 =	seq.s32 s10, $0x1;
	s10 =	sld [smem:$0x3FB3];
	_ =	sdelay $0x3  }
0x37: {  	[smem:$0x3FB3] =	sst s10  }
0x38: {  	s10 =	sld [smem:$0x3FB4]  }
0x39: {  	_ = 	snop;
	(pc) =	sbr.ind lr, $3  }
0x3a: {  	_ = 	snop  }
0x3b: {  	_ = 	snop  }
0x3c: {  	p2 =	seq.s32 s10, $0x1;
	s10 =	sld [smem:$0x3FB3]  }
0x3d: {  	_ =	shalt  }
0x3e: {  	_ =	shalt  }
0x3f: {  	_ =	shalt  }
0x40: {  	_ =	shalt  }
0x41: {  	_ =	shalt  }
0x42: {  	_ =	shalt  }
0x43: {  	_ =	shalt  }
0x44: {  	_ =	shalt  }
0x45: {  	_ =	shalt  }
0x46: {  	_ =	shalt  }
0x47: {  	_ =	shalt  }
0x48: {  	_ =	shalt  }
0x49: {  	_ =	shalt  }
0x4a: {  	_ =	shalt  }
0x4b: {  	_ =	shalt  }
0x4c: {  	_ =	shalt  }
0x4d: {  	_ =	shalt  }
0x4e: {  	_ =	shalt  }
0x4f: {  	_ =	shalt  }
0x50: {  	_ =	shalt  }
0x51: {  	_ =	shalt  }
0x52: {  	_ =	shalt  }
0x53: {  	_ =	shalt  }
0x54: {  	_ =	shalt  }
0x55: {  	_ =	shalt  }
0x56: {  	_ =	shalt  }
0x57: {  	_ =	shalt  }
0x58: {  	_ =	shalt  }
0x59: {  	_ =	shalt  }
0x5a: {  	_ =	shalt  }
0x5b: {  	_ =	shalt  }
0x5c: {  	_ =	shalt  }
0x5d: {  	_ =	shalt  }
0x5e: {  	_ =	shalt  }
0x5f: {  	_ =	shalt  }
0x60: {  	_ =	shalt  }
0x61: {  	_ =	shalt  }
0x62: {  	_ =	shalt  }
0x63: {  	_ =	shalt  }
0x64: {  	_ =	shalt  }
0x65: {  	_ =	shalt  }
0x66: {  	_ =	shalt  }
0x67: {  	_ =	shalt  }
0x68: {  	_ =	shalt  }
0x69: {  	_ =	shalt  }
0x6a: {  	_ =	shalt  }
0x6b: {  	_ =	shalt  }
0x6c: {  	_ =	shalt  }
0x6d: {  	_ =	shalt  }
0x6e: {  	_ =	shalt  }
0x6f: {  	_ =	shalt  }
0x70: {  	_ =	shalt  }
0x71: {  	_ =	shalt  }
0x72: {  	_ =	shalt  }
0x73: {  	_ =	shalt  }
0x74: {  	_ =	shalt  }
0x75: {  	_ =	shalt  }
0x76: {  	_ =	shalt  }
0x77: {  	_ =	shalt  }
0x78: {  	_ =	shalt  }
0x79: {  	_ =	shalt  }
0x7a: {  	_ =	shalt  }
0x7b: {  	_ =	shalt  }
0x7c: {  	_ =	shalt  }
0x7d: {  	_ =	shalt  }
0x7e: {  	_ =	shalt  }
0x7f: {  	_ =	shalt  }
0x80: {  	_ =	shalt  }
0x81: {  	_ =	shalt  }
0x82: {  	_ =	shalt  }
0x83: {  	_ =	shalt  }
0x84: {  	_ =	shalt  }
0x85: {  	_ =	shalt  }
0x86: {  	_ =	shalt  }
0x87: {  	_ =	shalt  }
.Lfunc_end0:
.L_simem_size_0:
called_computation.1_lowered:
.L_overlay_start_0:
0x88: {  	s2 =	sld [smem:$0x3FD9]  }
0x89: {  	s3 =	sld [smem:$0x3FFE];
	_ =	sdelay $0x1  }
0x8a: {  	s1 =	srdreg.scid  }
0x8b: {  	s0 =	sand.u32 $0x1, s1  }
0x8c: {  	s16 =	sshll.u32 s0, $0xA;
	s2 =	sadd.s32 s3, s2  }
0x8d: {  	s2 =	sadd.s32 s2, s16  }
0x8e: {  	[smem:$0x3FBF] =	sst s2  }
0x8f: {  	_ = 	snop  }
0x90: {  	(tm) =	ssettm $0x1  }
0x91: {  	s17 =	sld [smem:$0x3FFB];
	_ =	sdelay $0x3  }
0x92: {  	_ =	strace s17  }
0x93: {  	s2 =	sld [smem:$0x3FFC];
	_ =	sdelay $0x3  }
0x94: {  	_ =	strace s2  }
0x95: {  	s2 =	sld [smem:$0x3FFD];
	_ =	sdelay $0x3  }
0x96: {  	_ =	strace s2  }
0x97: {  	_ =	strace $0x8FFFFFFF  }
0x98: {  	s18 =	sld [smem:$0x3FDB];
	_ =	sdelay $0x1  }
0x99: {  	s19 =	simm.s32 $_scs_section_size  }
0x9a: {  	s4 =	simm.s32 $_size__tile_overlayer_lowered;
	s5 =	simm.s32 $_tile_overlayer_lowered  }
0x9b: {  	s22 =	simm.s32 $0x1BFF;
	s21 =	sshll.u32 s5, $0x1;
	s2 =	sadd.s32 s19, s18  }
0x9c: {  	s6 =	simm.s32 $0x0;
	s20 =	sshll.u32 s4, $0x1;
	s4 =	sadd.s32 s21, s2  }
0x9d: {  	[timem:s6], [sflag:s22] =	dma.local [hbm:s4], s20  }
0x9e: {  	_ =	swait.ge [sflag:s22], s20  }
0x9f: {  	s3 =	ssub.s32 $0x0, s20;
	[sflag:s22] =	ssyncset.done $0x0  }
0xa0: {  	[sflag:s22] =	ssyncadd.s32 s3;
	_ =	sdelay $0x1  }
0xa1: {  	s23 =	simm.s32 $0x1B8B  }
0xa2: {  	_ =	swait.ge [sflag:s23], $0x1  }
0xa3: {  	[sflag:s23] =	ssyncset.done $0x0  }
0xa4: {  	s25 =	simm.s32 $0x1B8E;
	s24 =	sld [smem:$0x3FFE];
	[sflag:s23] =	ssyncadd.s32 $0xFFFFFFFF  }
0xa5: {  	s26 =	simm.s32 $execute0_lowered;
	[smem:$0x3FD2] =	sst s25  }
0xa6: {  	s4 =	sshll.u32 s26, $0x1;
	_ =	strace $0x80000049;
	[dreg:$0x1] =	wrdreg $0xFFFFFFFF  }
0xa7: {  	s28 =	simm.s32 $_size_execute0_lowered;
	s2 =	sadd.s32 s2, s4;
	[dreg:$0x0] =	wrdreg $0x0  }
0xa8: {  	s4 =	sshll.u32 s28, $0x1;
	[dreg:$0x2] =	wrdreg s2  }
0xa9: {  	[dreg:$0x3] =	wrdreg s4  }
0xaa: {  	[dreg:$0x4] =	wrdreg $0xC0  }
0xab: {  	_ =	task [dreg:s6], $0x5FFFF  }
0xac: {  	[dreg:$0x1] =	wrdreg $0xFFFFFFFF  }
0xad: {  	[dreg:$0x0] =	wrdreg $0x60  }
0xae: {  	[dreg:$0x2] =	wrdreg s24  }
0xaf: {  	[dreg:$0x3] =	wrdreg $0x9  }
0xb0: {  	_ =	task.clear_ibuf [dreg:s6], $0x4FFFF;
	_ =	strace $0x90000049  }
0xb1: {  	s29 =	simm.s32 $0x9;
	_ =	strace $0x8000004B  }
0xb2: {  	_ =	swait.ge [sflag:s29], $0x1  }
0xb3: {  	[sflag:s29] =	ssyncadd.s32 $0xFFFFFFFF  }
0xb4: {  	_ =	strace $0x9000004B  }
0xb5: {  	_ =	sfence  }
0xb6: {  	s30 =	sld [smem:$0x0];
	_ =	sdelay $0x2  }
0xb7: {  	s31 =	sshll.u32 s1, $0xD;
	s1 =	sshrl.u32 s1, $0x2  }
0xb8: {  	s3 =	sand.u32 $0x4000, s31;
	s1 =	sadd.s32 s1, s30  }
0xb9: {  	s0 =	sor.u32 s3, s0;
	s1 =	sshll.u32 s1, $0x11  }
0xba: {  	s0 =	sor.u32 s1, s0  }
0xbb: {  	s0 =	sadd.s32 $0x8F2B, s0  }
0xbc: {  	[sflag:s0] =	ssyncadd.remote.s32 $0x1  }
0xbd: {  	_ =	sfence.sel $0xFFFF  }
0xbe: {  	[dreg:$0x0] =	wrdreg $0xFFFFFFFF;
	(pc) =	sbr.abs _section_cstart, $3  }
0xbf: {  	[dreg:$0x1] =	wrdreg $0xFFFFFFFF  }
0xc0: {  	_ =	task.clear_ibuf [dreg:s6], $0x2FFFF;
	_ =	strace $0x9FFFFFFF  }
0xc1: {  	(tm) =	ssettm $0x7FFFFFFF  }
tec
execute0_lowered:
.L_overlay_start_1:
0x0: {  	(tag) =	ssettag $0x1  }
0x1: {  	s5 =	rddreg [dreg:$0x0];
	s2 =	srdreg.scid  }
0x2: {  	s0 =	rddreg [dreg:$0x1];
	s1 =	stileid.u32  }
0x3: {  	s9 =	simm.s32 $0x80;
	s10 =	simm.s32 $0x880;
	s11 =	simm.s32 $0xC80  }
0x4: {  	s12 =	simm.s32 $0x1480;
	s13 =	simm.s32 $0x1880;
	s14 =	simm.s32 $0x2080  }
0x5: {  	s15 =	simm.s32 $0x2480;
	s16 =	simm.s32 $0x2C80;
	s17 =	simm.s32 $0x3080  }
0x6: {  	s18 =	simm.s32 $0x3880;
	s19 =	simm.s32 $0x3C80;
	s20 =	simm.s32 $0x4480  }
0x7: {  	s21 =	simm.s32 $0x4880;
	s22 =	simm.s32 $0x5080;
	s23 =	simm.s32 $0x5480  }
0x8: {  	s24 =	simm.s32 $0x5C80;
	s25 =	simm.s32 $0x1;
	s3 =	sand.u32 $0x1, s2  }
0x9: {  	s2 =	simm.s32 $0x0;
	s4 =	sshll.u32 s1, $0x4;
	s6 =	sshll.u32 s3, $0x3  }
0xa: {  	[smem:$0x7FF] =	sst s2;
	s7 =	ssub.s32 $0x2, s3;
	s4 =	sor.u32 s6, s4  }
0xb: {  	s3 =	sadd.s32 $0x14600, s5;
	s8 =	sshrl.u32 s7, $0x1;
	s6 =	smul.u32 $0x180, s4  }
0xc: {  	v2 =	vlaneseq.u32;
	_ =	strace $0x8000004A;
	s4 =	sadd.s32 s4, s5;
	s7 =	ssub.s32 s7, s8  }
0xd: {  	vm0 =	vmmov $0xffff;
	vm1 =	vmmov $0xff;
	v1 =	vshrl.u32 v2, $0x3;
	s8 =	simm.s32 $0x2;
	s4 =	sadd.s32 $0x13C00, s4;
	s6 =	sadd.s32 s6, s5  }
0xe: {  	v0 =	vand.u32 $0x7, v2;
	v2 =	vor.u32 $0x8, v2;
	v1 =	vmul.u32 $0x8, v1;
	s7 =	smax.u32 s7, $0x1;
	s5 =	sadd.s32 $0x14700, s5;
	s6 =	sadd.s32 $0x2C600, s6  }
.LBB2_1:
0xf: {  	[tilespmem:s2], [sflag:$0x2] =	stream.linear.gather [hbm4b:s4+s2], $0x40, $0x38;
	[tilespmem:$0x6080] =	vst v63  }
0x10: {  	_ =	swait.ge [sflag:s8], $0x40  }
0x11: {  	[sflag:s8] =	ssyncset.done $0x0  }
0x12: {  	[sflag:s8] =	ssyncadd.s32 $0xFFFFFFC0  }
0x13: {  	v3 =	vld [tilespmem:$0x0];
	_ =	sdelay $0x4  }
0x14: {  	v4 =	vshrl.u32 v3, $0x3  }
0x15: {  	v4 =	vmul.u32 $0x18, v4  }
0x16: {  	v3 =	vand.u32 $0x7, v3  }
0x17: {  	v3 =	vor.u32 v3, v4  }
0x18: {  	v4 =	vperm.xlane v3, v0;
	_ =	sdelay $0x1  }
0x19: {  	v4 =	vadd.s32 v1, v4;
	_ =	sdelay $0x1  }
0x1a: {  	v3 =	vperm.xlane v3, v2;
	_ =	sdelay $0x1  }
0x1b: {  	v3 =	vadd.s32 v1, v3  }
0x1c: {  	[tilespmem:s9], [sflag:$0x1] =	stream.indirect_vreg.gather [hbm4b:s3+s2], $0x80, v4, vm0, $0xb8;
	[tilespmem:$0x6080] =	vst v63  }
0x1d: {  	_ = 	snop  }
0x1e: {  	[tilespmem:s10], [sflag:$0x1] =	stream.indirect_vreg.gather [hbm4b:s5+s2], $0x80, v4, vm1, $0xb8;
	[tilespmem:$0x6080] =	vst v63  }
0x1f: {  	_ = 	snop  }
0x20: {  	[tilespmem:s11], [sflag:$0x1] =	stream.indirect_vreg.gather [hbm4b:s3+s2], $0x80, v3, vm0, $0xb8;
	[tilespmem:$0x6080] =	vst v63  }
0x21: {  	_ = 	snop  }
0x22: {  	[tilespmem:s12], [sflag:$0x1] =	stream.indirect_vreg.gather [hbm4b:s5+s2], $0x80, v3, vm1, $0xb8;
	[tilespmem:$0x6080] =	vst v63  }
0x23: {  	v3 =	vld [tilespmem:$0x10];
	_ =	sdelay $0x4  }
0x24: {  	v61 =	vshrl.u32 v3, $0x3  }
0x25: {  	v4 =	vmul.u32 $0x18, v61  }
0x26: {  	v3 =	vand.u32 $0x7, v3  }
0x27: {  	v3 =	vor.u32 v3, v4  }
0x28: {  	v4 =	vperm.xlane v3, v0;
	_ =	sdelay $0x1  }
0x29: {  	v4 =	vadd.s32 v1, v4;
	_ =	sdelay $0x1  }
0x2a: {  	v3 =	vperm.xlane v3, v2;
	_ =	sdelay $0x1  }
0x2b: {  	v3 =	vadd.s32 v1, v3  }
0x2c: {  	[tilespmem:s13], [sflag:$0x1] =	stream.indirect_vreg.gather [hbm4b:s3+s2], $0x80, v4, vm0, $0xb8;
	[tilespmem:$0x6080] =	vst v63  }
0x2d: {  	_ = 	snop  }
0x2e: {  	[tilespmem:s14], [sflag:$0x1] =	stream.indirect_vreg.gather [hbm4b:s5+s2], $0x80, v4, vm1, $0xb8;
	[tilespmem:$0x6080] =	vst v63  }
0x2f: {  	_ = 	snop  }
0x30: {  	[tilespmem:s15], [sflag:$0x1] =	stream.indirect_vreg.gather [hbm4b:s3+s2], $0x80, v3, vm0, $0xb8;
	[tilespmem:$0x6080] =	vst v63  }
0x31: {  	_ = 	snop  }
0x32: {  	[tilespmem:s16], [sflag:$0x1] =	stream.indirect_vreg.gather [hbm4b:s5+s2], $0x80, v3, vm1, $0xb8;
	[tilespmem:$0x6080] =	vst v63  }
0x33: {  	v3 =	vld [tilespmem:$0x20];
	_ =	sdelay $0x4  }
0x34: {  	v62 =	vshrl.u32 v3, $0x3  }
0x35: {  	v4 =	vmul.u32 $0x18, v62  }
0x36: {  	v3 =	vand.u32 $0x7, v3  }
0x37: {  	v3 =	vor.u32 v3, v4  }
0x38: {  	v4 =	vperm.xlane v3, v0;
	_ =	sdelay $0x1  }
0x39: {  	v4 =	vadd.s32 v1, v4;
	_ =	sdelay $0x1  }
0x3a: {  	v3 =	vperm.xlane v3, v2;
	_ =	sdelay $0x1  }
0x3b: {  	v3 =	vadd.s32 v1, v3  }
0x3c: {  	[tilespmem:s17], [sflag:$0x1] =	stream.indirect_vreg.gather [hbm4b:s3+s2], $0x80, v4, vm0, $0xb8;
	[tilespmem:$0x6080] =	vst v63  }
0x3d: {  	_ = 	snop  }
0x3e: {  	[tilespmem:s18], [sflag:$0x1] =	stream.indirect_vreg.gather [hbm4b:s5+s2], $0x80, v4, vm1, $0xb8;
	[tilespmem:$0x6080] =	vst v63  }
0x3f: {  	_ = 	snop  }
0x40: {  	[tilespmem:s19], [sflag:$0x1] =	stream.indirect_vreg.gather [hbm4b:s3+s2], $0x80, v3, vm0, $0xb8;
	[tilespmem:$0x6080] =	vst v63  }
0x41: {  	_ = 	snop  }
0x42: {  	[tilespmem:s20], [sflag:$0x1] =	stream.indirect_vreg.gather [hbm4b:s5+s2], $0x80, v3, vm1, $0xb8;
	[tilespmem:$0x6080] =	vst v63  }
0x43: {  	v3 =	vld [tilespmem:$0x30];
	_ =	sdelay $0x4  }
0x44: {  	v63 =	vshrl.u32 v3, $0x3  }
0x45: {  	v4 =	vmul.u32 $0x18, v63  }
0x46: {  	v3 =	vand.u32 $0x7, v3  }
0x47: {  	v3 =	vor.u32 v3, v4  }
0x48: {  	v4 =	vperm.xlane v3, v0;
	_ =	sdelay $0x1  }
0x49: {  	v4 =	vadd.s32 v1, v4;
	_ =	sdelay $0x1  }
0x4a: {  	v3 =	vperm.xlane v3, v2;
	_ =	sdelay $0x1  }
0x4b: {  	v3 =	vadd.s32 v1, v3  }
0x4c: {  	[tilespmem:s21], [sflag:$0x1] =	stream.indirect_vreg.gather [hbm4b:s3+s2], $0x80, v4, vm0, $0xb8;
	[tilespmem:$0x6080] =	vst v63  }
0x4d: {  	_ = 	snop  }
0x4e: {  	[tilespmem:s22], [sflag:$0x1] =	stream.indirect_vreg.gather [hbm4b:s5+s2], $0x80, v4, vm1, $0xb8;
	[tilespmem:$0x6080] =	vst v63  }
0x4f: {  	_ = 	snop  }
0x50: {  	[tilespmem:s23], [sflag:$0x1] =	stream.indirect_vreg.gather [hbm4b:s3+s2], $0x80, v3, vm0, $0xb8;
	[tilespmem:$0x6080] =	vst v63  }
0x51: {  	_ = 	snop  }
0x52: {  	[tilespmem:s24], [sflag:$0x1] =	stream.indirect_vreg.gather [hbm4b:s5+s2], $0x80, v3, vm1, $0xb8;
	[tilespmem:$0x6080] =	vst v63  }
0x53: {  	_ =	swait.ge [sflag:s25], $0x6000  }
0x54: {  	p0 =	sne.s32 s7, $0x1;
	[sflag:s25] =	ssyncset.done $0x0  }
.Ltmp0:
0x55: {  	[sflag:s25] =	ssyncadd.s32 $0xFFFFA000;
	(pc) =	sbr.rel @p0 .LBB2_1-.Ltmp0, $4  }
0x56: {  	[hbm4b:s6+s2] =	stream.linear.scatter [tilespmem:s9], [sflag:$0x2], $0x6000, $0x38;
	[tilespmem:$0x6080] =	vst v63  }
0x57: {  	_ =	swait.ge [sflag:s8], $0x6000  }
0x58: {  	[sflag:s8] =	ssyncset.done $0x0  }
0x59: {  	s7 =	sadd.s32 $0xFFFFFFFF, s7;
	[sflag:s8] =	ssyncadd.s32 $0xFFFFA000  }
0x5a: {  	_ =	sfence.sel $0x180000  }
0x5b: {  	[bflag:$0x0] =	sbarrier.arrive $0xFFFF  }
0x5c: {  	p0 =	sne.s32 s1, $0x0;
	_ =	strace $0x9000004A  }
0x5d: {  	s0 =	sadd.s32 @!p0 $0x100000, s0;
	[bflag:$0x2] =	sbarrier.arrive $0xFFFF  }
0x5e: {  	[sflag:s0] =	ssyncadd.tile.s32 @!p0 $0x1;
	_ =	shalt  }
.Lfunc_end2:
_tile_overlayer_lowered:
.L_overlay_start_2:
0x5f: {  	(tag) =	ssettag $0x2  }
0x60: {  	s0 =	rddreg [dreg:$0x0];
	s2 =	stileid.u32  }
0x61: {  	s1 =	rddreg [dreg:$0x1];
	p0 =	sne.s32 s2, $0x0  }
0x62: {  	s3 =	rddreg [dreg:$0x2];
	[bflag:$0x3] =	sbarrier.arrive $0xFFFF;
	s2 =	simm.s32 @!p0 $0x1C02  }
0x63: {  	[timem:s3], [sflag:s2] =	dma.local @!p0 [hbm:s0], s1  }
0x64: {  	s0 =	simm.s32 @!p0 $0x2  }
0x65: {  	_ =	swait.ge @!p0 [sflag:s0], s1  }
0x66: {  	s1 =	ssub.s32 @!p0 $0x0, s1;
	[sflag:s0] =	ssyncset.done @!p0 $0x0  }
0x67: {  	[sflag:s0] =	ssyncadd.s32 @!p0 s1  }
0x68: {  	[bflag:$0x3] =	sbarrier.arrive $0xFFFF  }
0x69: {  	_ =	shalt  }

// kernel: kernel.20.cloned.1.call-start
scs
__scs_entry_jumppad:
0x0: {  	(pc) =	sbr.rel $0x88, $3  }
0x1: {  	(tag) =	ssettag $0x0;
	lr =	simm.s32 $0x1  }
0x2: {  	[smem:$0x3F98] =	sst lr;
	_ =	strace $0xD0000000  }
0x3: {  	_ = 	snop  }
0x4: {  	_ = 	snop  }
0x5: {  	_ = 	snop  }
0x6: {  	_ = 	snop  }
0x7: {  	_ = 	snop  }
__scs_overlays_trampoline_lowered:
0x8: {  	[smem:$0x3FA7] =	sst s0  }
0x9: {  	[smem:$0x3FA8] =	sst s1  }
0xa: {  	[smem:$0x3FA9] =	sst s2  }
0xb: {  	[smem:$0x3FAA] =	sst s3  }
0xc: {  	[smem:$0x3FAB] =	sst s4  }
0xd: {  	[smem:$0x3FAC] =	sst s5  }
0xe: {  	[smem:$0x3FAD] =	sst s6  }
0xf: {  	[smem:$0x3FAE] =	sst s7  }
0x10: {  	[smem:$0x3FAF] =	sst s8  }
0x11: {  	[smem:$0x3FB0] =	sst s9;
	s0 =	simm.s32 @!p0 $0x0  }
0x12: {  	s1 =	sld [smem:$0x3F96];
	s0 =	simm.s32 @p0 $0x1  }
0x13: {  	[smem:$0x3FB1] =	sst s0;
	s0 =	simm.s32 @!p1 $0x0  }
0x14: {  	s2 =	sld [smem:$0x3F95];
	s0 =	simm.s32 @p1 $0x1  }
0x15: {  	[smem:$0x3FB2] =	sst s0;
	s0 =	simm.s32 @!p2 $0x0  }
0x16: {  	s3 =	sld [smem:$0x3FDB];
	s0 =	simm.s32 @p2 $0x1  }
0x17: {  	s4 =	simm.s32 $0x1BF5;
	[smem:$0x3FB4] =	sst s0  }
0x18: {  	s0 =	sld [smem:$0x3F97];
	_ =	swait.ge [sflag:s4], $0x0  }
0x19: {  	s7 =	sld [smem:$0x3F98]  }
0x1a: {  	s8 =	sadd.s32 $0xFFFFE003, lr  }
0x1b: {  	s9 =	sadd.s32 $0xFFFFFEF7, lr;
	s5 =	simm.s32 $0xFFFFFFFF;
	p2 =	slt.u32 s8, $0xFFFFF086  }
0x1c: {  	p1 =	slt.u32 s9, $0xF7A;
	s5 =	simm.s32 @!p2 $0x0  }
0x1d: {  	s5 =	simm.s32 @p1 $0x1;
	p0 =	seq.s32 s7, s2  }
0x1e: {  	s7 =	smul.u32 @!p0 $0xF7A, s2;
	p2 =	seq.s32 @!p0 s5, $0x0  }
0x1f: {  	s9 =	smul.u32 $0xF7A, s1;
	s8 =	simm.s32 @!p0 $0x1BF5;
	p2 =	por !p2, p0  }
0x20: {  	[sflag:s8] =	ssyncset.s32 @!p0 $0xFFFFF086;
	s6 =	sadd.s32 @!p0 s3, s7;
	s7 =	simm.s32 @!p0 $0x108  }
0x21: {  	s3 =	sadd.s32 s3, s9;
	s6 =	sadd.s32 @!p0 $0x88, s6;
	s7 =	simm.s32 @p2 $0x1082  }
0x22: {  	[simem:s7], [sflag:s8] =	dma.local @!p0 [hbm:s6], $0xF7A  }
0x23: {  	s9 =	sor.u32 $0xD0000000, s2;
	s6 =	simm.s32 $0x108;
	_ =	swait.ge @!p0 [sflag:s8], $0x0  }
0x24: {  	s3 =	sadd.s32 $0x88, s3;
	s6 =	simm.s32 @!p1 $0x1082;
	[sflag:s4] =	ssyncset.s32 $0xFFFFF086  }
0x25: {  	[simem:s6], [sflag:s4] =	dma.local [hbm:s3], $0xF7A  }
0x26: {  	[smem:$0x3F98] =	sst s1;
	(tag) =	ssettag s2;
	_ =	strace s9  }
0x27: {  	s1 =	sld [smem:$0x3FA8]  }
0x28: {  	s2 =	sld [smem:$0x3FA9]  }
0x29: {  	s4 =	sld [smem:$0x3FAB]  }
0x2a: {  	p0 =	seq.s32 s5, $0x0;
	s5 =	sld [smem:$0x3FAC]  }
0x2b: {  	s6 =	sld [smem:$0x3FAD]  }
0x2c: {  	s7 =	sld [smem:$0x3FAE]  }
0x2d: {  	s3 =	simm.s32 $0x108;
	s8 =	sld [smem:$0x3FAF]  }
0x2e: {  	s3 =	simm.s32 @!p0 $0x1082;
	s9 =	sld [smem:$0x3FB0]  }
0x2f: {  	lr =	sadd.s32 s0, s3;
	s0 =	sld [smem:$0x3FA7]  }
0x30: {  	s3 =	sld [smem:$0x3FAA]  }
0x31: {  	[smem:$0x3FB3] =	sst s10  }
0x32: {  	s10 =	sld [smem:$0x3FB1];
	_ =	sdelay $0x3  }
0x33: {  	p0 =	seq.s32 s10, $0x1;
	s10 =	sld [smem:$0x3FB3];
	_ =	sdelay $0x3  }
0x34: {  	[smem:$0x3FB3] =	sst s10  }
0x35: {  	s10 =	sld [smem:$0x3FB2];
	_ =	sdelay $0x3  }
0x36: {  	p1 =	seq.s32 s10, $0x1;
	s10 =	sld [smem:$0x3FB3];
	_ =	sdelay $0x3  }
0x37: {  	[smem:$0x3FB3] =	sst s10  }
0x38: {  	s10 =	sld [smem:$0x3FB4]  }
0x39: {  	_ = 	snop;
	(pc) =	sbr.ind lr, $3  }
0x3a: {  	_ = 	snop  }
0x3b: {  	_ = 	snop  }
0x3c: {  	p2 =	seq.s32 s10, $0x1;
	s10 =	sld [smem:$0x3FB3]  }
0x3d: {  	_ =	shalt  }
0x3e: {  	_ =	shalt  }
0x3f: {  	_ =	shalt  }
0x40: {  	_ =	shalt  }
0x41: {  	_ =	shalt  }
0x42: {  	_ =	shalt  }
0x43: {  	_ =	shalt  }
0x44: {  	_ =	shalt  }
0x45: {  	_ =	shalt  }
0x46: {  	_ =	shalt  }
0x47: {  	_ =	shalt  }
0x48: {  	_ =	shalt  }
0x49: {  	_ =	shalt  }
0x4a: {  	_ =	shalt  }
0x4b: {  	_ =	shalt  }
0x4c: {  	_ =	shalt  }
0x4d: {  	_ =	shalt  }
0x4e: {  	_ =	shalt  }
0x4f: {  	_ =	shalt  }
0x50: {  	_ =	shalt  }
0x51: {  	_ =	shalt  }
0x52: {  	_ =	shalt  }
0x53: {  	_ =	shalt  }
0x54: {  	_ =	shalt  }
0x55: {  	_ =	shalt  }
0x56: {  	_ =	shalt  }
0x57: {  	_ =	shalt  }
0x58: {  	_ =	shalt  }
0x59: {  	_ =	shalt  }
0x5a: {  	_ =	shalt  }
0x5b: {  	_ =	shalt  }
0x5c: {  	_ =	shalt  }
0x5d: {  	_ =	shalt  }
0x5e: {  	_ =	shalt  }
0x5f: {  	_ =	shalt  }
0x60: {  	_ =	shalt  }
0x61: {  	_ =	shalt  }
0x62: {  	_ =	shalt  }
0x63: {  	_ =	shalt  }
0x64: {  	_ =	shalt  }
0x65: {  	_ =	shalt  }
0x66: {  	_ =	shalt  }
0x67: {  	_ =	shalt  }
0x68: {  	_ =	shalt  }
0x69: {  	_ =	shalt  }
0x6a: {  	_ =	shalt  }
0x6b: {  	_ =	shalt  }
0x6c: {  	_ =	shalt  }
0x6d: {  	_ =	shalt  }
0x6e: {  	_ =	shalt  }
0x6f: {  	_ =	shalt  }
0x70: {  	_ =	shalt  }
0x71: {  	_ =	shalt  }
0x72: {  	_ =	shalt  }
0x73: {  	_ =	shalt  }
0x74: {  	_ =	shalt  }
0x75: {  	_ =	shalt  }
0x76: {  	_ =	shalt  }
0x77: {  	_ =	shalt  }
0x78: {  	_ =	shalt  }
0x79: {  	_ =	shalt  }
0x7a: {  	_ =	shalt  }
0x7b: {  	_ =	shalt  }
0x7c: {  	_ =	shalt  }
0x7d: {  	_ =	shalt  }
0x7e: {  	_ =	shalt  }
0x7f: {  	_ =	shalt  }
0x80: {  	_ =	shalt  }
0x81: {  	_ =	shalt  }
0x82: {  	_ =	shalt  }
0x83: {  	_ =	shalt  }
0x84: {  	_ =	shalt  }
0x85: {  	_ =	shalt  }
0x86: {  	_ =	shalt  }
0x87: {  	_ =	shalt  }
.Lfunc_end0:
.L_simem_size_0:
called_computation.2_lowered:
.L_overlay_start_0:
0x88: {  	s2 =	sld [smem:$0x3FD9]  }
0x89: {  	s3 =	sld [smem:$0x3FFE];
	_ =	sdelay $0x1  }
0x8a: {  	s1 =	srdreg.scid  }
0x8b: {  	s0 =	sand.u32 $0x1, s1  }
0x8c: {  	s15 =	sshll.u32 s0, $0xA;
	s2 =	sadd.s32 s3, s2  }
0x8d: {  	s2 =	sadd.s32 s2, s15  }
0x8e: {  	[smem:$0x3FBF] =	sst s2  }
0x8f: {  	_ = 	snop  }
0x90: {  	s2 =	sld [smem:$0x3FD0];
	_ =	sdelay $0x2  }
0x91: {  	s16 =	simm.s32 $0xD;
	s4 =	simm.s32 $0x10  }
0x92: {  	[smem:s4], [sflag:s16] =	dma.local [hbm:s2], $0x1  }
0x93: {  	_ =	swait.eq [sflag:s16], $0x1  }
0x94: {  	[sflag:s16] =	ssyncset.done $0x0  }
0x95: {  	[sflag:s16] =	ssyncadd.s32 $0xFFFFFFFF  }
0x96: {  	s17 =	sld [smem:$0x10];
	(tm) =	ssettm $0x1  }
0x97: {  	s18 =	sld [smem:$0x3FFB];
	_ =	sdelay $0x3  }
0x98: {  	_ =	strace s18  }
0x99: {  	s2 =	sld [smem:$0x3FFC];
	_ =	sdelay $0x3  }
0x9a: {  	_ =	strace s2  }
0x9b: {  	s2 =	sld [smem:$0x3FFD];
	_ =	sdelay $0x3  }
0x9c: {  	_ =	strace s2  }
0x9d: {  	_ =	strace $0x8FFFFFFF  }
0x9e: {  	s19 =	sld [smem:$0x3FDB];
	_ =	sdelay $0x1  }
0x9f: {  	s20 =	simm.s32 $_scs_section_size  }
0xa0: {  	s5 =	simm.s32 $_size__tile_overlayer_lowered;
	s6 =	simm.s32 $_tile_overlayer_lowered  }
0xa1: {  	s7 =	simm.s32 $0x1BFF;
	s21 =	sshll.u32 s6, $0x1;
	s4 =	sadd.s32 s20, s19  }
0xa2: {  	s22 =	simm.s32 $0x0;
	s5 =	sshll.u32 s5, $0x1;
	s6 =	sadd.s32 s21, s4  }
0xa3: {  	[timem:s22], [sflag:s7] =	dma.local [hbm:s6], s5  }
0xa4: {  	_ =	swait.ge [sflag:s7], s5  }
0xa5: {  	s5 =	ssub.s32 $0x0, s5;
	[sflag:s7] =	ssyncset.done $0x0  }
0xa6: {  	[sflag:s7] =	ssyncadd.s32 s5;
	_ =	sdelay $0x1  }
0xa7: {  	s23 =	simm.s32 $0x1B8B  }
0xa8: {  	_ =	swait.ge [sflag:s23], $0x1  }
0xa9: {  	[sflag:s23] =	ssyncset.done $0x0  }
0xaa: {  	[sflag:s23] =	ssyncadd.s32 $0xFFFFFFFF  }
0xab: {  	s5 =	sld [smem:$0x0]  }
0xac: {  	s6 =	sand.u32 $0xFFFFFFFE, s1  }
0xad: {  	p0 =	sne.s32 s1, s6  }
0xae: {  	s6 =	sshll.u32 @p0 s6, $0xE  }
0xaf: {  	s6 =	sadd.s32 @p0 $0x11B8D, s6;
	s7 =	sshll.u32 @p0 s5, $0x11  }
0xb0: {  	s6 =	sor.u32 @p0 s7, s6  }
0xb1: {  	[sflag:s6] =	ssyncadd.remote.s32 @p0 $0x1;
	_ =	sdelay $0x1  }
0xb2: {  	s6 =	simm.s32 @p0 $0x1B8D  }
0xb3: {  	_ =	swait.eq @p0 [sflag:s6], $0x1  }
0xb4: {  	[sflag:s6] =	ssyncadd.s32 @p0 $0xFFFFFFFF  }
0xb5: {  	s7 =	sshll.u32 @!p0 s1, $0xE  }
0xb6: {  	s7 =	sor.u32 @!p0 $0x4000, s7;
	s6 =	simm.s32 @!p0 $0x1B8D  }
0xb7: {  	s5 =	sshll.u32 @!p0 s5, $0x11;
	s7 =	sadd.s32 @!p0 $0x11B8D, s7;
	_ =	swait.eq @!p0 [sflag:s6], $0x1  }
0xb8: {  	s5 =	sor.u32 @!p0 s5, s7;
	[sflag:s6] =	ssyncadd.s32 @!p0 $0xFFFFFFFF  }
0xb9: {  	s25 =	simm.s32 $0x1B8E;
	s24 =	sld [smem:$0x3FFE];
	[sflag:s5] =	ssyncadd.remote.s32 @!p0 $0x1  }
0xba: {  	s26 =	simm.s32 $execute0_lowered;
	[smem:$0x3FD2] =	sst s25  }
0xbb: {  	s6 =	sshll.u32 s26, $0x1;
	_ =	strace $0x8000004C;
	[dreg:$0x1] =	wrdreg $0xFFFFFFFF  }
0xbc: {  	s28 =	simm.s32 $_size_execute0_lowered;
	s4 =	sadd.s32 s4, s6;
	[dreg:$0x0] =	wrdreg $0x0  }
0xbd: {  	s6 =	sshll.u32 s28, $0x1;
	[dreg:$0x2] =	wrdreg s4  }
0xbe: {  	[dreg:$0x3] =	wrdreg s6  }
0xbf: {  	[dreg:$0x4] =	wrdreg $0xC0  }
0xc0: {  	_ =	task [dreg:s22], $0x5FFFF  }
0xc1: {  	[dreg:$0x1] =	wrdreg $0xFFFFFFFF  }
0xc2: {  	[dreg:$0x0] =	wrdreg $0x60  }
0xc3: {  	[dreg:$0x2] =	wrdreg s24  }
0xc4: {  	[dreg:$0x3] =	wrdreg s17  }
0xc5: {  	[dreg:$0x4] =	wrdreg $0xA  }
0xc6: {  	_ =	task.clear_ibuf [dreg:s22], $0x5FFFF;
	_ =	strace $0x9000004C  }
0xc7: {  	s29 =	simm.s32 $0xA;
	_ =	strace $0x8000004E  }
0xc8: {  	_ =	swait.ge [sflag:s29], $0x1  }
0xc9: {  	[sflag:s29] =	ssyncadd.s32 $0xFFFFFFFF  }
0xca: {  	_ =	strace $0x9000004E  }
0xcb: {  	_ =	sfence  }
0xcc: {  	s30 =	sld [smem:$0x0];
	_ =	sdelay $0x2  }
0xcd: {  	s31 =	sshll.u32 s1, $0xD;
	s1 =	sshrl.u32 s1, $0x2  }
0xce: {  	s4 =	sand.u32 $0x4000, s31;
	s1 =	sadd.s32 s1, s30  }
0xcf: {  	s0 =	sor.u32 s4, s0;
	s1 =	sshll.u32 s1, $0x11  }
0xd0: {  	s0 =	sor.u32 s1, s0  }
0xd1: {  	s0 =	sadd.s32 $0x8F2B, s0  }
0xd2: {  	[sflag:s0] =	ssyncadd.remote.s32 $0x1  }
0xd3: {  	_ =	sfence.sel $0xFFFF  }
0xd4: {  	[dreg:$0x0] =	wrdreg $0xFFFFFFFF;
	(pc) =	sbr.abs _section_cstart, $3  }
0xd5: {  	[dreg:$0x1] =	wrdreg $0xFFFFFFFF  }
0xd6: {  	_ =	task.clear_ibuf [dreg:s22], $0x2FFFF;
	_ =	strace $0x9FFFFFFF  }
0xd7: {  	(tm) =	ssettm $0x7FFFFFFF  }
tec
execute0_lowered:
.L_overlay_start_1:
0x0: {  	(tag) =	ssettag $0x1  }
0x1: {  	s1 =	srdreg.scid;
	s4 =	rddreg [dreg:$0x0]  }
0x2: {  	s0 =	stileid.u32;
	s5 =	rddreg [dreg:$0x1];
	s18 =	simm.s32 $0x880  }
0x3: {  	s19 =	simm.s32 $0xC80;
	s20 =	simm.s32 $0x1480;
	s21 =	simm.s32 $0x1880  }
0x4: {  	s23 =	simm.s32 $0x2080;
	s24 =	simm.s32 $0x2480;
	s25 =	simm.s32 $0x2C80  }
0x5: {  	s26 =	simm.s32 $0x3080;
	s7 =	simm.s32 $0x80;
	s9 =	simm.s32 $0x3C80  }
0x6: {  	s10 =	simm.s32 $0x4480;
	s11 =	simm.s32 $0x4880;
	s1 =	sand.u32 $0x1, s1  }
0x7: {  	s12 =	simm.s32 $0x5080;
	s2 =	sshll.u32 s0, $0x8;
	s3 =	sshll.u32 s1, $0x7  }
0x8: {  	s13 =	simm.s32 $0x5480;
	s3 =	sor.u32 s3, s2;
	s2 =	simm.s32 $0x0  }
0x9: {  	s14 =	simm.s32 $0x5C80;
	s15 =	simm.s32 $0x6080;
	[smem:$0x7FF] =	sst s2  }
0xa: {  	s16 =	simm.s32 $0x6880;
	_ =	strace $0x8000004D;
	[dreg:$0x5] =	wrdreg s18  }
0xb: {  	s17 =	simm.s32 $0x6C80;
	s28 =	simm.s32 $0xA880;
	[dreg:$0x6] =	wrdreg s19  }
0xc: {  	s29 =	simm.s32 $0xB080;
	s30 =	simm.s32 $0xB480;
	[dreg:$0x7] =	wrdreg s20  }
0xd: {  	s31 =	simm.s32 $0xBC80;
	s1 =	ssub.s32 $0x2, s1;
	[dreg:$0x8] =	wrdreg s21  }
0xe: {  	s22 =	sshrl.u32 s1, $0x1;
	s3 =	sshrl.u32 s3, $0x3;
	[dreg:$0x9] =	wrdreg s23  }
0xf: {  	s1 =	ssub.s32 s1, s22;
	s22 =	simm.s32 $0x8C80;
	[dreg:$0xa] =	wrdreg s24  }
0x10: {  	s6 =	sadd.s32 s4, s3;
	s3 =	smul.u32 $0x180, s3;
	[dreg:$0xb] =	wrdreg s25  }
0x11: {  	[dreg:$0xc] =	wrdreg s26;
	s18 =	simm.s32 $0x7480;
	s19 =	simm.s32 $0x7880  }
0x12: {  	s20 =	simm.s32 $0x8080;
	s21 =	simm.s32 $0x8480;
	s23 =	simm.s32 $0x9080  }
0x13: {  	s24 =	simm.s32 $0x9880;
	s25 =	simm.s32 $0x9C80;
	s6 =	sadd.s32 $0x13D00, s6  }
0x14: {  	v2 =	vlaneseq.u32;
	s26 =	simm.s32 $0xA480;
	[dreg:$0x3] =	wrdreg s6;
	s3 =	sadd.s32 s5, s3  }
0x15: {  	vm0 =	vmmov $0xffff;
	vm1 =	vmmov $0xff;
	v1 =	vshrl.u32 v2, $0x3;
	s5 =	smax.u32 s1, $0x1;
	s6 =	simm.s32 $0x2;
	s1 =	simm.s32 $0x1  }
0x16: {  	v0 =	vand.u32 $0x7, v2;
	v2 =	vor.u32 $0x8, v2;
	v1 =	vmul.u32 $0x8, v1;
	[dreg:$0x4] =	wrdreg s3;
	s3 =	sadd.s32 $0x14600, s4;
	s4 =	sadd.s32 $0x14700, s4  }
.LBB2_1:
0x17: {  	s0 =	rddreg [dreg:$0x3]  }
0x18: {  	[tilespmem:s2], [sflag:$0x2] =	stream.linear.gather [hbm4b:s0+s2], $0x80, $0x38;
	[tilespmem:$0xC080] =	vst v63  }
0x19: {  	_ =	swait.ge [sflag:s6], $0x80  }
0x1a: {  	[sflag:s6] =	ssyncset.done $0x0  }
0x1b: {  	[sflag:s6] =	ssyncadd.s32 $0xFFFFFF80  }
0x1c: {  	v3 =	vld [tilespmem:$0x0];
	_ =	sdelay $0x4  }
0x1d: {  	v4 =	vshrl.u32 v3, $0x3  }
0x1e: {  	v4 =	vmul.u32 $0x18, v4  }
0x1f: {  	v3 =	vand.u32 $0x7, v3  }
0x20: {  	v3 =	vor.u32 v3, v4  }
0x21: {  	v4 =	vperm.xlane v3, v0;
	_ =	sdelay $0x1  }
0x22: {  	v4 =	vadd.s32 v1, v4;
	_ =	sdelay $0x1  }
0x23: {  	v3 =	vperm.xlane v3, v2;
	_ =	sdelay $0x1  }
0x24: {  	v3 =	vadd.s32 v1, v3  }
0x25: {  	[tilespmem:s7], [sflag:$0x1] =	stream.indirect_vreg.gather [hbm4b:s3+s2], $0x80, v4, vm0, $0xb8;
	[tilespmem:$0xC080] =	vst v63  }
0x26: {  	s0 =	rddreg [dreg:$0x5]  }
0x27: {  	[tilespmem:s0], [sflag:$0x1] =	stream.indirect_vreg.gather [hbm4b:s4+s2], $0x80, v4, vm1, $0xb8;
	[tilespmem:$0xC080] =	vst v63  }
0x28: {  	s8 =	rddreg [dreg:$0x6]  }
0x29: {  	[tilespmem:s8], [sflag:$0x1] =	stream.indirect_vreg.gather [hbm4b:s3+s2], $0x80, v3, vm0, $0xb8;
	[tilespmem:$0xC080] =	vst v63  }
0x2a: {  	s0 =	rddreg [dreg:$0x7]  }
0x2b: {  	[tilespmem:s0], [sflag:$0x1] =	stream.indirect_vreg.gather [hbm4b:s4+s2], $0x80, v3, vm1, $0xb8;
	[tilespmem:$0xC080] =	vst v63  }
0x2c: {  	v3 =	vld [tilespmem:$0x10];
	_ =	sdelay $0x4  }
0x2d: {  	v57 =	vshrl.u32 v3, $0x3  }
0x2e: {  	v4 =	vmul.u32 $0x18, v57  }
0x2f: {  	v3 =	vand.u32 $0x7, v3  }
0x30: {  	v3 =	vor.u32 v3, v4  }
0x31: {  	v4 =	vperm.xlane v3, v0;
	_ =	sdelay $0x1  }
0x32: {  	v4 =	vadd.s32 v1, v4;
	_ =	sdelay $0x1  }
0x33: {  	v3 =	vperm.xlane v3, v2;
	_ =	sdelay $0x1  }
0x34: {  	s0 =	rddreg [dreg:$0x8];
	v3 =	vadd.s32 v1, v3  }
0x35: {  	[tilespmem:s0], [sflag:$0x1] =	stream.indirect_vreg.gather [hbm4b:s3+s2], $0x80, v4, vm0, $0xb8;
	[tilespmem:$0xC080] =	vst v63  }
0x36: {  	s8 =	rddreg [dreg:$0x9]  }
0x37: {  	[tilespmem:s8], [sflag:$0x1] =	stream.indirect_vreg.gather [hbm4b:s4+s2], $0x80, v4, vm1, $0xb8;
	[tilespmem:$0xC080] =	vst v63  }
0x38: {  	s0 =	rddreg [dreg:$0xa]  }
0x39: {  	[tilespmem:s0], [sflag:$0x1] =	stream.indirect_vreg.gather [hbm4b:s3+s2], $0x80, v3, vm0, $0xb8;
	[tilespmem:$0xC080] =	vst v63  }
0x3a: {  	s8 =	rddreg [dreg:$0xb]  }
0x3b: {  	[tilespmem:s8], [sflag:$0x1] =	stream.indirect_vreg.gather [hbm4b:s4+s2], $0x80, v3, vm1, $0xb8;
	[tilespmem:$0xC080] =	vst v63  }
0x3c: {  	v3 =	vld [tilespmem:$0x20];
	_ =	sdelay $0x4  }
0x3d: {  	v58 =	vshrl.u32 v3, $0x3  }
0x3e: {  	v4 =	vmul.u32 $0x18, v58  }
0x3f: {  	v3 =	vand.u32 $0x7, v3  }
0x40: {  	v3 =	vor.u32 v3, v4  }
0x41: {  	v4 =	vperm.xlane v3, v0;
	_ =	sdelay $0x1  }
0x42: {  	v4 =	vadd.s32 v1, v4;
	_ =	sdelay $0x1  }
0x43: {  	v3 =	vperm.xlane v3, v2;
	_ =	sdelay $0x1  }
0x44: {  	s8 =	rddreg [dreg:$0xc];
	v3 =	vadd.s32 v1, v3  }
0x45: {  	[tilespmem:s8], [sflag:$0x1] =	stream.indirect_vreg.gather [hbm4b:s3+s2], $0x80, v4, vm0, $0xb8;
	[tilespmem:$0xC080] =	vst v63  }
0x46: {  	s8 =	simm.s32 $0x3880  }
0x47: {  	[tilespmem:s8], [sflag:$0x1] =	stream.indirect_vreg.gather [hbm4b:s4+s2], $0x80, v4, vm1, $0xb8;
	[tilespmem:$0xC080] =	vst v63  }
0x48: {  	_ = 	snop  }
0x49: {  	[tilespmem:s9], [sflag:$0x1] =	stream.indirect_vreg.gather [hbm4b:s3+s2], $0x80, v3, vm0, $0xb8;
	[tilespmem:$0xC080] =	vst v63  }
0x4a: {  	_ = 	snop  }
0x4b: {  	[tilespmem:s10], [sflag:$0x1] =	stream.indirect_vreg.gather [hbm4b:s4+s2], $0x80, v3, vm1, $0xb8;
	[tilespmem:$0xC080] =	vst v63  }
0x4c: {  	v3 =	vld [tilespmem:$0x30];
	_ =	sdelay $0x4  }
0x4d: {  	v59 =	vshrl.u32 v3, $0x3  }
0x4e: {  	v4 =	vmul.u32 $0x18, v59  }
0x4f: {  	v3 =	vand.u32 $0x7, v3  }
0x50: {  	v3 =	vor.u32 v3, v4  }
0x51: {  	v4 =	vperm.xlane v3, v0;
	_ =	sdelay $0x1  }
0x52: {  	v4 =	vadd.s32 v1, v4;
	_ =	sdelay $0x1  }
0x53: {  	v3 =	vperm.xlane v3, v2;
	_ =	sdelay $0x1  }
0x54: {  	v3 =	vadd.s32 v1, v3  }
0x55: {  	[tilespmem:s11], [sflag:$0x1] =	stream.indirect_vreg.gather [hbm4b:s3+s2], $0x80, v4, vm0, $0xb8;
	[tilespmem:$0xC080] =	vst v63  }
0x56: {  	_ = 	snop  }
0x57: {  	[tilespmem:s12], [sflag:$0x1] =	stream.indirect_vreg.gather [hbm4b:s4+s2], $0x80, v4, vm1, $0xb8;
	[tilespmem:$0xC080] =	vst v63  }
0x58: {  	_ = 	snop  }
0x59: {  	[tilespmem:s13], [sflag:$0x1] =	stream.indirect_vreg.gather [hbm4b:s3+s2], $0x80, v3, vm0, $0xb8;
	[tilespmem:$0xC080] =	vst v63  }
0x5a: {  	_ = 	snop  }
0x5b: {  	[tilespmem:s14], [sflag:$0x1] =	stream.indirect_vreg.gather [hbm4b:s4+s2], $0x80, v3, vm1, $0xb8;
	[tilespmem:$0xC080] =	vst v63  }
0x5c: {  	v3 =	vld [tilespmem:$0x40];
	_ =	sdelay $0x4  }
0x5d: {  	v60 =	vshrl.u32 v3, $0x3  }
0x5e: {  	v4 =	vmul.u32 $0x18, v60  }
0x5f: {  	v3 =	vand.u32 $0x7, v3  }
0x60: {  	v3 =	vor.u32 v3, v4  }
0x61: {  	v4 =	vperm.xlane v3, v0;
	_ =	sdelay $0x1  }
0x62: {  	v4 =	vadd.s32 v1, v4;
	_ =	sdelay $0x1  }
0x63: {  	v3 =	vperm.xlane v3, v2;
	_ =	sdelay $0x1  }
0x64: {  	v3 =	vadd.s32 v1, v3  }
0x65: {  	[tilespmem:s15], [sflag:$0x1] =	stream.indirect_vreg.gather [hbm4b:s3+s2], $0x80, v4, vm0, $0xb8;
	[tilespmem:$0xC080] =	vst v63  }
0x66: {  	_ = 	snop  }
0x67: {  	[tilespmem:s16], [sflag:$0x1] =	stream.indirect_vreg.gather [hbm4b:s4+s2], $0x80, v4, vm1, $0xb8;
	[tilespmem:$0xC080] =	vst v63  }
0x68: {  	_ = 	snop  }
0x69: {  	[tilespmem:s17], [sflag:$0x1] =	stream.indirect_vreg.gather [hbm4b:s3+s2], $0x80, v3, vm0, $0xb8;
	[tilespmem:$0xC080] =	vst v63  }
0x6a: {  	_ = 	snop  }
0x6b: {  	[tilespmem:s18], [sflag:$0x1] =	stream.indirect_vreg.gather [hbm4b:s4+s2], $0x80, v3, vm1, $0xb8;
	[tilespmem:$0xC080] =	vst v63  }
0x6c: {  	v3 =	vld [tilespmem:$0x50];
	_ =	sdelay $0x4  }
0x6d: {  	v61 =	vshrl.u32 v3, $0x3  }
0x6e: {  	v4 =	vmul.u32 $0x18, v61  }
0x6f: {  	v3 =	vand.u32 $0x7, v3  }
0x70: {  	v3 =	vor.u32 v3, v4  }
0x71: {  	v4 =	vperm.xlane v3, v0;
	_ =	sdelay $0x1  }
0x72: {  	v4 =	vadd.s32 v1, v4;
	_ =	sdelay $0x1  }
0x73: {  	v3 =	vperm.xlane v3, v2;
	_ =	sdelay $0x1  }
0x74: {  	v3 =	vadd.s32 v1, v3  }
0x75: {  	[tilespmem:s19], [sflag:$0x1] =	stream.indirect_vreg.gather [hbm4b:s3+s2], $0x80, v4, vm0, $0xb8;
	[tilespmem:$0xC080] =	vst v63  }
0x76: {  	_ = 	snop  }
0x77: {  	[tilespmem:s20], [sflag:$0x1] =	stream.indirect_vreg.gather [hbm4b:s4+s2], $0x80, v4, vm1, $0xb8;
	[tilespmem:$0xC080] =	vst v63  }
0x78: {  	_ = 	snop  }
0x79: {  	[tilespmem:s21], [sflag:$0x1] =	stream.indirect_vreg.gather [hbm4b:s3+s2], $0x80, v3, vm0, $0xb8;
	[tilespmem:$0xC080] =	vst v63  }
0x7a: {  	_ = 	snop  }
0x7b: {  	[tilespmem:s22], [sflag:$0x1] =	stream.indirect_vreg.gather [hbm4b:s4+s2], $0x80, v3, vm1, $0xb8;
	[tilespmem:$0xC080] =	vst v63  }
0x7c: {  	v3 =	vld [tilespmem:$0x60];
	_ =	sdelay $0x4  }
0x7d: {  	v62 =	vshrl.u32 v3, $0x3  }
0x7e: {  	v4 =	vmul.u32 $0x18, v62  }
0x7f: {  	v3 =	vand.u32 $0x7, v3  }
0x80: {  	v3 =	vor.u32 v3, v4  }
0x81: {  	v4 =	vperm.xlane v3, v0;
	_ =	sdelay $0x1  }
0x82: {  	v4 =	vadd.s32 v1, v4;
	_ =	sdelay $0x1  }
0x83: {  	v3 =	vperm.xlane v3, v2;
	_ =	sdelay $0x1  }
0x84: {  	v3 =	vadd.s32 v1, v3  }
0x85: {  	[tilespmem:s23], [sflag:$0x1] =	stream.indirect_vreg.gather [hbm4b:s3+s2], $0x80, v4, vm0, $0xb8;
	[tilespmem:$0xC080] =	vst v63  }
0x86: {  	_ = 	snop  }
0x87: {  	[tilespmem:s24], [sflag:$0x1] =	stream.indirect_vreg.gather [hbm4b:s4+s2], $0x80, v4, vm1, $0xb8;
	[tilespmem:$0xC080] =	vst v63  }
0x88: {  	_ = 	snop  }
0x89: {  	[tilespmem:s25], [sflag:$0x1] =	stream.indirect_vreg.gather [hbm4b:s3+s2], $0x80, v3, vm0, $0xb8;
	[tilespmem:$0xC080] =	vst v63  }
0x8a: {  	_ = 	snop  }
0x8b: {  	[tilespmem:s26], [sflag:$0x1] =	stream.indirect_vreg.gather [hbm4b:s4+s2], $0x80, v3, vm1, $0xb8;
	[tilespmem:$0xC080] =	vst v63  }
0x8c: {  	v3 =	vld [tilespmem:$0x70];
	_ =	sdelay $0x4  }
0x8d: {  	v63 =	vshrl.u32 v3, $0x3  }
0x8e: {  	v4 =	vmul.u32 $0x18, v63  }
0x8f: {  	v3 =	vand.u32 $0x7, v3  }
0x90: {  	v3 =	vor.u32 v3, v4  }
0x91: {  	v4 =	vperm.xlane v3, v0;
	_ =	sdelay $0x1  }
0x92: {  	v4 =	vadd.s32 v1, v4;
	_ =	sdelay $0x1  }
0x93: {  	v3 =	vperm.xlane v3, v2;
	_ =	sdelay $0x1  }
0x94: {  	v3 =	vadd.s32 v1, v3  }
0x95: {  	[tilespmem:s28], [sflag:$0x1] =	stream.indirect_vreg.gather [hbm4b:s3+s2], $0x80, v4, vm0, $0xb8;
	[tilespmem:$0xC080] =	vst v63  }
0x96: {  	_ = 	snop  }
0x97: {  	[tilespmem:s29], [sflag:$0x1] =	stream.indirect_vreg.gather [hbm4b:s4+s2], $0x80, v4, vm1, $0xb8;
	[tilespmem:$0xC080] =	vst v63  }
0x98: {  	_ = 	snop  }
0x99: {  	[tilespmem:s30], [sflag:$0x1] =	stream.indirect_vreg.gather [hbm4b:s3+s2], $0x80, v3, vm0, $0xb8;
	[tilespmem:$0xC080] =	vst v63  }
0x9a: {  	_ = 	snop  }
0x9b: {  	[tilespmem:s31], [sflag:$0x1] =	stream.indirect_vreg.gather [hbm4b:s4+s2], $0x80, v3, vm1, $0xb8;
	[tilespmem:$0xC080] =	vst v63  }
0x9c: {  	_ =	swait.ge [sflag:s1], $0xC000  }
0x9d: {  	p0 =	sne.s32 s5, $0x1;
	[sflag:s1] =	ssyncset.done $0x0  }
.Ltmp0:
0x9e: {  	s8 =	rddreg [dreg:$0x4];
	[sflag:s1] =	ssyncadd.s32 $0xFFFF4000;
	(pc) =	sbr.rel @p0 .LBB2_1-.Ltmp0, $4  }
0x9f: {  	[hbm4b:s8+s2] =	stream.linear.scatter [tilespmem:s7], [sflag:$0x2], $0xC000, $0x38;
	[tilespmem:$0xC080] =	vst v63  }
0xa0: {  	_ =	swait.ge [sflag:s6], $0xC000  }
0xa1: {  	[sflag:s6] =	ssyncset.done $0x0  }
0xa2: {  	s5 =	sadd.s32 $0xFFFFFFFF, s5;
	[sflag:s6] =	ssyncadd.s32 $0xFFFF4000  }
0xa3: {  	_ =	sfence.sel $0x180000  }
0xa4: {  	[bflag:$0x0] =	sbarrier.arrive $0xFFFF  }
0xa5: {  	_ =	strace $0x9000004D  }
0xa6: {  	s0 =	stileid.u32;
	[bflag:$0x2] =	sbarrier.arrive $0xFFFF  }
0xa7: {  	p0 =	sne.s32 s0, $0x0;
	s0 =	rddreg [dreg:$0x2]  }
0xa8: {  	s0 =	sadd.s32 @!p0 $0x100000, s0  }
0xa9: {  	[sflag:s0] =	ssyncadd.tile.s32 @!p0 $0x1;
	_ =	shalt  }
.Lfunc_end2:
_tile_overlayer_lowered:
.L_overlay_start_2:
0xaa: {  	(tag) =	ssettag $0x2  }
0xab: {  	s0 =	rddreg [dreg:$0x0];
	s2 =	stileid.u32  }
0xac: {  	s1 =	rddreg [dreg:$0x1];
	p0 =	sne.s32 s2, $0x0  }
0xad: {  	s3 =	rddreg [dreg:$0x2];
	[bflag:$0x3] =	sbarrier.arrive $0xFFFF;
	s2 =	simm.s32 @!p0 $0x1C02  }
0xae: {  	[timem:s3], [sflag:s2] =	dma.local @!p0 [hbm:s0], s1  }
0xaf: {  	s0 =	simm.s32 @!p0 $0x2  }
0xb0: {  	_ =	swait.ge @!p0 [sflag:s0], s1  }
0xb1: {  	s1 =	ssub.s32 @!p0 $0x0, s1;
	[sflag:s0] =	ssyncset.done @!p0 $0x0  }
0xb2: {  	[sflag:s0] =	ssyncadd.s32 @!p0 s1  }
0xb3: {  	[bflag:$0x3] =	sbarrier.arrive $0xFFFF  }
0xb4: {  	_ =	shalt  }

// kernel: kernel.23.cloned.1.call-start
scs
__scs_entry_jumppad:
0x0: {  	(pc) =	sbr.rel $0x88, $3  }
0x1: {  	(tag) =	ssettag $0x0;
	lr =	simm.s32 $0x1  }
0x2: {  	[smem:$0x3F98] =	sst lr;
	_ =	strace $0xD0000000  }
0x3: {  	_ = 	snop  }
0x4: {  	_ = 	snop  }
0x5: {  	_ = 	snop  }
0x6: {  	_ = 	snop  }
0x7: {  	_ = 	snop  }
__scs_overlays_trampoline_lowered:
0x8: {  	[smem:$0x3FA7] =	sst s0  }
0x9: {  	[smem:$0x3FA8] =	sst s1  }
0xa: {  	[smem:$0x3FA9] =	sst s2  }
0xb: {  	[smem:$0x3FAA] =	sst s3  }
0xc: {  	[smem:$0x3FAB] =	sst s4  }
0xd: {  	[smem:$0x3FAC] =	sst s5  }
0xe: {  	[smem:$0x3FAD] =	sst s6  }
0xf: {  	[smem:$0x3FAE] =	sst s7  }
0x10: {  	[smem:$0x3FAF] =	sst s8  }
0x11: {  	[smem:$0x3FB0] =	sst s9;
	s0 =	simm.s32 @!p0 $0x0  }
0x12: {  	s1 =	sld [smem:$0x3F96];
	s0 =	simm.s32 @p0 $0x1  }
0x13: {  	[smem:$0x3FB1] =	sst s0;
	s0 =	simm.s32 @!p1 $0x0  }
0x14: {  	s2 =	sld [smem:$0x3F95];
	s0 =	simm.s32 @p1 $0x1  }
0x15: {  	[smem:$0x3FB2] =	sst s0;
	s0 =	simm.s32 @!p2 $0x0  }
0x16: {  	s3 =	sld [smem:$0x3FDB];
	s0 =	simm.s32 @p2 $0x1  }
0x17: {  	s4 =	simm.s32 $0x1BF5;
	[smem:$0x3FB4] =	sst s0  }
0x18: {  	s0 =	sld [smem:$0x3F97];
	_ =	swait.ge [sflag:s4], $0x0  }
0x19: {  	s7 =	sld [smem:$0x3F98]  }
0x1a: {  	s8 =	sadd.s32 $0xFFFFE003, lr  }
0x1b: {  	s9 =	sadd.s32 $0xFFFFFEF7, lr;
	s5 =	simm.s32 $0xFFFFFFFF;
	p2 =	slt.u32 s8, $0xFFFFF086  }
0x1c: {  	p1 =	slt.u32 s9, $0xF7A;
	s5 =	simm.s32 @!p2 $0x0  }
0x1d: {  	s5 =	simm.s32 @p1 $0x1;
	p0 =	seq.s32 s7, s2  }
0x1e: {  	s7 =	smul.u32 @!p0 $0xF7A, s2;
	p2 =	seq.s32 @!p0 s5, $0x0  }
0x1f: {  	s9 =	smul.u32 $0xF7A, s1;
	s8 =	simm.s32 @!p0 $0x1BF5;
	p2 =	por !p2, p0  }
0x20: {  	[sflag:s8] =	ssyncset.s32 @!p0 $0xFFFFF086;
	s6 =	sadd.s32 @!p0 s3, s7;
	s7 =	simm.s32 @!p0 $0x108  }
0x21: {  	s3 =	sadd.s32 s3, s9;
	s6 =	sadd.s32 @!p0 $0x88, s6;
	s7 =	simm.s32 @p2 $0x1082  }
0x22: {  	[simem:s7], [sflag:s8] =	dma.local @!p0 [hbm:s6], $0xF7A  }
0x23: {  	s9 =	sor.u32 $0xD0000000, s2;
	s6 =	simm.s32 $0x108;
	_ =	swait.ge @!p0 [sflag:s8], $0x0  }
0x24: {  	s3 =	sadd.s32 $0x88, s3;
	s6 =	simm.s32 @!p1 $0x1082;
	[sflag:s4] =	ssyncset.s32 $0xFFFFF086  }
0x25: {  	[simem:s6], [sflag:s4] =	dma.local [hbm:s3], $0xF7A  }
0x26: {  	[smem:$0x3F98] =	sst s1;
	(tag) =	ssettag s2;
	_ =	strace s9  }
0x27: {  	s1 =	sld [smem:$0x3FA8]  }
0x28: {  	s2 =	sld [smem:$0x3FA9]  }
0x29: {  	s4 =	sld [smem:$0x3FAB]  }
0x2a: {  	p0 =	seq.s32 s5, $0x0;
	s5 =	sld [smem:$0x3FAC]  }
0x2b: {  	s6 =	sld [smem:$0x3FAD]  }
0x2c: {  	s7 =	sld [smem:$0x3FAE]  }
0x2d: {  	s3 =	simm.s32 $0x108;
	s8 =	sld [smem:$0x3FAF]  }
0x2e: {  	s3 =	simm.s32 @!p0 $0x1082;
	s9 =	sld [smem:$0x3FB0]  }
0x2f: {  	lr =	sadd.s32 s0, s3;
	s0 =	sld [smem:$0x3FA7]  }
0x30: {  	s3 =	sld [smem:$0x3FAA]  }
0x31: {  	[smem:$0x3FB3] =	sst s10  }
0x32: {  	s10 =	sld [smem:$0x3FB1];
	_ =	sdelay $0x3  }
0x33: {  	p0 =	seq.s32 s10, $0x1;
	s10 =	sld [smem:$0x3FB3];
	_ =	sdelay $0x3  }
0x34: {  	[smem:$0x3FB3] =	sst s10  }
0x35: {  	s10 =	sld [smem:$0x3FB2];
	_ =	sdelay $0x3  }
0x36: {  	p1 =	seq.s32 s10, $0x1;
	s10 =	sld [smem:$0x3FB3];
	_ =	sdelay $0x3  }
0x37: {  	[smem:$0x3FB3] =	sst s10  }
0x38: {  	s10 =	sld [smem:$0x3FB4]  }
0x39: {  	_ = 	snop;
	(pc) =	sbr.ind lr, $3  }
0x3a: {  	_ = 	snop  }
0x3b: {  	_ = 	snop  }
0x3c: {  	p2 =	seq.s32 s10, $0x1;
	s10 =	sld [smem:$0x3FB3]  }
0x3d: {  	_ =	shalt  }
0x3e: {  	_ =	shalt  }
0x3f: {  	_ =	shalt  }
0x40: {  	_ =	shalt  }
0x41: {  	_ =	shalt  }
0x42: {  	_ =	shalt  }
0x43: {  	_ =	shalt  }
0x44: {  	_ =	shalt  }
0x45: {  	_ =	shalt  }
0x46: {  	_ =	shalt  }
0x47: {  	_ =	shalt  }
0x48: {  	_ =	shalt  }
0x49: {  	_ =	shalt  }
0x4a: {  	_ =	shalt  }
0x4b: {  	_ =	shalt  }
0x4c: {  	_ =	shalt  }
0x4d: {  	_ =	shalt  }
0x4e: {  	_ =	shalt  }
0x4f: {  	_ =	shalt  }
0x50: {  	_ =	shalt  }
0x51: {  	_ =	shalt  }
0x52: {  	_ =	shalt  }
0x53: {  	_ =	shalt  }
0x54: {  	_ =	shalt  }
0x55: {  	_ =	shalt  }
0x56: {  	_ =	shalt  }
0x57: {  	_ =	shalt  }
0x58: {  	_ =	shalt  }
0x59: {  	_ =	shalt  }
0x5a: {  	_ =	shalt  }
0x5b: {  	_ =	shalt  }
0x5c: {  	_ =	shalt  }
0x5d: {  	_ =	shalt  }
0x5e: {  	_ =	shalt  }
0x5f: {  	_ =	shalt  }
0x60: {  	_ =	shalt  }
0x61: {  	_ =	shalt  }
0x62: {  	_ =	shalt  }
0x63: {  	_ =	shalt  }
0x64: {  	_ =	shalt  }
0x65: {  	_ =	shalt  }
0x66: {  	_ =	shalt  }
0x67: {  	_ =	shalt  }
0x68: {  	_ =	shalt  }
0x69: {  	_ =	shalt  }
0x6a: {  	_ =	shalt  }
0x6b: {  	_ =	shalt  }
0x6c: {  	_ =	shalt  }
0x6d: {  	_ =	shalt  }
0x6e: {  	_ =	shalt  }
0x6f: {  	_ =	shalt  }
0x70: {  	_ =	shalt  }
0x71: {  	_ =	shalt  }
0x72: {  	_ =	shalt  }
0x73: {  	_ =	shalt  }
0x74: {  	_ =	shalt  }
0x75: {  	_ =	shalt  }
0x76: {  	_ =	shalt  }
0x77: {  	_ =	shalt  }
0x78: {  	_ =	shalt  }
0x79: {  	_ =	shalt  }
0x7a: {  	_ =	shalt  }
0x7b: {  	_ =	shalt  }
0x7c: {  	_ =	shalt  }
0x7d: {  	_ =	shalt  }
0x7e: {  	_ =	shalt  }
0x7f: {  	_ =	shalt  }
0x80: {  	_ =	shalt  }
0x81: {  	_ =	shalt  }
0x82: {  	_ =	shalt  }
0x83: {  	_ =	shalt  }
0x84: {  	_ =	shalt  }
0x85: {  	_ =	shalt  }
0x86: {  	_ =	shalt  }
0x87: {  	_ =	shalt  }
.Lfunc_end0:
.L_simem_size_0:
called_computation.3_lowered:
.L_overlay_start_0:
0x88: {  	s2 =	sld [smem:$0x3FD9]  }
0x89: {  	s3 =	sld [smem:$0x3FFE];
	_ =	sdelay $0x1  }
0x8a: {  	s1 =	srdreg.scid  }
0x8b: {  	s0 =	sand.u32 $0x1, s1  }
0x8c: {  	s17 =	sshll.u32 s0, $0xA;
	s2 =	sadd.s32 s3, s2  }
0x8d: {  	s2 =	sadd.s32 s2, s17  }
0x8e: {  	[smem:$0x3FBF] =	sst s2  }
0x8f: {  	_ = 	snop  }
0x90: {  	(tm) =	ssettm $0x1  }
0x91: {  	s18 =	sld [smem:$0x3FFB];
	_ =	sdelay $0x3  }
0x92: {  	_ =	strace s18  }
0x93: {  	s2 =	sld [smem:$0x3FFC];
	_ =	sdelay $0x3  }
0x94: {  	_ =	strace s2  }
0x95: {  	s2 =	sld [smem:$0x3FFD];
	_ =	sdelay $0x3  }
0x96: {  	_ =	strace s2  }
0x97: {  	_ =	strace $0x8FFFFFFF  }
0x98: {  	s19 =	sld [smem:$0x3FDB];
	_ =	sdelay $0x1  }
0x99: {  	s20 =	simm.s32 $_scs_section_size  }
0x9a: {  	s4 =	simm.s32 $_size__tile_overlayer_lowered;
	s5 =	simm.s32 $_tile_overlayer_lowered  }
0x9b: {  	s6 =	simm.s32 $0x1BFF;
	s21 =	sshll.u32 s5, $0x1;
	s3 =	sadd.s32 s20, s19  }
0x9c: {  	s22 =	simm.s32 $0x0;
	s4 =	sshll.u32 s4, $0x1;
	s5 =	sadd.s32 s21, s3  }
0x9d: {  	[timem:s22], [sflag:s6] =	dma.local [hbm:s5], s4  }
0x9e: {  	_ =	swait.ge [sflag:s6], s4  }
0x9f: {  	s4 =	ssub.s32 $0x0, s4;
	[sflag:s6] =	ssyncset.done $0x0  }
0xa0: {  	[sflag:s6] =	ssyncadd.s32 s4;
	_ =	sdelay $0x1  }
0xa1: {  	s23 =	simm.s32 $0x1B8B  }
0xa2: {  	_ =	swait.ge [sflag:s23], $0x1  }
0xa3: {  	[sflag:s23] =	ssyncset.done $0x0  }
0xa4: {  	[sflag:s23] =	ssyncadd.s32 $0xFFFFFFFF  }
0xa5: {  	s4 =	sld [smem:$0x0]  }
0xa6: {  	s5 =	sand.u32 $0xFFFFFFFE, s1  }
0xa7: {  	p0 =	sne.s32 s1, s5  }
0xa8: {  	s5 =	sshll.u32 @p0 s5, $0xE  }
0xa9: {  	s5 =	sadd.s32 @p0 $0x11B8D, s5;
	s6 =	sshll.u32 @p0 s4, $0x11  }
0xaa: {  	s5 =	sor.u32 @p0 s6, s5  }
0xab: {  	[sflag:s5] =	ssyncadd.remote.s32 @p0 $0x1;
	_ =	sdelay $0x1  }
0xac: {  	s5 =	simm.s32 @p0 $0x1B8D  }
0xad: {  	_ =	swait.eq @p0 [sflag:s5], $0x1  }
0xae: {  	[sflag:s5] =	ssyncadd.s32 @p0 $0xFFFFFFFF  }
0xaf: {  	s6 =	sshll.u32 @!p0 s1, $0xE  }
0xb0: {  	s6 =	sor.u32 @!p0 $0x4000, s6;
	s5 =	simm.s32 @!p0 $0x1B8D  }
0xb1: {  	s4 =	sshll.u32 @!p0 s4, $0x11;
	s6 =	sadd.s32 @!p0 $0x11B8D, s6;
	_ =	swait.eq @!p0 [sflag:s5], $0x1  }
0xb2: {  	s4 =	sor.u32 @!p0 s4, s6;
	[sflag:s5] =	ssyncadd.s32 @!p0 $0xFFFFFFFF  }
0xb3: {  	s25 =	simm.s32 $0x1B8E;
	s24 =	sld [smem:$0x3FFE];
	[sflag:s4] =	ssyncadd.remote.s32 @!p0 $0x1  }
0xb4: {  	s26 =	simm.s32 $execute0_lowered;
	[smem:$0x3FD2] =	sst s25  }
0xb5: {  	s5 =	sshll.u32 s26, $0x1;
	_ =	strace $0x8000004F;
	[dreg:$0x1] =	wrdreg $0xFFFFFFFF  }
0xb6: {  	s28 =	simm.s32 $_size_execute0_lowered;
	s3 =	sadd.s32 s3, s5;
	[dreg:$0x0] =	wrdreg $0x0  }
0xb7: {  	s5 =	sshll.u32 s28, $0x1;
	[dreg:$0x2] =	wrdreg s3  }
0xb8: {  	[dreg:$0x3] =	wrdreg s5  }
0xb9: {  	[dreg:$0x4] =	wrdreg $0xC0  }
0xba: {  	_ =	task [dreg:s22], $0x5FFFF  }
0xbb: {  	[dreg:$0x1] =	wrdreg $0xFFFFFFFF  }
0xbc: {  	[dreg:$0x0] =	wrdreg $0x60  }
0xbd: {  	[dreg:$0x2] =	wrdreg s24  }
0xbe: {  	[dreg:$0x3] =	wrdreg $0xB  }
0xbf: {  	_ =	task.clear_ibuf [dreg:s22], $0x4FFFF;
	_ =	strace $0x9000004F  }
0xc0: {  	s29 =	simm.s32 $0xB;
	_ =	strace $0x80000051  }
0xc1: {  	_ =	swait.ge [sflag:s29], $0x1  }
0xc2: {  	[sflag:s29] =	ssyncadd.s32 $0xFFFFFFFF  }
0xc3: {  	_ =	strace $0x90000051  }
0xc4: {  	_ =	sfence  }
0xc5: {  	s30 =	sld [smem:$0x0];
	_ =	sdelay $0x2  }
0xc6: {  	s31 =	sshll.u32 s1, $0xD;
	s1 =	sshrl.u32 s1, $0x2  }
0xc7: {  	s4 =	sand.u32 $0x4000, s31;
	s1 =	sadd.s32 s1, s30  }
0xc8: {  	s0 =	sor.u32 s4, s0;
	s1 =	sshll.u32 s1, $0x11  }
0xc9: {  	s0 =	sor.u32 s1, s0  }
0xca: {  	s0 =	sadd.s32 $0x8F2B, s0  }
0xcb: {  	[sflag:s0] =	ssyncadd.remote.s32 $0x1  }
0xcc: {  	_ =	sfence.sel $0xFFFF  }
0xcd: {  	[dreg:$0x0] =	wrdreg $0xFFFFFFFF;
	(pc) =	sbr.abs _section_cstart, $3  }
0xce: {  	[dreg:$0x1] =	wrdreg $0xFFFFFFFF  }
0xcf: {  	_ =	task.clear_ibuf [dreg:s22], $0x2FFFF;
	_ =	strace $0x9FFFFFFF  }
0xd0: {  	(tm) =	ssettm $0x7FFFFFFF  }
0xd1: {  	_ =	shalt  }
tec
execute0_lowered:
.L_overlay_start_1:
0x0: {  	(tag) =	ssettag $0x1  }
0x1: {  	s0 =	rddreg [dreg:$0x0];
	s1 =	simm.s32 $0x0;
	s2 =	srdreg.scid  }
0x2: {  	s5 =	stileid.u32;
	s9 =	simm.s32 $0x2;
	s10 =	simm.s32 $0x80  }
0x3: {  	s11 =	simm.s32 $0x880;
	s12 =	simm.s32 $0xC80;
	s13 =	simm.s32 $0x1480  }
0x4: {  	s14 =	simm.s32 $0x1880;
	s15 =	simm.s32 $0x2080;
	s16 =	simm.s32 $0x2480  }
0x5: {  	s17 =	simm.s32 $0x2C80;
	s18 =	simm.s32 $0x3080;
	s19 =	simm.s32 $0x3880  }
0x6: {  	s20 =	simm.s32 $0x3C80;
	s21 =	simm.s32 $0x4480;
	s22 =	simm.s32 $0x4880  }
0x7: {  	s23 =	simm.s32 $0x5080;
	s24 =	simm.s32 $0x5480;
	s25 =	simm.s32 $0x5C80  }
0x8: {  	s28 =	simm.s32 $0x6880;
	s29 =	simm.s32 $0x6C80;
	s30 =	simm.s32 $0x7480  }
0x9: {  	s31 =	simm.s32 $0x1;
	[smem:$0x7FF] =	sst s1;
	s2 =	sand.u32 $0x1, s2  }
0xa: {  	s3 =	sadd.s32 $0x13C00, s0;
	s4 =	sadd.s32 $0x14600, s0;
	s6 =	ssub.s32 $0x2, s2  }
0xb: {  	s7 =	sshll.u32 s5, $0x1;
	s5 =	sadd.s32 $0x44600, s0;
	s8 =	sshrl.u32 s6, $0x1  }
0xc: {  	v2 =	vlaneseq.u32;
	_ =	strace $0x80000050;
	s2 =	sor.u32 s2, s7;
	s8 =	ssub.s32 s6, s8  }
0xd: {  	vm0 =	vmmov $0xffff;
	vm1 =	vmmov $0xff;
	v1 =	vshrl.u32 v2, $0x3;
	s7 =	sadd.s32 $0x14700, s0;
	s6 =	smul.u32 $0xA0, s2;
	s26 =	smax.u32 s8, $0x1  }
0xe: {  	v0 =	vand.u32 $0x7, v2;
	v2 =	vor.u32 $0x8, v2;
	v1 =	vmul.u32 $0x8, v1;
	s0 =	simm.s32 $0x0;
	[dreg:$0x2] =	wrdreg s26;
	s26 =	simm.s32 $0x6080  }
.LBB2_1:
0xf: {  	p0 =	por $0x1, $0x1;
	s2 =	simm.s32 $0x0  }
.LBB2_2:
0x10: {  	s2 =	sadd.s32 s6, s2  }
0x11: {  	s2 =	sshrl.u32 s2, $0x3  }
0x12: {  	s8 =	sadd.s32 s3, s2  }
0x13: {  	s8 =	sadd.s32 $0x300, s8  }
0x14: {  	[tilespmem:s1], [sflag:$0x2] =	stream.linear.gather [hbm4b:s8+s1], $0x50, $0x38;
	[tilespmem:$0x7880] =	vst v63  }
0x15: {  	_ =	swait.ge [sflag:s9], $0x50  }
0x16: {  	[sflag:s9] =	ssyncset.done $0x0  }
0x17: {  	[sflag:s9] =	ssyncadd.s32 $0xFFFFFFB0  }
0x18: {  	v3 =	vld [tilespmem:$0x0];
	_ =	sdelay $0x4  }
0x19: {  	v4 =	vshrl.u32 v3, $0x3  }
0x1a: {  	v4 =	vmul.u32 $0x18, v4  }
0x1b: {  	v3 =	vand.u32 $0x7, v3  }
0x1c: {  	v3 =	vor.u32 v3, v4  }
0x1d: {  	v4 =	vperm.xlane v3, v0;
	_ =	sdelay $0x1  }
0x1e: {  	v4 =	vadd.s32 v1, v4;
	_ =	sdelay $0x1  }
0x1f: {  	v3 =	vperm.xlane v3, v2;
	_ =	sdelay $0x1  }
0x20: {  	v3 =	vadd.s32 v1, v3  }
0x21: {  	[tilespmem:s10], [sflag:$0x1] =	stream.indirect_vreg.gather [hbm4b:s4+s1], $0x80, v4, vm0, $0xb8;
	[tilespmem:$0x7880] =	vst v63  }
0x22: {  	_ = 	snop  }
0x23: {  	[tilespmem:s11], [sflag:$0x1] =	stream.indirect_vreg.gather [hbm4b:s7+s1], $0x80, v4, vm1, $0xb8;
	[tilespmem:$0x7880] =	vst v63  }
0x24: {  	_ = 	snop  }
0x25: {  	[tilespmem:s12], [sflag:$0x1] =	stream.indirect_vreg.gather [hbm4b:s4+s1], $0x80, v3, vm0, $0xb8;
	[tilespmem:$0x7880] =	vst v63  }
0x26: {  	_ = 	snop  }
0x27: {  	[tilespmem:s13], [sflag:$0x1] =	stream.indirect_vreg.gather [hbm4b:s7+s1], $0x80, v3, vm1, $0xb8;
	[tilespmem:$0x7880] =	vst v63  }
0x28: {  	v3 =	vld [tilespmem:$0x10];
	_ =	sdelay $0x4  }
0x29: {  	v60 =	vshrl.u32 v3, $0x3  }
0x2a: {  	v4 =	vmul.u32 $0x18, v60  }
0x2b: {  	v3 =	vand.u32 $0x7, v3  }
0x2c: {  	v3 =	vor.u32 v3, v4  }
0x2d: {  	v4 =	vperm.xlane v3, v0;
	_ =	sdelay $0x1  }
0x2e: {  	v4 =	vadd.s32 v1, v4;
	_ =	sdelay $0x1  }
0x2f: {  	v3 =	vperm.xlane v3, v2;
	_ =	sdelay $0x1  }
0x30: {  	v3 =	vadd.s32 v1, v3  }
0x31: {  	[tilespmem:s14], [sflag:$0x1] =	stream.indirect_vreg.gather [hbm4b:s4+s1], $0x80, v4, vm0, $0xb8;
	[tilespmem:$0x7880] =	vst v63  }
0x32: {  	_ = 	snop  }
0x33: {  	[tilespmem:s15], [sflag:$0x1] =	stream.indirect_vreg.gather [hbm4b:s7+s1], $0x80, v4, vm1, $0xb8;
	[tilespmem:$0x7880] =	vst v63  }
0x34: {  	_ = 	snop  }
0x35: {  	[tilespmem:s16], [sflag:$0x1] =	stream.indirect_vreg.gather [hbm4b:s4+s1], $0x80, v3, vm0, $0xb8;
	[tilespmem:$0x7880] =	vst v63  }
0x36: {  	_ = 	snop  }
0x37: {  	[tilespmem:s17], [sflag:$0x1] =	stream.indirect_vreg.gather [hbm4b:s7+s1], $0x80, v3, vm1, $0xb8;
	[tilespmem:$0x7880] =	vst v63  }
0x38: {  	v3 =	vld [tilespmem:$0x20];
	_ =	sdelay $0x4  }
0x39: {  	v61 =	vshrl.u32 v3, $0x3  }
0x3a: {  	v4 =	vmul.u32 $0x18, v61  }
0x3b: {  	v3 =	vand.u32 $0x7, v3  }
0x3c: {  	v3 =	vor.u32 v3, v4  }
0x3d: {  	v4 =	vperm.xlane v3, v0;
	_ =	sdelay $0x1  }
0x3e: {  	v4 =	vadd.s32 v1, v4;
	_ =	sdelay $0x1  }
0x3f: {  	v3 =	vperm.xlane v3, v2;
	_ =	sdelay $0x1  }
0x40: {  	v3 =	vadd.s32 v1, v3  }
0x41: {  	[tilespmem:s18], [sflag:$0x1] =	stream.indirect_vreg.gather [hbm4b:s4+s1], $0x80, v4, vm0, $0xb8;
	[tilespmem:$0x7880] =	vst v63  }
0x42: {  	_ = 	snop  }
0x43: {  	[tilespmem:s19], [sflag:$0x1] =	stream.indirect_vreg.gather [hbm4b:s7+s1], $0x80, v4, vm1, $0xb8;
	[tilespmem:$0x7880] =	vst v63  }
0x44: {  	_ = 	snop  }
0x45: {  	[tilespmem:s20], [sflag:$0x1] =	stream.indirect_vreg.gather [hbm4b:s4+s1], $0x80, v3, vm0, $0xb8;
	[tilespmem:$0x7880] =	vst v63  }
0x46: {  	_ = 	snop  }
0x47: {  	[tilespmem:s21], [sflag:$0x1] =	stream.indirect_vreg.gather [hbm4b:s7+s1], $0x80, v3, vm1, $0xb8;
	[tilespmem:$0x7880] =	vst v63  }
0x48: {  	v3 =	vld [tilespmem:$0x30];
	_ =	sdelay $0x4  }
0x49: {  	v62 =	vshrl.u32 v3, $0x3  }
0x4a: {  	v4 =	vmul.u32 $0x18, v62  }
0x4b: {  	v3 =	vand.u32 $0x7, v3  }
0x4c: {  	v3 =	vor.u32 v3, v4  }
0x4d: {  	v4 =	vperm.xlane v3, v0;
	_ =	sdelay $0x1  }
0x4e: {  	v4 =	vadd.s32 v1, v4;
	_ =	sdelay $0x1  }
0x4f: {  	v3 =	vperm.xlane v3, v2;
	_ =	sdelay $0x1  }
0x50: {  	v3 =	vadd.s32 v1, v3  }
0x51: {  	[tilespmem:s22], [sflag:$0x1] =	stream.indirect_vreg.gather [hbm4b:s4+s1], $0x80, v4, vm0, $0xb8;
	[tilespmem:$0x7880] =	vst v63  }
0x52: {  	_ = 	snop  }
0x53: {  	[tilespmem:s23], [sflag:$0x1] =	stream.indirect_vreg.gather [hbm4b:s7+s1], $0x80, v4, vm1, $0xb8;
	[tilespmem:$0x7880] =	vst v63  }
0x54: {  	_ = 	snop  }
0x55: {  	[tilespmem:s24], [sflag:$0x1] =	stream.indirect_vreg.gather [hbm4b:s4+s1], $0x80, v3, vm0, $0xb8;
	[tilespmem:$0x7880] =	vst v63  }
0x56: {  	_ = 	snop  }
0x57: {  	[tilespmem:s25], [sflag:$0x1] =	stream.indirect_vreg.gather [hbm4b:s7+s1], $0x80, v3, vm1, $0xb8;
	[tilespmem:$0x7880] =	vst v63  }
0x58: {  	v3 =	vld [tilespmem:$0x40];
	_ =	sdelay $0x4  }
0x59: {  	v63 =	vshrl.u32 v3, $0x3  }
0x5a: {  	v4 =	vmul.u32 $0x18, v63  }
0x5b: {  	v3 =	vand.u32 $0x7, v3  }
0x5c: {  	v3 =	vor.u32 v3, v4  }
0x5d: {  	v4 =	vperm.xlane v3, v0;
	_ =	sdelay $0x1  }
0x5e: {  	v4 =	vadd.s32 v1, v4;
	_ =	sdelay $0x1  }
0x5f: {  	v3 =	vperm.xlane v3, v2;
	_ =	sdelay $0x1  }
0x60: {  	v3 =	vadd.s32 v1, v3  }
0x61: {  	[tilespmem:s26], [sflag:$0x1] =	stream.indirect_vreg.gather [hbm4b:s4+s1], $0x80, v4, vm0, $0xb8;
	[tilespmem:$0x7880] =	vst v63  }
0x62: {  	_ = 	snop  }
0x63: {  	[tilespmem:s28], [sflag:$0x1] =	stream.indirect_vreg.gather [hbm4b:s7+s1], $0x80, v4, vm1, $0xb8;
	[tilespmem:$0x7880] =	vst v63  }
0x64: {  	_ = 	snop  }
0x65: {  	[tilespmem:s29], [sflag:$0x1] =	stream.indirect_vreg.gather [hbm4b:s4+s1], $0x80, v3, vm0, $0xb8;
	[tilespmem:$0x7880] =	vst v63  }
0x66: {  	_ = 	snop  }
0x67: {  	[tilespmem:s30], [sflag:$0x1] =	stream.indirect_vreg.gather [hbm4b:s7+s1], $0x80, v3, vm1, $0xb8;
	[tilespmem:$0x7880] =	vst v63  }
0x68: {  	s2 =	smul.u32 $0x180, s2;
	_ =	swait.ge [sflag:s31], $0x7800  }
0x69: {  	p1 =	por p0, p0;
	[sflag:s31] =	ssyncset.done $0x0  }
.Ltmp0:
0x6a: {  	s2 =	sadd.s32 s5, s2;
	[sflag:s31] =	ssyncadd.s32 $0xFFFF8800;
	(pc) =	sbr.rel @p1 .LBB2_2-.Ltmp0, $4  }
0x6b: {  	[hbm4b:s2+s1] =	stream.linear.scatter [tilespmem:s10], [sflag:$0x2], $0x7800, $0x38;
	[tilespmem:$0x7880] =	vst v63  }
0x6c: {  	_ =	swait.ge [sflag:s9], $0x7800  }
0x6d: {  	[sflag:s9] =	ssyncset.done $0x0  }
0x6e: {  	p0 =	por $0x0, $0x0;
	s2 =	simm.s32 $0x50;
	[sflag:s9] =	ssyncadd.s32 $0xFFFF8800  }
0x6f: {  	s0 =	sadd.s32 $0x1, s0;
	s2 =	rddreg [dreg:$0x2]  }
0x70: {  	p0 =	sne.s32 s0, s2  }
.Ltmp1:
0x71: {  	_ = 	snop;
	(pc) =	sbr.rel @p0 .LBB2_1-.Ltmp1, $1  }
0x72: {  	_ =	sdelay $0x3  }
0x73: {  	_ =	sfence.sel $0x180000  }
0x74: {  	[bflag:$0x0] =	sbarrier.arrive $0xFFFF  }
0x75: {  	_ =	strace $0x90000050  }
0x76: {  	s0 =	stileid.u32;
	[bflag:$0x2] =	sbarrier.arrive $0xFFFF  }
0x77: {  	p0 =	sne.s32 s0, $0x0;
	s0 =	rddreg [dreg:$0x1]  }
0x78: {  	s0 =	sadd.s32 @!p0 $0x100000, s0  }
0x79: {  	[sflag:s0] =	ssyncadd.tile.s32 @!p0 $0x1;
	_ =	shalt  }
.Lfunc_end2:
_tile_overlayer_lowered:
.L_overlay_start_2:
0x7a: {  	(tag) =	ssettag $0x2  }
0x7b: {  	s0 =	rddreg [dreg:$0x0];
	s2 =	stileid.u32  }
0x7c: {  	s1 =	rddreg [dreg:$0x1];
	p0 =	sne.s32 s2, $0x0  }
0x7d: {  	s3 =	rddreg [dreg:$0x2];
	[bflag:$0x3] =	sbarrier.arrive $0xFFFF;
	s2 =	simm.s32 @!p0 $0x1C02  }
0x7e: {  	[timem:s3], [sflag:s2] =	dma.local @!p0 [hbm:s0], s1  }
0x7f: {  	s0 =	simm.s32 @!p0 $0x2  }
0x80: {  	_ =	swait.ge @!p0 [sflag:s0], s1  }
0x81: {  	s1 =	ssub.s32 @!p0 $0x0, s1;
	[sflag:s0] =	ssyncset.done @!p0 $0x0  }
0x82: {  	[sflag:s0] =	ssyncadd.s32 @!p0 s1  }
0x83: {  	[bflag:$0x3] =	sbarrier.arrive $0xFFFF  }
0x84: {  	_ =	shalt  }

// kernel: kernel.26.cloned.1.call-start
scs
__scs_entry_jumppad:
0x0: {  	(pc) =	sbr.rel $0x88, $3  }
0x1: {  	(tag) =	ssettag $0x0;
	lr =	simm.s32 $0x1  }
0x2: {  	[smem:$0x3F98] =	sst lr;
	_ =	strace $0xD0000000  }
0x3: {  	_ = 	snop  }
0x4: {  	_ = 	snop  }
0x5: {  	_ = 	snop  }
0x6: {  	_ = 	snop  }
0x7: {  	_ = 	snop  }
__scs_overlays_trampoline_lowered:
0x8: {  	[smem:$0x3FA7] =	sst s0  }
0x9: {  	[smem:$0x3FA8] =	sst s1  }
0xa: {  	[smem:$0x3FA9] =	sst s2  }
0xb: {  	[smem:$0x3FAA] =	sst s3  }
0xc: {  	[smem:$0x3FAB] =	sst s4  }
0xd: {  	[smem:$0x3FAC] =	sst s5  }
0xe: {  	[smem:$0x3FAD] =	sst s6  }
0xf: {  	[smem:$0x3FAE] =	sst s7  }
0x10: {  	[smem:$0x3FAF] =	sst s8  }
0x11: {  	[smem:$0x3FB0] =	sst s9;
	s0 =	simm.s32 @!p0 $0x0  }
0x12: {  	s1 =	sld [smem:$0x3F96];
	s0 =	simm.s32 @p0 $0x1  }
0x13: {  	[smem:$0x3FB1] =	sst s0;
	s0 =	simm.s32 @!p1 $0x0  }
0x14: {  	s2 =	sld [smem:$0x3F95];
	s0 =	simm.s32 @p1 $0x1  }
0x15: {  	[smem:$0x3FB2] =	sst s0;
	s0 =	simm.s32 @!p2 $0x0  }
0x16: {  	s3 =	sld [smem:$0x3FDB];
	s0 =	simm.s32 @p2 $0x1  }
0x17: {  	s4 =	simm.s32 $0x1BF5;
	[smem:$0x3FB4] =	sst s0  }
0x18: {  	s0 =	sld [smem:$0x3F97];
	_ =	swait.ge [sflag:s4], $0x0  }
0x19: {  	s7 =	sld [smem:$0x3F98]  }
0x1a: {  	s8 =	sadd.s32 $0xFFFFE003, lr  }
0x1b: {  	s9 =	sadd.s32 $0xFFFFFEF7, lr;
	s5 =	simm.s32 $0xFFFFFFFF;
	p2 =	slt.u32 s8, $0xFFFFF086  }
0x1c: {  	p1 =	slt.u32 s9, $0xF7A;
	s5 =	simm.s32 @!p2 $0x0  }
0x1d: {  	s5 =	simm.s32 @p1 $0x1;
	p0 =	seq.s32 s7, s2  }
0x1e: {  	s7 =	smul.u32 @!p0 $0xF7A, s2;
	p2 =	seq.s32 @!p0 s5, $0x0  }
0x1f: {  	s9 =	smul.u32 $0xF7A, s1;
	s8 =	simm.s32 @!p0 $0x1BF5;
	p2 =	por !p2, p0  }
0x20: {  	[sflag:s8] =	ssyncset.s32 @!p0 $0xFFFFF086;
	s6 =	sadd.s32 @!p0 s3, s7;
	s7 =	simm.s32 @!p0 $0x108  }
0x21: {  	s3 =	sadd.s32 s3, s9;
	s6 =	sadd.s32 @!p0 $0x88, s6;
	s7 =	simm.s32 @p2 $0x1082  }
0x22: {  	[simem:s7], [sflag:s8] =	dma.local @!p0 [hbm:s6], $0xF7A  }
0x23: {  	s9 =	sor.u32 $0xD0000000, s2;
	s6 =	simm.s32 $0x108;
	_ =	swait.ge @!p0 [sflag:s8], $0x0  }
0x24: {  	s3 =	sadd.s32 $0x88, s3;
	s6 =	simm.s32 @!p1 $0x1082;
	[sflag:s4] =	ssyncset.s32 $0xFFFFF086  }
0x25: {  	[simem:s6], [sflag:s4] =	dma.local [hbm:s3], $0xF7A  }
0x26: {  	[smem:$0x3F98] =	sst s1;
	(tag) =	ssettag s2;
	_ =	strace s9  }
0x27: {  	s1 =	sld [smem:$0x3FA8]  }
0x28: {  	s2 =	sld [smem:$0x3FA9]  }
0x29: {  	s4 =	sld [smem:$0x3FAB]  }
0x2a: {  	p0 =	seq.s32 s5, $0x0;
	s5 =	sld [smem:$0x3FAC]  }
0x2b: {  	s6 =	sld [smem:$0x3FAD]  }
0x2c: {  	s7 =	sld [smem:$0x3FAE]  }
0x2d: {  	s3 =	simm.s32 $0x108;
	s8 =	sld [smem:$0x3FAF]  }
0x2e: {  	s3 =	simm.s32 @!p0 $0x1082;
	s9 =	sld [smem:$0x3FB0]  }
0x2f: {  	lr =	sadd.s32 s0, s3;
	s0 =	sld [smem:$0x3FA7]  }
0x30: {  	s3 =	sld [smem:$0x3FAA]  }
0x31: {  	[smem:$0x3FB3] =	sst s10  }
0x32: {  	s10 =	sld [smem:$0x3FB1];
	_ =	sdelay $0x3  }
0x33: {  	p0 =	seq.s32 s10, $0x1;
	s10 =	sld [smem:$0x3FB3];
	_ =	sdelay $0x3  }
0x34: {  	[smem:$0x3FB3] =	sst s10  }
0x35: {  	s10 =	sld [smem:$0x3FB2];
	_ =	sdelay $0x3  }
0x36: {  	p1 =	seq.s32 s10, $0x1;
	s10 =	sld [smem:$0x3FB3];
	_ =	sdelay $0x3  }
0x37: {  	[smem:$0x3FB3] =	sst s10  }
0x38: {  	s10 =	sld [smem:$0x3FB4]  }
0x39: {  	_ = 	snop;
	(pc) =	sbr.ind lr, $3  }
0x3a: {  	_ = 	snop  }
0x3b: {  	_ = 	snop  }
0x3c: {  	p2 =	seq.s32 s10, $0x1;
	s10 =	sld [smem:$0x3FB3]  }
0x3d: {  	_ =	shalt  }
0x3e: {  	_ =	shalt  }
0x3f: {  	_ =	shalt  }
0x40: {  	_ =	shalt  }
0x41: {  	_ =	shalt  }
0x42: {  	_ =	shalt  }
0x43: {  	_ =	shalt  }
0x44: {  	_ =	shalt  }
0x45: {  	_ =	shalt  }
0x46: {  	_ =	shalt  }
0x47: {  	_ =	shalt  }
0x48: {  	_ =	shalt  }
0x49: {  	_ =	shalt  }
0x4a: {  	_ =	shalt  }
0x4b: {  	_ =	shalt  }
0x4c: {  	_ =	shalt  }
0x4d: {  	_ =	shalt  }
0x4e: {  	_ =	shalt  }
0x4f: {  	_ =	shalt  }
0x50: {  	_ =	shalt  }
0x51: {  	_ =	shalt  }
0x52: {  	_ =	shalt  }
0x53: {  	_ =	shalt  }
0x54: {  	_ =	shalt  }
0x55: {  	_ =	shalt  }
0x56: {  	_ =	shalt  }
0x57: {  	_ =	shalt  }
0x58: {  	_ =	shalt  }
0x59: {  	_ =	shalt  }
0x5a: {  	_ =	shalt  }
0x5b: {  	_ =	shalt  }
0x5c: {  	_ =	shalt  }
0x5d: {  	_ =	shalt  }
0x5e: {  	_ =	shalt  }
0x5f: {  	_ =	shalt  }
0x60: {  	_ =	shalt  }
0x61: {  	_ =	shalt  }
0x62: {  	_ =	shalt  }
0x63: {  	_ =	shalt  }
0x64: {  	_ =	shalt  }
0x65: {  	_ =	shalt  }
0x66: {  	_ =	shalt  }
0x67: {  	_ =	shalt  }
0x68: {  	_ =	shalt  }
0x69: {  	_ =	shalt  }
0x6a: {  	_ =	shalt  }
0x6b: {  	_ =	shalt  }
0x6c: {  	_ =	shalt  }
0x6d: {  	_ =	shalt  }
0x6e: {  	_ =	shalt  }
0x6f: {  	_ =	shalt  }
0x70: {  	_ =	shalt  }
0x71: {  	_ =	shalt  }
0x72: {  	_ =	shalt  }
0x73: {  	_ =	shalt  }
0x74: {  	_ =	shalt  }
0x75: {  	_ =	shalt  }
0x76: {  	_ =	shalt  }
0x77: {  	_ =	shalt  }
0x78: {  	_ =	shalt  }
0x79: {  	_ =	shalt  }
0x7a: {  	_ =	shalt  }
0x7b: {  	_ =	shalt  }
0x7c: {  	_ =	shalt  }
0x7d: {  	_ =	shalt  }
0x7e: {  	_ =	shalt  }
0x7f: {  	_ =	shalt  }
0x80: {  	_ =	shalt  }
0x81: {  	_ =	shalt  }
0x82: {  	_ =	shalt  }
0x83: {  	_ =	shalt  }
0x84: {  	_ =	shalt  }
0x85: {  	_ =	shalt  }
0x86: {  	_ =	shalt  }
0x87: {  	_ =	shalt  }
.Lfunc_end0:
.L_simem_size_0:
called_computation.4_lowered:
.L_overlay_start_0:
0x88: {  	s2 =	sld [smem:$0x3FD9]  }
0x89: {  	s3 =	sld [smem:$0x3FFE];
	_ =	sdelay $0x1  }
0x8a: {  	s1 =	srdreg.scid  }
0x8b: {  	s0 =	sand.u32 $0x1, s1  }
0x8c: {  	s17 =	sshll.u32 s0, $0xA;
	s2 =	sadd.s32 s3, s2  }
0x8d: {  	s2 =	sadd.s32 s2, s17  }
0x8e: {  	[smem:$0x3FBF] =	sst s2  }
0x8f: {  	_ = 	snop  }
0x90: {  	(tm) =	ssettm $0x1  }
0x91: {  	s18 =	sld [smem:$0x3FFB];
	_ =	sdelay $0x3  }
0x92: {  	_ =	strace s18  }
0x93: {  	s2 =	sld [smem:$0x3FFC];
	_ =	sdelay $0x3  }
0x94: {  	_ =	strace s2  }
0x95: {  	s2 =	sld [smem:$0x3FFD];
	_ =	sdelay $0x3  }
0x96: {  	_ =	strace s2  }
0x97: {  	_ =	strace $0x8FFFFFFF  }
0x98: {  	s19 =	sld [smem:$0x3FDB];
	_ =	sdelay $0x1  }
0x99: {  	s20 =	simm.s32 $_scs_section_size  }
0x9a: {  	s4 =	simm.s32 $_size__tile_overlayer_lowered;
	s5 =	simm.s32 $_tile_overlayer_lowered  }
0x9b: {  	s6 =	simm.s32 $0x1BFF;
	s21 =	sshll.u32 s5, $0x1;
	s3 =	sadd.s32 s20, s19  }
0x9c: {  	s22 =	simm.s32 $0x0;
	s4 =	sshll.u32 s4, $0x1;
	s5 =	sadd.s32 s21, s3  }
0x9d: {  	[timem:s22], [sflag:s6] =	dma.local [hbm:s5], s4  }
0x9e: {  	_ =	swait.ge [sflag:s6], s4  }
0x9f: {  	s4 =	ssub.s32 $0x0, s4;
	[sflag:s6] =	ssyncset.done $0x0  }
0xa0: {  	[sflag:s6] =	ssyncadd.s32 s4;
	_ =	sdelay $0x1  }
0xa1: {  	s23 =	simm.s32 $0x1B8B  }
0xa2: {  	_ =	swait.ge [sflag:s23], $0x1  }
0xa3: {  	[sflag:s23] =	ssyncset.done $0x0  }
0xa4: {  	[sflag:s23] =	ssyncadd.s32 $0xFFFFFFFF  }
0xa5: {  	s4 =	sld [smem:$0x0]  }
0xa6: {  	s5 =	sand.u32 $0xFFFFFFFE, s1  }
0xa7: {  	p0 =	sne.s32 s1, s5  }
0xa8: {  	s5 =	sshll.u32 @p0 s5, $0xE  }
0xa9: {  	s5 =	sadd.s32 @p0 $0x11B8D, s5;
	s6 =	sshll.u32 @p0 s4, $0x11  }
0xaa: {  	s5 =	sor.u32 @p0 s6, s5  }
0xab: {  	[sflag:s5] =	ssyncadd.remote.s32 @p0 $0x1;
	_ =	sdelay $0x1  }
0xac: {  	s5 =	simm.s32 @p0 $0x1B8D  }
0xad: {  	_ =	swait.eq @p0 [sflag:s5], $0x1  }
0xae: {  	[sflag:s5] =	ssyncadd.s32 @p0 $0xFFFFFFFF  }
0xaf: {  	s6 =	sshll.u32 @!p0 s1, $0xE  }
0xb0: {  	s6 =	sor.u32 @!p0 $0x4000, s6;
	s5 =	simm.s32 @!p0 $0x1B8D  }
0xb1: {  	s4 =	sshll.u32 @!p0 s4, $0x11;
	s6 =	sadd.s32 @!p0 $0x11B8D, s6;
	_ =	swait.eq @!p0 [sflag:s5], $0x1  }
0xb2: {  	s4 =	sor.u32 @!p0 s4, s6;
	[sflag:s5] =	ssyncadd.s32 @!p0 $0xFFFFFFFF  }
0xb3: {  	s25 =	simm.s32 $0x1B8E;
	s24 =	sld [smem:$0x3FFE];
	[sflag:s4] =	ssyncadd.remote.s32 @!p0 $0x1  }
0xb4: {  	s26 =	simm.s32 $execute0_lowered;
	[smem:$0x3FD2] =	sst s25  }
0xb5: {  	s5 =	sshll.u32 s26, $0x1;
	_ =	strace $0x80000052;
	[dreg:$0x1] =	wrdreg $0xFFFFFFFF  }
0xb6: {  	s28 =	simm.s32 $_size_execute0_lowered;
	s3 =	sadd.s32 s3, s5;
	[dreg:$0x0] =	wrdreg $0x0  }
0xb7: {  	s5 =	sshll.u32 s28, $0x1;
	[dreg:$0x2] =	wrdreg s3  }
0xb8: {  	[dreg:$0x3] =	wrdreg s5  }
0xb9: {  	[dreg:$0x4] =	wrdreg $0xC0  }
0xba: {  	_ =	task [dreg:s22], $0x5FFFF  }
0xbb: {  	[dreg:$0x1] =	wrdreg $0xFFFFFFFF  }
0xbc: {  	[dreg:$0x0] =	wrdreg $0x60  }
0xbd: {  	[dreg:$0x2] =	wrdreg s24  }
0xbe: {  	[dreg:$0x3] =	wrdreg $0xC  }
0xbf: {  	_ =	task.clear_ibuf [dreg:s22], $0x4FFFF;
	_ =	strace $0x90000052  }
0xc0: {  	s29 =	simm.s32 $0xC;
	_ =	strace $0x80000054  }
0xc1: {  	_ =	swait.ge [sflag:s29], $0x1  }
0xc2: {  	[sflag:s29] =	ssyncadd.s32 $0xFFFFFFFF  }
0xc3: {  	_ =	strace $0x90000054  }
0xc4: {  	_ =	sfence  }
0xc5: {  	s30 =	sld [smem:$0x0];
	_ =	sdelay $0x2  }
0xc6: {  	s31 =	sshll.u32 s1, $0xD;
	s1 =	sshrl.u32 s1, $0x2  }
0xc7: {  	s4 =	sand.u32 $0x4000, s31;
	s1 =	sadd.s32 s1, s30  }
0xc8: {  	s0 =	sor.u32 s4, s0;
	s1 =	sshll.u32 s1, $0x11  }
0xc9: {  	s0 =	sor.u32 s1, s0  }
0xca: {  	s0 =	sadd.s32 $0x8F2B, s0  }
0xcb: {  	[sflag:s0] =	ssyncadd.remote.s32 $0x1  }
0xcc: {  	_ =	sfence.sel $0xFFFF  }
0xcd: {  	[dreg:$0x0] =	wrdreg $0xFFFFFFFF;
	(pc) =	sbr.abs _section_cstart, $3  }
0xce: {  	[dreg:$0x1] =	wrdreg $0xFFFFFFFF  }
0xcf: {  	_ =	task.clear_ibuf [dreg:s22], $0x2FFFF;
	_ =	strace $0x9FFFFFFF  }
0xd0: {  	(tm) =	ssettm $0x7FFFFFFF  }
0xd1: {  	_ =	shalt  }
tec
execute0_lowered:
.L_overlay_start_1:
0x0: {  	(tag) =	ssettag $0x1  }
0x1: {  	s0 =	rddreg [dreg:$0x0];
	s1 =	simm.s32 $0x0;
	s2 =	srdreg.scid  }
0x2: {  	s5 =	stileid.u32;
	s9 =	simm.s32 $0x2;
	s10 =	simm.s32 $0x80  }
0x3: {  	s11 =	simm.s32 $0x880;
	s12 =	simm.s32 $0xC80;
	s13 =	simm.s32 $0x1480  }
0x4: {  	s14 =	simm.s32 $0x1880;
	s15 =	simm.s32 $0x2080;
	s16 =	simm.s32 $0x2480  }
0x5: {  	s17 =	simm.s32 $0x2C80;
	s18 =	simm.s32 $0x3080;
	s19 =	simm.s32 $0x3880  }
0x6: {  	s20 =	simm.s32 $0x3C80;
	s21 =	simm.s32 $0x4480;
	s22 =	simm.s32 $0x4880  }
0x7: {  	s23 =	simm.s32 $0x5080;
	s24 =	simm.s32 $0x5480;
	s25 =	simm.s32 $0x5C80  }
0x8: {  	s28 =	simm.s32 $0x6880;
	s29 =	simm.s32 $0x6C80;
	s30 =	simm.s32 $0x7480  }
0x9: {  	s31 =	simm.s32 $0x1;
	[smem:$0x7FF] =	sst s1;
	s2 =	sand.u32 $0x1, s2  }
0xa: {  	s3 =	sadd.s32 $0x13C00, s0;
	s4 =	sadd.s32 $0x14600, s0;
	s6 =	ssub.s32 $0x2, s2  }
0xb: {  	s7 =	sshll.u32 s5, $0x1;
	s5 =	sadd.s32 $0x80600, s0;
	s8 =	sshrl.u32 s6, $0x1  }
0xc: {  	v2 =	vlaneseq.u32;
	_ =	strace $0x80000053;
	s2 =	sor.u32 s2, s7;
	s8 =	ssub.s32 s6, s8  }
0xd: {  	vm0 =	vmmov $0xffff;
	vm1 =	vmmov $0xff;
	v1 =	vshrl.u32 v2, $0x3;
	s7 =	sadd.s32 $0x14700, s0;
	s6 =	smul.u32 $0xA0, s2;
	s26 =	smax.u32 s8, $0x1  }
0xe: {  	v0 =	vand.u32 $0x7, v2;
	v2 =	vor.u32 $0x8, v2;
	v1 =	vmul.u32 $0x8, v1;
	s0 =	simm.s32 $0x0;
	[dreg:$0x2] =	wrdreg s26;
	s26 =	simm.s32 $0x6080  }
.LBB2_1:
0xf: {  	p0 =	por $0x1, $0x1;
	s2 =	simm.s32 $0x0  }
.LBB2_2:
0x10: {  	s2 =	sadd.s32 s6, s2  }
0x11: {  	s2 =	sshrl.u32 s2, $0x3  }
0x12: {  	s8 =	sadd.s32 s3, s2  }
0x13: {  	s8 =	sadd.s32 $0x580, s8  }
0x14: {  	[tilespmem:s1], [sflag:$0x2] =	stream.linear.gather [hbm4b:s8+s1], $0x50, $0x38;
	[tilespmem:$0x7880] =	vst v63  }
0x15: {  	_ =	swait.ge [sflag:s9], $0x50  }
0x16: {  	[sflag:s9] =	ssyncset.done $0x0  }
0x17: {  	[sflag:s9] =	ssyncadd.s32 $0xFFFFFFB0  }
0x18: {  	v3 =	vld [tilespmem:$0x0];
	_ =	sdelay $0x4  }
0x19: {  	v4 =	vshrl.u32 v3, $0x3  }
0x1a: {  	v4 =	vmul.u32 $0x18, v4  }
0x1b: {  	v3 =	vand.u32 $0x7, v3  }
0x1c: {  	v3 =	vor.u32 v3, v4  }
0x1d: {  	v4 =	vperm.xlane v3, v0;
	_ =	sdelay $0x1  }
0x1e: {  	v4 =	vadd.s32 v1, v4;
	_ =	sdelay $0x1  }
0x1f: {  	v3 =	vperm.xlane v3, v2;
	_ =	sdelay $0x1  }
0x20: {  	v3 =	vadd.s32 v1, v3  }
0x21: {  	[tilespmem:s10], [sflag:$0x1] =	stream.indirect_vreg.gather [hbm4b:s4+s1], $0x80, v4, vm0, $0xb8;
	[tilespmem:$0x7880] =	vst v63  }
0x22: {  	_ = 	snop  }
0x23: {  	[tilespmem:s11], [sflag:$0x1] =	stream.indirect_vreg.gather [hbm4b:s7+s1], $0x80, v4, vm1, $0xb8;
	[tilespmem:$0x7880] =	vst v63  }
0x24: {  	_ = 	snop  }
0x25: {  	[tilespmem:s12], [sflag:$0x1] =	stream.indirect_vreg.gather [hbm4b:s4+s1], $0x80, v3, vm0, $0xb8;
	[tilespmem:$0x7880] =	vst v63  }
0x26: {  	_ = 	snop  }
0x27: {  	[tilespmem:s13], [sflag:$0x1] =	stream.indirect_vreg.gather [hbm4b:s7+s1], $0x80, v3, vm1, $0xb8;
	[tilespmem:$0x7880] =	vst v63  }
0x28: {  	v3 =	vld [tilespmem:$0x10];
	_ =	sdelay $0x4  }
0x29: {  	v60 =	vshrl.u32 v3, $0x3  }
0x2a: {  	v4 =	vmul.u32 $0x18, v60  }
0x2b: {  	v3 =	vand.u32 $0x7, v3  }
0x2c: {  	v3 =	vor.u32 v3, v4  }
0x2d: {  	v4 =	vperm.xlane v3, v0;
	_ =	sdelay $0x1  }
0x2e: {  	v4 =	vadd.s32 v1, v4;
	_ =	sdelay $0x1  }
0x2f: {  	v3 =	vperm.xlane v3, v2;
	_ =	sdelay $0x1  }
0x30: {  	v3 =	vadd.s32 v1, v3  }
0x31: {  	[tilespmem:s14], [sflag:$0x1] =	stream.indirect_vreg.gather [hbm4b:s4+s1], $0x80, v4, vm0, $0xb8;
	[tilespmem:$0x7880] =	vst v63  }
0x32: {  	_ = 	snop  }
0x33: {  	[tilespmem:s15], [sflag:$0x1] =	stream.indirect_vreg.gather [hbm4b:s7+s1], $0x80, v4, vm1, $0xb8;
	[tilespmem:$0x7880] =	vst v63  }
0x34: {  	_ = 	snop  }
0x35: {  	[tilespmem:s16], [sflag:$0x1] =	stream.indirect_vreg.gather [hbm4b:s4+s1], $0x80, v3, vm0, $0xb8;
	[tilespmem:$0x7880] =	vst v63  }
0x36: {  	_ = 	snop  }
0x37: {  	[tilespmem:s17], [sflag:$0x1] =	stream.indirect_vreg.gather [hbm4b:s7+s1], $0x80, v3, vm1, $0xb8;
	[tilespmem:$0x7880] =	vst v63  }
0x38: {  	v3 =	vld [tilespmem:$0x20];
	_ =	sdelay $0x4  }
0x39: {  	v61 =	vshrl.u32 v3, $0x3  }
0x3a: {  	v4 =	vmul.u32 $0x18, v61  }
0x3b: {  	v3 =	vand.u32 $0x7, v3  }
0x3c: {  	v3 =	vor.u32 v3, v4  }
0x3d: {  	v4 =	vperm.xlane v3, v0;
	_ =	sdelay $0x1  }
0x3e: {  	v4 =	vadd.s32 v1, v4;
	_ =	sdelay $0x1  }
0x3f: {  	v3 =	vperm.xlane v3, v2;
	_ =	sdelay $0x1  }
0x40: {  	v3 =	vadd.s32 v1, v3  }
0x41: {  	[tilespmem:s18], [sflag:$0x1] =	stream.indirect_vreg.gather [hbm4b:s4+s1], $0x80, v4, vm0, $0xb8;
	[tilespmem:$0x7880] =	vst v63  }
0x42: {  	_ = 	snop  }
0x43: {  	[tilespmem:s19], [sflag:$0x1] =	stream.indirect_vreg.gather [hbm4b:s7+s1], $0x80, v4, vm1, $0xb8;
	[tilespmem:$0x7880] =	vst v63  }
0x44: {  	_ = 	snop  }
0x45: {  	[tilespmem:s20], [sflag:$0x1] =	stream.indirect_vreg.gather [hbm4b:s4+s1], $0x80, v3, vm0, $0xb8;
	[tilespmem:$0x7880] =	vst v63  }
0x46: {  	_ = 	snop  }
0x47: {  	[tilespmem:s21], [sflag:$0x1] =	stream.indirect_vreg.gather [hbm4b:s7+s1], $0x80, v3, vm1, $0xb8;
	[tilespmem:$0x7880] =	vst v63  }
0x48: {  	v3 =	vld [tilespmem:$0x30];
	_ =	sdelay $0x4  }
0x49: {  	v62 =	vshrl.u32 v3, $0x3  }
0x4a: {  	v4 =	vmul.u32 $0x18, v62  }
0x4b: {  	v3 =	vand.u32 $0x7, v3  }
0x4c: {  	v3 =	vor.u32 v3, v4  }
0x4d: {  	v4 =	vperm.xlane v3, v0;
	_ =	sdelay $0x1  }
0x4e: {  	v4 =	vadd.s32 v1, v4;
	_ =	sdelay $0x1  }
0x4f: {  	v3 =	vperm.xlane v3, v2;
	_ =	sdelay $0x1  }
0x50: {  	v3 =	vadd.s32 v1, v3  }
0x51: {  	[tilespmem:s22], [sflag:$0x1] =	stream.indirect_vreg.gather [hbm4b:s4+s1], $0x80, v4, vm0, $0xb8;
	[tilespmem:$0x7880] =	vst v63  }
0x52: {  	_ = 	snop  }
0x53: {  	[tilespmem:s23], [sflag:$0x1] =	stream.indirect_vreg.gather [hbm4b:s7+s1], $0x80, v4, vm1, $0xb8;
	[tilespmem:$0x7880] =	vst v63  }
0x54: {  	_ = 	snop  }
0x55: {  	[tilespmem:s24], [sflag:$0x1] =	stream.indirect_vreg.gather [hbm4b:s4+s1], $0x80, v3, vm0, $0xb8;
	[tilespmem:$0x7880] =	vst v63  }
0x56: {  	_ = 	snop  }
0x57: {  	[tilespmem:s25], [sflag:$0x1] =	stream.indirect_vreg.gather [hbm4b:s7+s1], $0x80, v3, vm1, $0xb8;
	[tilespmem:$0x7880] =	vst v63  }
0x58: {  	v3 =	vld [tilespmem:$0x40];
	_ =	sdelay $0x4  }
0x59: {  	v63 =	vshrl.u32 v3, $0x3  }
0x5a: {  	v4 =	vmul.u32 $0x18, v63  }
0x5b: {  	v3 =	vand.u32 $0x7, v3  }
0x5c: {  	v3 =	vor.u32 v3, v4  }
0x5d: {  	v4 =	vperm.xlane v3, v0;
	_ =	sdelay $0x1  }
0x5e: {  	v4 =	vadd.s32 v1, v4;
	_ =	sdelay $0x1  }
0x5f: {  	v3 =	vperm.xlane v3, v2;
	_ =	sdelay $0x1  }
0x60: {  	v3 =	vadd.s32 v1, v3  }
0x61: {  	[tilespmem:s26], [sflag:$0x1] =	stream.indirect_vreg.gather [hbm4b:s4+s1], $0x80, v4, vm0, $0xb8;
	[tilespmem:$0x7880] =	vst v63  }
0x62: {  	_ = 	snop  }
0x63: {  	[tilespmem:s28], [sflag:$0x1] =	stream.indirect_vreg.gather [hbm4b:s7+s1], $0x80, v4, vm1, $0xb8;
	[tilespmem:$0x7880] =	vst v63  }
0x64: {  	_ = 	snop  }
0x65: {  	[tilespmem:s29], [sflag:$0x1] =	stream.indirect_vreg.gather [hbm4b:s4+s1], $0x80, v3, vm0, $0xb8;
	[tilespmem:$0x7880] =	vst v63  }
0x66: {  	_ = 	snop  }
0x67: {  	[tilespmem:s30], [sflag:$0x1] =	stream.indirect_vreg.gather [hbm4b:s7+s1], $0x80, v3, vm1, $0xb8;
	[tilespmem:$0x7880] =	vst v63  }
0x68: {  	s2 =	smul.u32 $0x180, s2;
	_ =	swait.ge [sflag:s31], $0x7800  }
0x69: {  	p1 =	por p0, p0;
	[sflag:s31] =	ssyncset.done $0x0  }
.Ltmp0:
0x6a: {  	s2 =	sadd.s32 s5, s2;
	[sflag:s31] =	ssyncadd.s32 $0xFFFF8800;
	(pc) =	sbr.rel @p1 .LBB2_2-.Ltmp0, $4  }
0x6b: {  	[hbm4b:s2+s1] =	stream.linear.scatter [tilespmem:s10], [sflag:$0x2], $0x7800, $0x38;
	[tilespmem:$0x7880] =	vst v63  }
0x6c: {  	_ =	swait.ge [sflag:s9], $0x7800  }
0x6d: {  	[sflag:s9] =	ssyncset.done $0x0  }
0x6e: {  	p0 =	por $0x0, $0x0;
	s2 =	simm.s32 $0x50;
	[sflag:s9] =	ssyncadd.s32 $0xFFFF8800  }
0x6f: {  	s0 =	sadd.s32 $0x1, s0;
	s2 =	rddreg [dreg:$0x2]  }
0x70: {  	p0 =	sne.s32 s0, s2  }
.Ltmp1:
0x71: {  	_ = 	snop;
	(pc) =	sbr.rel @p0 .LBB2_1-.Ltmp1, $1  }
0x72: {  	_ =	sdelay $0x3  }
0x73: {  	_ =	sfence.sel $0x180000  }
0x74: {  	[bflag:$0x0] =	sbarrier.arrive $0xFFFF  }
0x75: {  	_ =	strace $0x90000053  }
0x76: {  	s0 =	stileid.u32;
	[bflag:$0x2] =	sbarrier.arrive $0xFFFF  }
0x77: {  	p0 =	sne.s32 s0, $0x0;
	s0 =	rddreg [dreg:$0x1]  }
0x78: {  	s0 =	sadd.s32 @!p0 $0x100000, s0  }
0x79: {  	[sflag:s0] =	ssyncadd.tile.s32 @!p0 $0x1;
	_ =	shalt  }
.Lfunc_end2:
_tile_overlayer_lowered:
.L_overlay_start_2:
0x7a: {  	(tag) =	ssettag $0x2  }
0x7b: {  	s0 =	rddreg [dreg:$0x0];
	s2 =	stileid.u32  }
0x7c: {  	s1 =	rddreg [dreg:$0x1];
	p0 =	sne.s32 s2, $0x0  }
0x7d: {  	s3 =	rddreg [dreg:$0x2];
	[bflag:$0x3] =	sbarrier.arrive $0xFFFF;
	s2 =	simm.s32 @!p0 $0x1C02  }
0x7e: {  	[timem:s3], [sflag:s2] =	dma.local @!p0 [hbm:s0], s1  }
0x7f: {  	s0 =	simm.s32 @!p0 $0x2  }
0x80: {  	_ =	swait.ge @!p0 [sflag:s0], s1  }
0x81: {  	s1 =	ssub.s32 @!p0 $0x0, s1;
	[sflag:s0] =	ssyncset.done @!p0 $0x0  }
0x82: {  	[sflag:s0] =	ssyncadd.s32 @!p0 s1  }
0x83: {  	[bflag:$0x3] =	sbarrier.arrive $0xFFFF  }
0x84: {  	_ =	shalt  }

// kernel: kernel.29.cloned.1.call-start
scs
__scs_entry_jumppad:
0x0: {  	(pc) =	sbr.rel $0x88, $3  }
0x1: {  	(tag) =	ssettag $0x0;
	lr =	simm.s32 $0x1  }
0x2: {  	[smem:$0x3F98] =	sst lr;
	_ =	strace $0xD0000000  }
0x3: {  	_ = 	snop  }
0x4: {  	_ = 	snop  }
0x5: {  	_ = 	snop  }
0x6: {  	_ = 	snop  }
0x7: {  	_ = 	snop  }
__scs_overlays_trampoline_lowered:
0x8: {  	[smem:$0x3FA7] =	sst s0  }
0x9: {  	[smem:$0x3FA8] =	sst s1  }
0xa: {  	[smem:$0x3FA9] =	sst s2  }
0xb: {  	[smem:$0x3FAA] =	sst s3  }
0xc: {  	[smem:$0x3FAB] =	sst s4  }
0xd: {  	[smem:$0x3FAC] =	sst s5  }
0xe: {  	[smem:$0x3FAD] =	sst s6  }
0xf: {  	[smem:$0x3FAE] =	sst s7  }
0x10: {  	[smem:$0x3FAF] =	sst s8  }
0x11: {  	[smem:$0x3FB0] =	sst s9;
	s0 =	simm.s32 @!p0 $0x0  }
0x12: {  	s1 =	sld [smem:$0x3F96];
	s0 =	simm.s32 @p0 $0x1  }
0x13: {  	[smem:$0x3FB1] =	sst s0;
	s0 =	simm.s32 @!p1 $0x0  }
0x14: {  	s2 =	sld [smem:$0x3F95];
	s0 =	simm.s32 @p1 $0x1  }
0x15: {  	[smem:$0x3FB2] =	sst s0;
	s0 =	simm.s32 @!p2 $0x0  }
0x16: {  	s3 =	sld [smem:$0x3FDB];
	s0 =	simm.s32 @p2 $0x1  }
0x17: {  	s4 =	simm.s32 $0x1BF5;
	[smem:$0x3FB4] =	sst s0  }
0x18: {  	s0 =	sld [smem:$0x3F97];
	_ =	swait.ge [sflag:s4], $0x0  }
0x19: {  	s7 =	sld [smem:$0x3F98]  }
0x1a: {  	s8 =	sadd.s32 $0xFFFFE003, lr  }
0x1b: {  	s9 =	sadd.s32 $0xFFFFFEF7, lr;
	s5 =	simm.s32 $0xFFFFFFFF;
	p2 =	slt.u32 s8, $0xFFFFF086  }
0x1c: {  	p1 =	slt.u32 s9, $0xF7A;
	s5 =	simm.s32 @!p2 $0x0  }
0x1d: {  	s5 =	simm.s32 @p1 $0x1;
	p0 =	seq.s32 s7, s2  }
0x1e: {  	s7 =	smul.u32 @!p0 $0xF7A, s2;
	p2 =	seq.s32 @!p0 s5, $0x0  }
0x1f: {  	s9 =	smul.u32 $0xF7A, s1;
	s8 =	simm.s32 @!p0 $0x1BF5;
	p2 =	por !p2, p0  }
0x20: {  	[sflag:s8] =	ssyncset.s32 @!p0 $0xFFFFF086;
	s6 =	sadd.s32 @!p0 s3, s7;
	s7 =	simm.s32 @!p0 $0x108  }
0x21: {  	s3 =	sadd.s32 s3, s9;
	s6 =	sadd.s32 @!p0 $0x88, s6;
	s7 =	simm.s32 @p2 $0x1082  }
0x22: {  	[simem:s7], [sflag:s8] =	dma.local @!p0 [hbm:s6], $0xF7A  }
0x23: {  	s9 =	sor.u32 $0xD0000000, s2;
	s6 =	simm.s32 $0x108;
	_ =	swait.ge @!p0 [sflag:s8], $0x0  }
0x24: {  	s3 =	sadd.s32 $0x88, s3;
	s6 =	simm.s32 @!p1 $0x1082;
	[sflag:s4] =	ssyncset.s32 $0xFFFFF086  }
0x25: {  	[simem:s6], [sflag:s4] =	dma.local [hbm:s3], $0xF7A  }
0x26: {  	[smem:$0x3F98] =	sst s1;
	(tag) =	ssettag s2;
	_ =	strace s9  }
0x27: {  	s1 =	sld [smem:$0x3FA8]  }
0x28: {  	s2 =	sld [smem:$0x3FA9]  }
0x29: {  	s4 =	sld [smem:$0x3FAB]  }
0x2a: {  	p0 =	seq.s32 s5, $0x0;
	s5 =	sld [smem:$0x3FAC]  }
0x2b: {  	s6 =	sld [smem:$0x3FAD]  }
0x2c: {  	s7 =	sld [smem:$0x3FAE]  }
0x2d: {  	s3 =	simm.s32 $0x108;
	s8 =	sld [smem:$0x3FAF]  }
0x2e: {  	s3 =	simm.s32 @!p0 $0x1082;
	s9 =	sld [smem:$0x3FB0]  }
0x2f: {  	lr =	sadd.s32 s0, s3;
	s0 =	sld [smem:$0x3FA7]  }
0x30: {  	s3 =	sld [smem:$0x3FAA]  }
0x31: {  	[smem:$0x3FB3] =	sst s10  }
0x32: {  	s10 =	sld [smem:$0x3FB1];
	_ =	sdelay $0x3  }
0x33: {  	p0 =	seq.s32 s10, $0x1;
	s10 =	sld [smem:$0x3FB3];
	_ =	sdelay $0x3  }
0x34: {  	[smem:$0x3FB3] =	sst s10  }
0x35: {  	s10 =	sld [smem:$0x3FB2];
	_ =	sdelay $0x3  }
0x36: {  	p1 =	seq.s32 s10, $0x1;
	s10 =	sld [smem:$0x3FB3];
	_ =	sdelay $0x3  }
0x37: {  	[smem:$0x3FB3] =	sst s10  }
0x38: {  	s10 =	sld [smem:$0x3FB4]  }
0x39: {  	_ = 	snop;
	(pc) =	sbr.ind lr, $3  }
0x3a: {  	_ = 	snop  }
0x3b: {  	_ = 	snop  }
0x3c: {  	p2 =	seq.s32 s10, $0x1;
	s10 =	sld [smem:$0x3FB3]  }
0x3d: {  	_ =	shalt  }
0x3e: {  	_ =	shalt  }
0x3f: {  	_ =	shalt  }
0x40: {  	_ =	shalt  }
0x41: {  	_ =	shalt  }
0x42: {  	_ =	shalt  }
0x43: {  	_ =	shalt  }
0x44: {  	_ =	shalt  }
0x45: {  	_ =	shalt  }
0x46: {  	_ =	shalt  }
0x47: {  	_ =	shalt  }
0x48: {  	_ =	shalt  }
0x49: {  	_ =	shalt  }
0x4a: {  	_ =	shalt  }
0x4b: {  	_ =	shalt  }
0x4c: {  	_ =	shalt  }
0x4d: {  	_ =	shalt  }
0x4e: {  	_ =	shalt  }
0x4f: {  	_ =	shalt  }
0x50: {  	_ =	shalt  }
0x51: {  	_ =	shalt  }
0x52: {  	_ =	shalt  }
0x53: {  	_ =	shalt  }
0x54: {  	_ =	shalt  }
0x55: {  	_ =	shalt  }
0x56: {  	_ =	shalt  }
0x57: {  	_ =	shalt  }
0x58: {  	_ =	shalt  }
0x59: {  	_ =	shalt  }
0x5a: {  	_ =	shalt  }
0x5b: {  	_ =	shalt  }
0x5c: {  	_ =	shalt  }
0x5d: {  	_ =	shalt  }
0x5e: {  	_ =	shalt  }
0x5f: {  	_ =	shalt  }
0x60: {  	_ =	shalt  }
0x61: {  	_ =	shalt  }
0x62: {  	_ =	shalt  }
0x63: {  	_ =	shalt  }
0x64: {  	_ =	shalt  }
0x65: {  	_ =	shalt  }
0x66: {  	_ =	shalt  }
0x67: {  	_ =	shalt  }
0x68: {  	_ =	shalt  }
0x69: {  	_ =	shalt  }
0x6a: {  	_ =	shalt  }
0x6b: {  	_ =	shalt  }
0x6c: {  	_ =	shalt  }
0x6d: {  	_ =	shalt  }
0x6e: {  	_ =	shalt  }
0x6f: {  	_ =	shalt  }
0x70: {  	_ =	shalt  }
0x71: {  	_ =	shalt  }
0x72: {  	_ =	shalt  }
0x73: {  	_ =	shalt  }
0x74: {  	_ =	shalt  }
0x75: {  	_ =	shalt  }
0x76: {  	_ =	shalt  }
0x77: {  	_ =	shalt  }
0x78: {  	_ =	shalt  }
0x79: {  	_ =	shalt  }
0x7a: {  	_ =	shalt  }
0x7b: {  	_ =	shalt  }
0x7c: {  	_ =	shalt  }
0x7d: {  	_ =	shalt  }
0x7e: {  	_ =	shalt  }
0x7f: {  	_ =	shalt  }
0x80: {  	_ =	shalt  }
0x81: {  	_ =	shalt  }
0x82: {  	_ =	shalt  }
0x83: {  	_ =	shalt  }
0x84: {  	_ =	shalt  }
0x85: {  	_ =	shalt  }
0x86: {  	_ =	shalt  }
0x87: {  	_ =	shalt  }
.Lfunc_end0:
.L_simem_size_0:
called_computation.5_lowered:
.L_overlay_start_0:
0x88: {  	s2 =	sld [smem:$0x3FD9]  }
0x89: {  	s3 =	sld [smem:$0x3FFE];
	_ =	sdelay $0x1  }
0x8a: {  	s1 =	srdreg.scid  }
0x8b: {  	s0 =	sand.u32 $0x1, s1  }
0x8c: {  	s16 =	sshll.u32 s0, $0xA;
	s2 =	sadd.s32 s3, s2  }
0x8d: {  	s2 =	sadd.s32 s2, s16  }
0x8e: {  	[smem:$0x3FBF] =	sst s2  }
0x8f: {  	_ = 	snop  }
0x90: {  	(tm) =	ssettm $0x1  }
0x91: {  	s17 =	sld [smem:$0x3FFB];
	_ =	sdelay $0x3  }
0x92: {  	_ =	strace s17  }
0x93: {  	s2 =	sld [smem:$0x3FFC];
	_ =	sdelay $0x3  }
0x94: {  	_ =	strace s2  }
0x95: {  	s2 =	sld [smem:$0x3FFD];
	_ =	sdelay $0x3  }
0x96: {  	_ =	strace s2  }
0x97: {  	_ =	strace $0x8FFFFFFF  }
0x98: {  	s18 =	sld [smem:$0x3FDB];
	_ =	sdelay $0x1  }
0x99: {  	s19 =	simm.s32 $_scs_section_size  }
0x9a: {  	s4 =	simm.s32 $_size__tile_overlayer_lowered;
	s5 =	simm.s32 $_tile_overlayer_lowered  }
0x9b: {  	s22 =	simm.s32 $0x1BFF;
	s21 =	sshll.u32 s5, $0x1;
	s2 =	sadd.s32 s19, s18  }
0x9c: {  	s6 =	simm.s32 $0x0;
	s20 =	sshll.u32 s4, $0x1;
	s4 =	sadd.s32 s21, s2  }
0x9d: {  	[timem:s6], [sflag:s22] =	dma.local [hbm:s4], s20  }
0x9e: {  	_ =	swait.ge [sflag:s22], s20  }
0x9f: {  	s3 =	ssub.s32 $0x0, s20;
	[sflag:s22] =	ssyncset.done $0x0  }
0xa0: {  	[sflag:s22] =	ssyncadd.s32 s3;
	_ =	sdelay $0x1  }
0xa1: {  	s23 =	simm.s32 $0x1B8B  }
0xa2: {  	_ =	swait.ge [sflag:s23], $0x1  }
0xa3: {  	[sflag:s23] =	ssyncset.done $0x0  }
0xa4: {  	s25 =	simm.s32 $0x1B8E;
	s24 =	sld [smem:$0x3FFE];
	[sflag:s23] =	ssyncadd.s32 $0xFFFFFFFF  }
0xa5: {  	s26 =	simm.s32 $execute0_lowered;
	[smem:$0x3FD2] =	sst s25  }
0xa6: {  	s4 =	sshll.u32 s26, $0x1;
	_ =	strace $0x80000055;
	[dreg:$0x1] =	wrdreg $0xFFFFFFFF  }
0xa7: {  	s28 =	simm.s32 $_size_execute0_lowered;
	s2 =	sadd.s32 s2, s4;
	[dreg:$0x0] =	wrdreg $0x0  }
0xa8: {  	s4 =	sshll.u32 s28, $0x1;
	[dreg:$0x2] =	wrdreg s2  }
0xa9: {  	[dreg:$0x3] =	wrdreg s4  }
0xaa: {  	[dreg:$0x4] =	wrdreg $0xC0  }
0xab: {  	_ =	task [dreg:s6], $0x5FFFF  }
0xac: {  	[dreg:$0x1] =	wrdreg $0xFFFFFFFF  }
0xad: {  	[dreg:$0x0] =	wrdreg $0x60  }
0xae: {  	[dreg:$0x2] =	wrdreg s24  }
0xaf: {  	[dreg:$0x3] =	wrdreg $0x9  }
0xb0: {  	_ =	task.clear_ibuf [dreg:s6], $0x4FFFF;
	_ =	strace $0x90000055  }
0xb1: {  	s29 =	simm.s32 $0x9;
	_ =	strace $0x80000057  }
0xb2: {  	_ =	swait.ge [sflag:s29], $0x1  }
0xb3: {  	[sflag:s29] =	ssyncadd.s32 $0xFFFFFFFF  }
0xb4: {  	_ =	strace $0x90000057  }
0xb5: {  	_ =	sfence  }
0xb6: {  	s30 =	sld [smem:$0x0];
	_ =	sdelay $0x2  }
0xb7: {  	s31 =	sshll.u32 s1, $0xD;
	s1 =	sshrl.u32 s1, $0x2  }
0xb8: {  	s3 =	sand.u32 $0x4000, s31;
	s1 =	sadd.s32 s1, s30  }
0xb9: {  	s0 =	sor.u32 s3, s0;
	s1 =	sshll.u32 s1, $0x11  }
0xba: {  	s0 =	sor.u32 s1, s0  }
0xbb: {  	s0 =	sadd.s32 $0x8F2B, s0  }
0xbc: {  	[sflag:s0] =	ssyncadd.remote.s32 $0x1  }
0xbd: {  	_ =	sfence.sel $0xFFFF  }
0xbe: {  	[dreg:$0x0] =	wrdreg $0xFFFFFFFF;
	(pc) =	sbr.abs _section_cstart, $3  }
0xbf: {  	[dreg:$0x1] =	wrdreg $0xFFFFFFFF  }
0xc0: {  	_ =	task.clear_ibuf [dreg:s6], $0x2FFFF;
	_ =	strace $0x9FFFFFFF  }
0xc1: {  	(tm) =	ssettm $0x7FFFFFFF  }
tec
execute0_lowered:
.L_overlay_start_1:
0x0: {  	(tag) =	ssettag $0x1  }
0x1: {  	s1 =	srdreg.scid  }
0x2: {  	s0 =	stileid.u32;
	s4 =	rddreg [dreg:$0x0];
	s19 =	simm.s32 $0x880  }
0x3: {  	s20 =	simm.s32 $0xC80;
	s21 =	simm.s32 $0x1480;
	s22 =	simm.s32 $0x1880  }
0x4: {  	s23 =	simm.s32 $0x2080;
	s24 =	simm.s32 $0x2480;
	s25 =	simm.s32 $0x2C80  }
0x5: {  	s26 =	simm.s32 $0x3080;
	s7 =	simm.s32 $0x80;
	s9 =	simm.s32 $0x3C80  }
0x6: {  	s10 =	simm.s32 $0x4480;
	s11 =	simm.s32 $0x4880;
	s1 =	sand.u32 $0x1, s1  }
0x7: {  	s12 =	simm.s32 $0x5080;
	s2 =	sshll.u32 s0, $0x5;
	s3 =	sshll.u32 s1, $0x4  }
0x8: {  	s13 =	simm.s32 $0x5480;
	s3 =	sor.u32 s3, s2;
	s2 =	simm.s32 $0x0  }
0x9: {  	s14 =	simm.s32 $0x5C80;
	s15 =	simm.s32 $0x6080;
	[smem:$0x7FF] =	sst s2  }
0xa: {  	s16 =	simm.s32 $0x6880;
	_ =	strace $0x80000056;
	[dreg:$0x4] =	wrdreg s19  }
0xb: {  	s17 =	simm.s32 $0x6C80;
	s28 =	simm.s32 $0xA880;
	[dreg:$0x5] =	wrdreg s20  }
0xc: {  	s29 =	simm.s32 $0xB080;
	s30 =	simm.s32 $0xB480;
	[dreg:$0x6] =	wrdreg s21  }
0xd: {  	s31 =	simm.s32 $0xBC80;
	s1 =	ssub.s32 $0x2, s1;
	[dreg:$0x7] =	wrdreg s22  }
0xe: {  	s6 =	sshrl.u32 s1, $0x1;
	s5 =	smul.u32 $0x180, s3;
	[dreg:$0x8] =	wrdreg s23  }
0xf: {  	s3 =	sadd.s32 s3, s4;
	s1 =	ssub.s32 s1, s6;
	[dreg:$0x9] =	wrdreg s24  }
0x10: {  	s6 =	simm.s32 $0x2;
	s3 =	sadd.s32 $0xBC600, s3;
	[dreg:$0xa] =	wrdreg s25  }
0x11: {  	[dreg:$0xb] =	wrdreg s26;
	s19 =	simm.s32 $0x7880;
	s20 =	simm.s32 $0x8080  }
0x12: {  	s21 =	simm.s32 $0x8480;
	s22 =	simm.s32 $0x8C80;
	s23 =	simm.s32 $0x9080  }
0x13: {  	s24 =	simm.s32 $0x9880;
	s25 =	simm.s32 $0x9C80;
	s26 =	simm.s32 $0xA480  }
0x14: {  	v2 =	vlaneseq.u32;
	s5 =	sadd.s32 s5, s4;
	[dreg:$0x2] =	wrdreg s3;
	s3 =	sadd.s32 $0xBC800, s4  }
0x15: {  	vm0 =	vmmov $0xffff;
	vm1 =	vmmov $0xff;
	v1 =	vshrl.u32 v2, $0x3;
	s4 =	sadd.s32 $0xBC900, s4;
	s18 =	sadd.s32 $0x13C00, s5;
	s5 =	smax.u32 s1, $0x1  }
0x16: {  	v0 =	vand.u32 $0x7, v2;
	v2 =	vor.u32 $0x8, v2;
	v1 =	vmul.u32 $0x8, v1;
	s1 =	simm.s32 $0x1;
	[dreg:$0x3] =	wrdreg s18;
	s18 =	simm.s32 $0x7480  }
.LBB2_1:
0x17: {  	s0 =	rddreg [dreg:$0x2]  }
0x18: {  	[tilespmem:s2], [sflag:$0x2] =	stream.linear.gather [hbm4b:s0+s2], $0x80, $0x38;
	[tilespmem:$0xC080] =	vst v63  }
0x19: {  	_ =	swait.ge [sflag:s6], $0x80  }
0x1a: {  	[sflag:s6] =	ssyncset.done $0x0  }
0x1b: {  	[sflag:s6] =	ssyncadd.s32 $0xFFFFFF80  }
0x1c: {  	v3 =	vld [tilespmem:$0x0];
	_ =	sdelay $0x4  }
0x1d: {  	v4 =	vshrl.u32 v3, $0x3  }
0x1e: {  	v4 =	vmul.u32 $0x18, v4  }
0x1f: {  	v3 =	vand.u32 $0x7, v3  }
0x20: {  	v3 =	vor.u32 v3, v4  }
0x21: {  	v4 =	vperm.xlane v3, v0;
	_ =	sdelay $0x1  }
0x22: {  	v4 =	vadd.s32 v1, v4;
	_ =	sdelay $0x1  }
0x23: {  	v3 =	vperm.xlane v3, v2;
	_ =	sdelay $0x1  }
0x24: {  	v3 =	vadd.s32 v1, v3  }
0x25: {  	[tilespmem:s7], [sflag:$0x1] =	stream.indirect_vreg.gather [hbm4b:s3+s2], $0x80, v4, vm0, $0xb8;
	[tilespmem:$0xC080] =	vst v63  }
0x26: {  	s0 =	rddreg [dreg:$0x4]  }
0x27: {  	[tilespmem:s0], [sflag:$0x1] =	stream.indirect_vreg.gather [hbm4b:s4+s2], $0x80, v4, vm1, $0xb8;
	[tilespmem:$0xC080] =	vst v63  }
0x28: {  	s8 =	rddreg [dreg:$0x5]  }
0x29: {  	[tilespmem:s8], [sflag:$0x1] =	stream.indirect_vreg.gather [hbm4b:s3+s2], $0x80, v3, vm0, $0xb8;
	[tilespmem:$0xC080] =	vst v63  }
0x2a: {  	s0 =	rddreg [dreg:$0x6]  }
0x2b: {  	[tilespmem:s0], [sflag:$0x1] =	stream.indirect_vreg.gather [hbm4b:s4+s2], $0x80, v3, vm1, $0xb8;
	[tilespmem:$0xC080] =	vst v63  }
0x2c: {  	v3 =	vld [tilespmem:$0x10];
	_ =	sdelay $0x4  }
0x2d: {  	v57 =	vshrl.u32 v3, $0x3  }
0x2e: {  	v4 =	vmul.u32 $0x18, v57  }
0x2f: {  	v3 =	vand.u32 $0x7, v3  }
0x30: {  	v3 =	vor.u32 v3, v4  }
0x31: {  	v4 =	vperm.xlane v3, v0;
	_ =	sdelay $0x1  }
0x32: {  	v4 =	vadd.s32 v1, v4;
	_ =	sdelay $0x1  }
0x33: {  	v3 =	vperm.xlane v3, v2;
	_ =	sdelay $0x1  }
0x34: {  	s0 =	rddreg [dreg:$0x7];
	v3 =	vadd.s32 v1, v3  }
0x35: {  	[tilespmem:s0], [sflag:$0x1] =	stream.indirect_vreg.gather [hbm4b:s3+s2], $0x80, v4, vm0, $0xb8;
	[tilespmem:$0xC080] =	vst v63  }
0x36: {  	s8 =	rddreg [dreg:$0x8]  }
0x37: {  	[tilespmem:s8], [sflag:$0x1] =	stream.indirect_vreg.gather [hbm4b:s4+s2], $0x80, v4, vm1, $0xb8;
	[tilespmem:$0xC080] =	vst v63  }
0x38: {  	s0 =	rddreg [dreg:$0x9]  }
0x39: {  	[tilespmem:s0], [sflag:$0x1] =	stream.indirect_vreg.gather [hbm4b:s3+s2], $0x80, v3, vm0, $0xb8;
	[tilespmem:$0xC080] =	vst v63  }
0x3a: {  	s8 =	rddreg [dreg:$0xa]  }
0x3b: {  	[tilespmem:s8], [sflag:$0x1] =	stream.indirect_vreg.gather [hbm4b:s4+s2], $0x80, v3, vm1, $0xb8;
	[tilespmem:$0xC080] =	vst v63  }
0x3c: {  	v3 =	vld [tilespmem:$0x20];
	_ =	sdelay $0x4  }
0x3d: {  	v58 =	vshrl.u32 v3, $0x3  }
0x3e: {  	v4 =	vmul.u32 $0x18, v58  }
0x3f: {  	v3 =	vand.u32 $0x7, v3  }
0x40: {  	v3 =	vor.u32 v3, v4  }
0x41: {  	v4 =	vperm.xlane v3, v0;
	_ =	sdelay $0x1  }
0x42: {  	v4 =	vadd.s32 v1, v4;
	_ =	sdelay $0x1  }
0x43: {  	v3 =	vperm.xlane v3, v2;
	_ =	sdelay $0x1  }
0x44: {  	s8 =	rddreg [dreg:$0xb];
	v3 =	vadd.s32 v1, v3  }
0x45: {  	[tilespmem:s8], [sflag:$0x1] =	stream.indirect_vreg.gather [hbm4b:s3+s2], $0x80, v4, vm0, $0xb8;
	[tilespmem:$0xC080] =	vst v63  }
0x46: {  	s8 =	simm.s32 $0x3880  }
0x47: {  	[tilespmem:s8], [sflag:$0x1] =	stream.indirect_vreg.gather [hbm4b:s4+s2], $0x80, v4, vm1, $0xb8;
	[tilespmem:$0xC080] =	vst v63  }
0x48: {  	_ = 	snop  }
0x49: {  	[tilespmem:s9], [sflag:$0x1] =	stream.indirect_vreg.gather [hbm4b:s3+s2], $0x80, v3, vm0, $0xb8;
	[tilespmem:$0xC080] =	vst v63  }
0x4a: {  	_ = 	snop  }
0x4b: {  	[tilespmem:s10], [sflag:$0x1] =	stream.indirect_vreg.gather [hbm4b:s4+s2], $0x80, v3, vm1, $0xb8;
	[tilespmem:$0xC080] =	vst v63  }
0x4c: {  	v3 =	vld [tilespmem:$0x30];
	_ =	sdelay $0x4  }
0x4d: {  	v59 =	vshrl.u32 v3, $0x3  }
0x4e: {  	v4 =	vmul.u32 $0x18, v59  }
0x4f: {  	v3 =	vand.u32 $0x7, v3  }
0x50: {  	v3 =	vor.u32 v3, v4  }
0x51: {  	v4 =	vperm.xlane v3, v0;
	_ =	sdelay $0x1  }
0x52: {  	v4 =	vadd.s32 v1, v4;
	_ =	sdelay $0x1  }
0x53: {  	v3 =	vperm.xlane v3, v2;
	_ =	sdelay $0x1  }
0x54: {  	v3 =	vadd.s32 v1, v3  }
0x55: {  	[tilespmem:s11], [sflag:$0x1] =	stream.indirect_vreg.gather [hbm4b:s3+s2], $0x80, v4, vm0, $0xb8;
	[tilespmem:$0xC080] =	vst v63  }
0x56: {  	_ = 	snop  }
0x57: {  	[tilespmem:s12], [sflag:$0x1] =	stream.indirect_vreg.gather [hbm4b:s4+s2], $0x80, v4, vm1, $0xb8;
	[tilespmem:$0xC080] =	vst v63  }
0x58: {  	_ = 	snop  }
0x59: {  	[tilespmem:s13], [sflag:$0x1] =	stream.indirect_vreg.gather [hbm4b:s3+s2], $0x80, v3, vm0, $0xb8;
	[tilespmem:$0xC080] =	vst v63  }
0x5a: {  	_ = 	snop  }
0x5b: {  	[tilespmem:s14], [sflag:$0x1] =	stream.indirect_vreg.gather [hbm4b:s4+s2], $0x80, v3, vm1, $0xb8;
	[tilespmem:$0xC080] =	vst v63  }
0x5c: {  	v3 =	vld [tilespmem:$0x40];
	_ =	sdelay $0x4  }
0x5d: {  	v60 =	vshrl.u32 v3, $0x3  }
0x5e: {  	v4 =	vmul.u32 $0x18, v60  }
0x5f: {  	v3 =	vand.u32 $0x7, v3  }
0x60: {  	v3 =	vor.u32 v3, v4  }
0x61: {  	v4 =	vperm.xlane v3, v0;
	_ =	sdelay $0x1  }
0x62: {  	v4 =	vadd.s32 v1, v4;
	_ =	sdelay $0x1  }
0x63: {  	v3 =	vperm.xlane v3, v2;
	_ =	sdelay $0x1  }
0x64: {  	v3 =	vadd.s32 v1, v3  }
0x65: {  	[tilespmem:s15], [sflag:$0x1] =	stream.indirect_vreg.gather [hbm4b:s3+s2], $0x80, v4, vm0, $0xb8;
	[tilespmem:$0xC080] =	vst v63  }
0x66: {  	_ = 	snop  }
0x67: {  	[tilespmem:s16], [sflag:$0x1] =	stream.indirect_vreg.gather [hbm4b:s4+s2], $0x80, v4, vm1, $0xb8;
	[tilespmem:$0xC080] =	vst v63  }
0x68: {  	_ = 	snop  }
0x69: {  	[tilespmem:s17], [sflag:$0x1] =	stream.indirect_vreg.gather [hbm4b:s3+s2], $0x80, v3, vm0, $0xb8;
	[tilespmem:$0xC080] =	vst v63  }
0x6a: {  	_ = 	snop  }
0x6b: {  	[tilespmem:s18], [sflag:$0x1] =	stream.indirect_vreg.gather [hbm4b:s4+s2], $0x80, v3, vm1, $0xb8;
	[tilespmem:$0xC080] =	vst v63  }
0x6c: {  	v3 =	vld [tilespmem:$0x50];
	_ =	sdelay $0x4  }
0x6d: {  	v61 =	vshrl.u32 v3, $0x3  }
0x6e: {  	v4 =	vmul.u32 $0x18, v61  }
0x6f: {  	v3 =	vand.u32 $0x7, v3  }
0x70: {  	v3 =	vor.u32 v3, v4  }
0x71: {  	v4 =	vperm.xlane v3, v0;
	_ =	sdelay $0x1  }
0x72: {  	v4 =	vadd.s32 v1, v4;
	_ =	sdelay $0x1  }
0x73: {  	v3 =	vperm.xlane v3, v2;
	_ =	sdelay $0x1  }
0x74: {  	v3 =	vadd.s32 v1, v3  }
0x75: {  	[tilespmem:s19], [sflag:$0x1] =	stream.indirect_vreg.gather [hbm4b:s3+s2], $0x80, v4, vm0, $0xb8;
	[tilespmem:$0xC080] =	vst v63  }
0x76: {  	_ = 	snop  }
0x77: {  	[tilespmem:s20], [sflag:$0x1] =	stream.indirect_vreg.gather [hbm4b:s4+s2], $0x80, v4, vm1, $0xb8;
	[tilespmem:$0xC080] =	vst v63  }
0x78: {  	_ = 	snop  }
0x79: {  	[tilespmem:s21], [sflag:$0x1] =	stream.indirect_vreg.gather [hbm4b:s3+s2], $0x80, v3, vm0, $0xb8;
	[tilespmem:$0xC080] =	vst v63  }
0x7a: {  	_ = 	snop  }
0x7b: {  	[tilespmem:s22], [sflag:$0x1] =	stream.indirect_vreg.gather [hbm4b:s4+s2], $0x80, v3, vm1, $0xb8;
	[tilespmem:$0xC080] =	vst v63  }
0x7c: {  	v3 =	vld [tilespmem:$0x60];
	_ =	sdelay $0x4  }
0x7d: {  	v62 =	vshrl.u32 v3, $0x3  }
0x7e: {  	v4 =	vmul.u32 $0x18, v62  }
0x7f: {  	v3 =	vand.u32 $0x7, v3  }
0x80: {  	v3 =	vor.u32 v3, v4  }
0x81: {  	v4 =	vperm.xlane v3, v0;
	_ =	sdelay $0x1  }
0x82: {  	v4 =	vadd.s32 v1, v4;
	_ =	sdelay $0x1  }
0x83: {  	v3 =	vperm.xlane v3, v2;
	_ =	sdelay $0x1  }
0x84: {  	v3 =	vadd.s32 v1, v3  }
0x85: {  	[tilespmem:s23], [sflag:$0x1] =	stream.indirect_vreg.gather [hbm4b:s3+s2], $0x80, v4, vm0, $0xb8;
	[tilespmem:$0xC080] =	vst v63  }
0x86: {  	_ = 	snop  }
0x87: {  	[tilespmem:s24], [sflag:$0x1] =	stream.indirect_vreg.gather [hbm4b:s4+s2], $0x80, v4, vm1, $0xb8;
	[tilespmem:$0xC080] =	vst v63  }
0x88: {  	_ = 	snop  }
0x89: {  	[tilespmem:s25], [sflag:$0x1] =	stream.indirect_vreg.gather [hbm4b:s3+s2], $0x80, v3, vm0, $0xb8;
	[tilespmem:$0xC080] =	vst v63  }
0x8a: {  	_ = 	snop  }
0x8b: {  	[tilespmem:s26], [sflag:$0x1] =	stream.indirect_vreg.gather [hbm4b:s4+s2], $0x80, v3, vm1, $0xb8;
	[tilespmem:$0xC080] =	vst v63  }
0x8c: {  	v3 =	vld [tilespmem:$0x70];
	_ =	sdelay $0x4  }
0x8d: {  	v63 =	vshrl.u32 v3, $0x3  }
0x8e: {  	v4 =	vmul.u32 $0x18, v63  }
0x8f: {  	v3 =	vand.u32 $0x7, v3  }
0x90: {  	v3 =	vor.u32 v3, v4  }
0x91: {  	v4 =	vperm.xlane v3, v0;
	_ =	sdelay $0x1  }
0x92: {  	v4 =	vadd.s32 v1, v4;
	_ =	sdelay $0x1  }
0x93: {  	v3 =	vperm.xlane v3, v2;
	_ =	sdelay $0x1  }
0x94: {  	v3 =	vadd.s32 v1, v3  }
0x95: {  	[tilespmem:s28], [sflag:$0x1] =	stream.indirect_vreg.gather [hbm4b:s3+s2], $0x80, v4, vm0, $0xb8;
	[tilespmem:$0xC080] =	vst v63  }
0x96: {  	_ = 	snop  }
0x97: {  	[tilespmem:s29], [sflag:$0x1] =	stream.indirect_vreg.gather [hbm4b:s4+s2], $0x80, v4, vm1, $0xb8;
	[tilespmem:$0xC080] =	vst v63  }
0x98: {  	_ = 	snop  }
0x99: {  	[tilespmem:s30], [sflag:$0x1] =	stream.indirect_vreg.gather [hbm4b:s3+s2], $0x80, v3, vm0, $0xb8;
	[tilespmem:$0xC080] =	vst v63  }
0x9a: {  	_ = 	snop  }
0x9b: {  	[tilespmem:s31], [sflag:$0x1] =	stream.indirect_vreg.gather [hbm4b:s4+s2], $0x80, v3, vm1, $0xb8;
	[tilespmem:$0xC080] =	vst v63  }
0x9c: {  	_ =	swait.ge [sflag:s1], $0xC000  }
0x9d: {  	p0 =	sne.s32 s5, $0x1;
	[sflag:s1] =	ssyncset.done $0x0  }
.Ltmp0:
0x9e: {  	s8 =	rddreg [dreg:$0x3];
	[sflag:s1] =	ssyncadd.s32 $0xFFFF4000;
	(pc) =	sbr.rel @p0 .LBB2_1-.Ltmp0, $4  }
0x9f: {  	[hbm4b:s8+s2] =	stream.linear.scatter [tilespmem:s7], [sflag:$0x2], $0xC000, $0x38;
	[tilespmem:$0xC080] =	vst v63  }
0xa0: {  	_ =	swait.ge [sflag:s6], $0xC000  }
0xa1: {  	[sflag:s6] =	ssyncset.done $0x0  }
0xa2: {  	s5 =	sadd.s32 $0xFFFFFFFF, s5;
	[sflag:s6] =	ssyncadd.s32 $0xFFFF4000  }
0xa3: {  	_ =	sfence.sel $0x180000  }
0xa4: {  	[bflag:$0x0] =	sbarrier.arrive $0xFFFF  }
0xa5: {  	_ =	strace $0x90000056  }
0xa6: {  	s0 =	stileid.u32;
	[bflag:$0x2] =	sbarrier.arrive $0xFFFF  }
0xa7: {  	p0 =	sne.s32 s0, $0x0;
	s0 =	rddreg [dreg:$0x1]  }
0xa8: {  	s0 =	sadd.s32 @!p0 $0x100000, s0  }
0xa9: {  	[sflag:s0] =	ssyncadd.tile.s32 @!p0 $0x1;
	_ =	shalt  }
.Lfunc_end2:
_tile_overlayer_lowered:
.L_overlay_start_2:
0xaa: {  	(tag) =	ssettag $0x2  }
0xab: {  	s0 =	rddreg [dreg:$0x0];
	s2 =	stileid.u32  }
0xac: {  	s1 =	rddreg [dreg:$0x1];
	p0 =	sne.s32 s2, $0x0  }
0xad: {  	s3 =	rddreg [dreg:$0x2];
	[bflag:$0x3] =	sbarrier.arrive $0xFFFF;
	s2 =	simm.s32 @!p0 $0x1C02  }
0xae: {  	[timem:s3], [sflag:s2] =	dma.local @!p0 [hbm:s0], s1  }
0xaf: {  	s0 =	simm.s32 @!p0 $0x2  }
0xb0: {  	_ =	swait.ge @!p0 [sflag:s0], s1  }
0xb1: {  	s1 =	ssub.s32 @!p0 $0x0, s1;
	[sflag:s0] =	ssyncset.done @!p0 $0x0  }
0xb2: {  	[sflag:s0] =	ssyncadd.s32 @!p0 s1  }
0xb3: {  	[bflag:$0x3] =	sbarrier.arrive $0xFFFF  }
0xb4: {  	_ =	shalt  }

</sc_bundles>
